<compile_context>
chip_gen: v7x
topology: tpu7x:2x2x1
jax: 0.10.2.dev20260603
libtpu: 0.0.44.dev20260713+nightly
codegen_flags: <defaults>
</compile_context>

<pallas_src>
import functools

import jax
import jax.numpy as jnp
from jax import lax
from jax.experimental import pallas as pl
from jax.experimental.pallas import tpu as pltpu
from jax.experimental.pallas import tpu_sc as plsc

_ROWS = 16384
_LANES = 128
_BR = 2048
_NB_TC = 5
_R0 = _NB_TC * _BR

_NW = 32
_PR = 32
_PIECE = _PR * _LANES
_SC_ROWS = _ROWS - _R0
_WROWS = _SC_ROWS // 16
_NPIECES = _WROWS // _PR


def _tc_kernel(pred_ref, dose_ref, mask_ref, ptv_ref, oar_ref,
               out_ref, s_ref, mx_ref, mn_ref):
    b = pl.program_id(0)
    r = pl.program_id(1)

    @pl.when(jnp.logical_and(b == 0, r == 0))
    def _init():
        s_ref[...] = jnp.zeros_like(s_ref)
        mx_ref[...] = jnp.full_like(mx_ref, -jnp.inf)
        mn_ref[...] = jnp.full_like(mn_ref, jnp.inf)

    pred = pred_ref[0]
    dose = dose_ref[0, 0]
    mask = mask_ref[0, 0]
    ptv = ptv_ref[0]

    mb = mask > 0.0
    m = mb.astype(jnp.float32)
    mp = (ptv > 0.0).astype(jnp.float32)
    oar_sum = jnp.sum(oar_ref[0], axis=0)
    mo = (oar_sum > 0.0).astype(jnp.float32)

    d = jnp.abs(pred - dose)

    def tile_sum(x):
        return jnp.sum(x.reshape(_BR // 8, 8, _LANES), axis=0)

    s_ref[0] += tile_sum(d * m)
    s_ref[1] += tile_sum(m)
    s_ref[2] += tile_sum(d * mp)
    s_ref[3] += tile_sum(mp)
    s_ref[4] += tile_sum(d * mo)
    s_ref[5] += tile_sum(mo)

    neg_inf = jnp.float32(-jnp.inf)
    pos_inf = jnp.float32(jnp.inf)

    def tile_max(x):
        return jnp.max(x.reshape(_BR // 8, 8, _LANES), axis=0)

    def tile_min(x):
        return jnp.min(x.reshape(_BR // 8, 8, _LANES), axis=0)

    mx_ref[0] = jnp.maximum(mx_ref[0], tile_max(jnp.where(mb, dose, neg_inf)))
    mx_ref[1] = jnp.maximum(mx_ref[1], tile_max(jnp.where(mb, pred, neg_inf)))
    mn_ref[0] = jnp.minimum(mn_ref[0], tile_min(jnp.where(mb, dose, pos_inf)))
    mn_ref[1] = jnp.minimum(mn_ref[1], tile_min(jnp.where(mb, pred, pos_inf)))

    @pl.when(jnp.logical_and(b == pl.num_programs(0) - 1,
                             r == pl.num_programs(1) - 1))
    def _finalize():
        for q in range(6):
            out_ref[q] = jnp.sum(s_ref[q])
        out_ref[6] = jnp.max(mx_ref[0])
        out_ref[7] = jnp.max(mx_ref[1])
        out_ref[8] = jnp.min(mn_ref[0])
        out_ref[9] = jnp.min(mn_ref[1])


def _tc_partials(pred3, gt4, ptv3, oar4):
    return pl.pallas_call(
        _tc_kernel,
        grid=(2, _NB_TC),
        in_specs=[
            pl.BlockSpec((1, _BR, _LANES), lambda b, r: (b, r, 0)),
            pl.BlockSpec((1, 1, _BR, _LANES), lambda b, r: (0, b, r, 0)),
            pl.BlockSpec((1, 1, _BR, _LANES), lambda b, r: (1, b, r, 0)),
            pl.BlockSpec((1, _BR, _LANES), lambda b, r: (b, r, 0)),
            pl.BlockSpec((1, 7, _BR, _LANES), lambda b, r: (b, 0, r, 0)),
        ],
        out_specs=pl.BlockSpec(memory_space=pltpu.SMEM),
        out_shape=jax.ShapeDtypeStruct((10,), jnp.float32),
        scratch_shapes=[
            pltpu.VMEM((6, 8, _LANES), jnp.float32),
            pltpu.VMEM((2, 8, _LANES), jnp.float32),
            pltpu.VMEM((2, 8, _LANES), jnp.float32),
        ],
    )(pred3, gt4, gt4, ptv3, oar4)


def _sc_body(pred_hbm, gt_hbm, ptv_hbm, oar_hbm, out_hbm,
             bp, bd, bm, bt, bo, bout, sem0, sem1):
    wid = lax.axis_index("s") * 2 + lax.axis_index("c")
    b = wid // 16
    wsub = wid % 16
    row0 = _R0 + wsub * _WROWS

    sems = (sem0, sem1)

    def piece_copies(p, slot):
        off = row0 + p * _PR
        base = (b * _ROWS + off) * _LANES
        sem = sems[slot]
        cps = [
            pltpu.make_async_copy(pred_hbm.at[pl.ds(base, _PIECE)],
                                  bp.at[pl.ds(slot * _PIECE, _PIECE)], sem),
            pltpu.make_async_copy(gt_hbm.at[pl.ds(base, _PIECE)],
                                  bd.at[pl.ds(slot * _PIECE, _PIECE)], sem),
            pltpu.make_async_copy(
                gt_hbm.at[pl.ds(base + 2 * _ROWS * _LANES, _PIECE)],
                bm.at[pl.ds(slot * _PIECE, _PIECE)], sem),
            pltpu.make_async_copy(ptv_hbm.at[pl.ds(base, _PIECE)],
                                  bt.at[pl.ds(slot * _PIECE, _PIECE)], sem),
        ]
        for c in range(7):
            oar_base = ((b * 7 + c) * _ROWS + off) * _LANES
            cps.append(pltpu.make_async_copy(
                oar_hbm.at[pl.ds(oar_base, _PIECE)],
                bo.at[pl.ds((slot * 7 + c) * _PIECE, _PIECE)], sem))
        return cps

    def issue(p, slot):
        for cp in piece_copies(p, slot):
            cp.start()

    def drain(p, slot):
        for cp in piece_copies(p, slot):
            cp.wait()

    def compute(slot, accs):
        def vec_body(j, accs):
            (s1, c1, s2, c2, s3, c3, mxd, mxp, mnd, mnp) = accs
            o = slot * _PIECE + j * 16
            sl = pl.ds(o, 16)
            pv = bp[sl]
            dv = bd[sl]
            mb = bm[sl] > 0.0
            tb = bt[sl] > 0.0
            oo = slot * 7 * _PIECE + j * 16
            ov = bo[pl.ds(oo, 16)] + bo[pl.ds(oo + _PIECE, 16)] \
                + bo[pl.ds(oo + 2 * _PIECE, 16)] + bo[pl.ds(oo + 3 * _PIECE, 16)] \
                + bo[pl.ds(oo + 4 * _PIECE, 16)] + bo[pl.ds(oo + 5 * _PIECE, 16)] \
                + bo[pl.ds(oo + 6 * _PIECE, 16)]
            ob = ov > 0.0

            d = jnp.abs(pv - dv)
            one = jnp.full((16,), 1.0, jnp.float32)
            zz = jnp.zeros((16,), jnp.float32)

            s1 = s1 + jnp.where(mb, d, zz)
            c1 = c1 + jnp.where(mb, one, zz)
            s2 = s2 + jnp.where(tb, d, zz)
            c2 = c2 + jnp.where(tb, one, zz)
            s3 = s3 + jnp.where(ob, d, zz)
            c3 = c3 + jnp.where(ob, one, zz)

            ninf = jnp.full((16,), -jnp.inf, jnp.float32)
            pinf = jnp.full((16,), jnp.inf, jnp.float32)
            mxd = jnp.maximum(mxd, jnp.where(mb, dv, ninf))
            mxp = jnp.maximum(mxp, jnp.where(mb, pv, ninf))
            mnd = jnp.minimum(mnd, jnp.where(mb, dv, pinf))
            mnp = jnp.minimum(mnp, jnp.where(mb, pv, pinf))
            return (s1, c1, s2, c2, s3, c3, mxd, mxp, mnd, mnp)

        return lax.fori_loop(0, _PIECE // 16, vec_body, accs, unroll=2)

    zero = jnp.zeros((16,), jnp.float32)
    accs = (zero, zero, zero, zero, zero, zero,
            jnp.full((16,), -jnp.inf, jnp.float32),
            jnp.full((16,), -jnp.inf, jnp.float32),
            jnp.full((16,), jnp.inf, jnp.float32),
            jnp.full((16,), jnp.inf, jnp.float32))

    issue(0, 0)

    def pair_body(p2, accs):
        p = 2 * p2
        issue(p + 1, 1)
        drain(p, 0)
        accs = compute(0, accs)

        @pl.when(p2 < _NPIECES // 2 - 1)
        def _():
            issue(p + 2, 0)

        drain(p + 1, 1)
        return compute(1, accs)

    accs = lax.fori_loop(0, _NPIECES // 2, pair_body, accs)

    for q in range(10):
        bout[q] = accs[q]
    pltpu.sync_copy(bout, out_hbm.at[wid])


def _sc_partials(pred_flat, gt_flat, ptv_flat, oar_flat):
    mesh = plsc.VectorSubcoreMesh(core_axis_name="c", subcore_axis_name="s")
    scratch = [
        pltpu.VMEM((2 * _PIECE,), jnp.float32),
        pltpu.VMEM((2 * _PIECE,), jnp.float32),
        pltpu.VMEM((2 * _PIECE,), jnp.float32),
        pltpu.VMEM((2 * _PIECE,), jnp.float32),
        pltpu.VMEM((2 * 7 * _PIECE,), jnp.float32),
        pltpu.VMEM((10, 16), jnp.float32),
        pltpu.SemaphoreType.DMA,
        pltpu.SemaphoreType.DMA,
    ]
    fn = pl.kernel(
        _sc_body,
        mesh=mesh,
        out_type=jax.ShapeDtypeStruct((_NW, 10, 16), jnp.float32),
        scratch_types=scratch,
    )
    return fn(pred_flat, gt_flat, ptv_flat, oar_flat)


@jax.jit
def kernel(pred, gt, PTVs, OAR, max_dose_weight, min_dose_weight, PTV_weight):
    pred3 = pred.reshape(2, _ROWS, _LANES)
    gt4 = gt.reshape(2, 2, _ROWS, _LANES)
    ptv3 = PTVs.reshape(2, _ROWS, _LANES)
    oar4 = OAR.reshape(2, 7, _ROWS, _LANES)

    tc = _tc_partials(pred3, gt4, ptv3, oar4)
    sc = _sc_partials(pred.reshape(-1), gt.reshape(-1),
                      PTVs.reshape(-1), OAR.reshape(-1))

    s1 = tc[0] + jnp.sum(sc[:, 0, :])
    c1 = tc[1] + jnp.sum(sc[:, 1, :])
    s2 = tc[2] + jnp.sum(sc[:, 2, :])
    c2 = tc[3] + jnp.sum(sc[:, 3, :])
    s3 = tc[4] + jnp.sum(sc[:, 4, :])
    c3 = tc[5] + jnp.sum(sc[:, 5, :])
    dose_max = jnp.maximum(tc[6], jnp.max(sc[:, 6, :]))
    pred_max = jnp.maximum(tc[7], jnp.max(sc[:, 7, :]))
    dose_min = jnp.minimum(tc[8], jnp.min(sc[:, 8, :]))
    pred_min = jnp.minimum(tc[9], jnp.min(sc[:, 9, :]))

    max_pen = jnp.maximum(pred_max - dose_max, 0.0) ** 2
    min_pen = jnp.maximum(dose_min - pred_min, 0.0) ** 2
    return (s1 / c1
            + PTV_weight * (s2 / c2)
            + s3 / c3
            + max_dose_weight * max_pen
            + min_dose_weight * min_pen)

# --- scband reference (transcript-rebuilt; emitter-appended) ---
"""Pipeline reference for scband-loss-dc-ptv1-13374528159802 (READ-ONLY COPY).

The authoritative reference and input builder live on the scoring server;
editing this copy changes nothing except your own understanding.
"""

import jax, jax.numpy as jnp
import numpy as np


def setup_inputs(seed: int = 0) -> dict:
    key = jax.random.key(seed)
    k1, k2, k3, k4 = jax.random.split(key, 4)
    pred = jax.random.uniform(k1, (2, 1, 128, 128, 128), dtype=jnp.float32)
    gt = jax.random.uniform(k2, (2, 2, 1, 128, 128, 128), dtype=jnp.float32)
    PTVs = jax.random.randint(k3, (2, 1, 128, 128, 128), 0, 2).astype(jnp.float32)
    OAR = jax.random.randint(k4, (2, 7, 128, 128, 128), 0, 2).astype(jnp.float32)
    max_dose_weight = jnp.array(1.0, dtype=jnp.float32)
    min_dose_weight = jnp.array(1.0, dtype=jnp.float32)
    PTV_weight = jnp.array(1.0, dtype=jnp.float32)
    return {
        'pred': pred,
        'gt': gt,
        'PTVs': PTVs,
        'OAR': OAR,
        'max_dose_weight': max_dose_weight,
        'min_dose_weight': min_dose_weight,
        'PTV_weight': PTV_weight,
    }


def _masked_l1_mean(pred, gt_dose, mask_bool):
    m = mask_bool.astype(jnp.float32)
    return jnp.sum(jnp.abs(pred - gt_dose) * m) / jnp.sum(m)


def reference(pred, gt, PTVs, OAR, max_dose_weight, min_dose_weight, PTV_weight):
    gt_dose = gt[0]
    possible_dose_mask = gt[1]

    m = possible_dose_mask > 0
    L1_loss = _masked_l1_mean(pred, gt_dose, m)

    m_ptv = PTVs > 0
    PTV_Loss = PTV_weight * _masked_l1_mean(pred, gt_dose, m_ptv)

    combined_OAR_mask = (jnp.sum(OAR, axis=1) > 0)[:, None]  # unsqueeze(1)
    OAR_Loss = _masked_l1_mean(pred, gt_dose, combined_OAR_mask)

    # masked max/min (equivalent to tensor[mask].max()/min() in torch)
    max_dose_limit = jnp.max(jnp.where(m, gt_dose, -jnp.inf))
    min_dose_limit = jnp.min(jnp.where(m, gt_dose, jnp.inf))
    pred_max = jnp.max(jnp.where(m, pred, -jnp.inf))
    pred_min = jnp.min(jnp.where(m, pred, jnp.inf))

    max_dose_penalty = jnp.clip(pred_max - max_dose_limit, 0.0, None) ** 2
    min_dose_penalty = jnp.clip(min_dose_limit - pred_min, 0.0, None) ** 2
    dose_constraint_loss = max_dose_weight * max_dose_penalty + min_dose_weight * min_dose_penalty

    total_loss = L1_loss + PTV_Loss + OAR_Loss + dose_constraint_loss
    return total_loss

if __name__ == "__main__":
    import jax
    _d = setup_inputs()
    print(jax.jit(kernel)(*tuple(_d.values())))

</pallas_src>

<mosaic_0001>
#map = affine_map<(d0, d1) -> (0)>
#map1 = affine_map<(d0, d1) -> (0, 0, 0)>
module attributes {stable_mosaic.version = 14 : i64} {
  func.func @_sc_body(%arg0: i32, %arg1: i32, %arg2: memref<4194304xf32, #tpu.memory_space<hbm>>, %arg3: memref<8388608xf32, #tpu.memory_space<hbm>>, %arg4: memref<4194304xf32, #tpu.memory_space<hbm>>, %arg5: memref<29360128xf32, #tpu.memory_space<hbm>>, %arg6: memref<32x10x16xf32, #tpu.memory_space<hbm>>, %arg7: memref<8192xf32, #tpu.memory_space<vmem>>, %arg8: memref<8192xf32, #tpu.memory_space<vmem>>, %arg9: memref<8192xf32, #tpu.memory_space<vmem>>, %arg10: memref<8192xf32, #tpu.memory_space<vmem>>, %arg11: memref<57344xf32, #tpu.memory_space<vmem>>, %arg12: memref<10x16xf32, #tpu.memory_space<vmem>>, %arg13: memref<!tpu.dma_semaphore, #tpu.memory_space<semaphore_mem>>, %arg14: memref<!tpu.dma_semaphore, #tpu.memory_space<semaphore_mem>>) attributes {dimension_semantics = [#tpu.dimension_semantics<core_parallel>, #tpu.dimension_semantics<subcore_parallel>], iteration_bounds = array<i64: 2, 16>, scalar_prefetch = 0 : i64, scratch_operands = 8 : i64, tpu.core_type = #tpu.core_type<sc_vector_subcore>, window_params = [{transform_indices = #map}, {transform_indices = #map}, {transform_indices = #map}, {transform_indices = #map}, {transform_indices = #map1}]} {
    %mul3A = arith.constant 2 : i32
    %mul3A_0 = arith.muli %arg1, %mul3A : i32
    %add3A = arith.addi %mul3A_0, %arg0 : i32
    %jit3A = arith.constant 16 : i32
    %div3A = arith.divsi %add3A, %jit3A : i32
    %sign3A = arith.constant 0 : i32
    %sign3A_1 = arith.cmpi sgt, %add3A, %sign3A : i32
    %sign3A_2 = arith.extui %sign3A_1 : i1 to i32
    %sign3A_3 = arith.constant 0 : i32
    %sign3A_4 = arith.cmpi slt, %add3A, %sign3A_3 : i32
    %sign3A_5 = arith.extui %sign3A_4 : i1 to i32
    %sign3A_6 = arith.subi %sign3A_2, %sign3A_5 : i32
    %sign3A_7 = arith.constant 0 : i32
    %sign3A_8 = arith.cmpi sgt, %jit3A, %sign3A_7 : i32
    %sign3A_9 = arith.extui %sign3A_8 : i1 to i32
    %sign3A_10 = arith.constant 0 : i32
    %sign3A_11 = arith.cmpi slt, %jit3A, %sign3A_10 : i32
    %sign3A_12 = arith.extui %sign3A_11 : i1 to i32
    %sign3A_13 = arith.subi %sign3A_9, %sign3A_12 : i32
    %ne3A = arith.cmpi ne, %sign3A_6, %sign3A_13 : i32
    %rem3A = arith.remsi %add3A, %jit3A : i32
    %ne3A_14 = arith.constant 0 : i32
    %ne3A_15 = arith.cmpi ne, %rem3A, %ne3A_14 : i32
    %and3A = arith.andi %ne3A, %ne3A_15 : i1
    %sub3A = arith.constant 1 : i32
    %sub3A_16 = arith.subi %div3A, %sub3A : i32
    %select_n3A = arith.select %and3A, %sub3A_16, %div3A : i32
    %jit3A_17 = arith.constant 16 : i32
    %eq3A = arith.constant 0 : i32
    %eq3A_18 = arith.cmpi eq, %jit3A_17, %eq3A : i32
    %jit3A_19 = arith.constant 1 : i32
    %select_n3A_20 = arith.select %eq3A_18, %jit3A_19, %jit3A_17 : i32
    %rem3A_21 = arith.remsi %add3A, %select_n3A_20 : i32
    %ne3A_22 = arith.constant 0 : i32
    %ne3A_23 = arith.cmpi ne, %rem3A_21, %ne3A_22 : i32
    %lt3A = arith.constant 0 : i32
    %lt3A_24 = arith.cmpi slt, %rem3A_21, %lt3A : i32
    %lt3A_25 = arith.constant 0 : i32
    %lt3A_26 = arith.cmpi slt, %select_n3A_20, %lt3A_25 : i32
    %ne3A_27 = arith.xori %lt3A_24, %lt3A_26 : i1
    %and3A_28 = arith.andi %ne3A_27, %ne3A_23 : i1
    %add3A_29 = arith.addi %rem3A_21, %select_n3A_20 : i32
    %select_n3A_30 = arith.select %and3A_28, %add3A_29, %rem3A_21 : i32
    %mul3A_31 = arith.constant 384 : i32
    %mul3A_32 = arith.muli %select_n3A_30, %mul3A_31 : i32
    %add3A_33 = arith.constant 10240 : i32
    %add3A_34 = arith.addi %add3A_33, %mul3A_32 : i32
    %broadcast_in_dim3A = arith.constant 0.000000e+00 : f32
    %broadcast_in_dim3A_35 = vector.broadcast %broadcast_in_dim3A : f32 to vector<16xf32>
    %broadcast_in_dim3A_36 = arith.constant 0xFF800000 : f32
    %broadcast_in_dim3A_37 = vector.broadcast %broadcast_in_dim3A_36 : f32 to vector<16xf32>
    %broadcast_in_dim3A_38 = arith.constant 0xFF800000 : f32
    %broadcast_in_dim3A_39 = vector.broadcast %broadcast_in_dim3A_38 : f32 to vector<16xf32>
    %broadcast_in_dim3A_40 = arith.constant 0x7F800000 : f32
    %broadcast_in_dim3A_41 = vector.broadcast %broadcast_in_dim3A_40 : f32 to vector<16xf32>
    %broadcast_in_dim3A_42 = arith.constant 0x7F800000 : f32
    %broadcast_in_dim3A_43 = vector.broadcast %broadcast_in_dim3A_42 : f32 to vector<16xf32>
    %add3A_44 = arith.constant 0 : i32
    %add3A_45 = arith.addi %add3A_34, %add3A_44 : i32
    %mul3A_46 = arith.constant 16384 : i32
    %mul3A_47 = arith.muli %select_n3A, %mul3A_46 : i32
    %add3A_48 = arith.addi %mul3A_47, %add3A_45 : i32
    %mul3A_49 = arith.constant 128 : i32
    %mul3A_50 = arith.muli %add3A_48, %mul3A_49 : i32
    %add3A_51 = arith.constant 4194304 : i32
    %add3A_52 = arith.addi %mul3A_50, %add3A_51 : i32
    %mul3A_53 = arith.constant 7 : i32
    %mul3A_54 = arith.muli %select_n3A, %mul3A_53 : i32
    %add3A_55 = arith.constant 0 : i32
    %add3A_56 = arith.addi %mul3A_54, %add3A_55 : i32
    %mul3A_57 = arith.constant 16384 : i32
    %mul3A_58 = arith.muli %add3A_56, %mul3A_57 : i32
    %add3A_59 = arith.addi %mul3A_58, %add3A_45 : i32
    %mul3A_60 = arith.constant 128 : i32
    %mul3A_61 = arith.muli %add3A_59, %mul3A_60 : i32
    %mul3A_62 = arith.constant 7 : i32
    %mul3A_63 = arith.muli %select_n3A, %mul3A_62 : i32
    %add3A_64 = arith.constant 1 : i32
    %add3A_65 = arith.addi %mul3A_63, %add3A_64 : i32
    %mul3A_66 = arith.constant 16384 : i32
    %mul3A_67 = arith.muli %add3A_65, %mul3A_66 : i32
    %add3A_68 = arith.addi %mul3A_67, %add3A_45 : i32
    %mul3A_69 = arith.constant 128 : i32
    %mul3A_70 = arith.muli %add3A_68, %mul3A_69 : i32
    %mul3A_71 = arith.constant 7 : i32
    %mul3A_72 = arith.muli %select_n3A, %mul3A_71 : i32
    %add3A_73 = arith.constant 2 : i32
    %add3A_74 = arith.addi %mul3A_72, %add3A_73 : i32
    %mul3A_75 = arith.constant 16384 : i32
    %mul3A_76 = arith.muli %add3A_74, %mul3A_75 : i32
    %add3A_77 = arith.addi %mul3A_76, %add3A_45 : i32
    %mul3A_78 = arith.constant 128 : i32
    %mul3A_79 = arith.muli %add3A_77, %mul3A_78 : i32
    %mul3A_80 = arith.constant 7 : i32
    %mul3A_81 = arith.muli %select_n3A, %mul3A_80 : i32
    %add3A_82 = arith.constant 3 : i32
    %add3A_83 = arith.addi %mul3A_81, %add3A_82 : i32
    %mul3A_84 = arith.constant 16384 : i32
    %mul3A_85 = arith.muli %add3A_83, %mul3A_84 : i32
    %add3A_86 = arith.addi %mul3A_85, %add3A_45 : i32
    %mul3A_87 = arith.constant 128 : i32
    %mul3A_88 = arith.muli %add3A_86, %mul3A_87 : i32
    %mul3A_89 = arith.constant 7 : i32
    %mul3A_90 = arith.muli %select_n3A, %mul3A_89 : i32
    %add3A_91 = arith.constant 4 : i32
    %add3A_92 = arith.addi %mul3A_90, %add3A_91 : i32
    %mul3A_93 = arith.constant 16384 : i32
    %mul3A_94 = arith.muli %add3A_92, %mul3A_93 : i32
    %add3A_95 = arith.addi %mul3A_94, %add3A_45 : i32
    %mul3A_96 = arith.constant 128 : i32
    %mul3A_97 = arith.muli %add3A_95, %mul3A_96 : i32
    %mul3A_98 = arith.constant 7 : i32
    %mul3A_99 = arith.muli %select_n3A, %mul3A_98 : i32
    %add3A_100 = arith.constant 5 : i32
    %add3A_101 = arith.addi %mul3A_99, %add3A_100 : i32
    %mul3A_102 = arith.constant 16384 : i32
    %mul3A_103 = arith.muli %add3A_101, %mul3A_102 : i32
    %add3A_104 = arith.addi %mul3A_103, %add3A_45 : i32
    %mul3A_105 = arith.constant 128 : i32
    %mul3A_106 = arith.muli %add3A_104, %mul3A_105 : i32
    %mul3A_107 = arith.constant 7 : i32
    %mul3A_108 = arith.muli %select_n3A, %mul3A_107 : i32
    %add3A_109 = arith.constant 6 : i32
    %add3A_110 = arith.addi %mul3A_108, %add3A_109 : i32
    %mul3A_111 = arith.constant 16384 : i32
    %mul3A_112 = arith.muli %add3A_110, %mul3A_111 : i32
    %add3A_113 = arith.addi %mul3A_112, %add3A_45 : i32
    %mul3A_114 = arith.constant 128 : i32
    %mul3A_115 = arith.muli %add3A_113, %mul3A_114 : i32
    %dma_start3A = arith.constant 0 : i32
    %dma_start3A_116 = tpu.memref_slice %arg7[%dma_start3A] : memref<8192xf32, #tpu.memory_space<vmem>> -> memref<4096xf32, #tpu.memory_space<vmem>>
    %dma_start3A_117 = tpu.memref_slice %arg2[%mul3A_50] : memref<4194304xf32, #tpu.memory_space<hbm>> -> memref<4096xf32, #tpu.memory_space<hbm>>
    %dma_start3A_118 = arith.constant 0 : i32
    %dma_start3A_119 = tpu.memref_slice %arg7[%dma_start3A_118] : memref<8192xf32, #tpu.memory_space<vmem>> -> memref<4096xf32, #tpu.memory_space<vmem>>
    %dma_start3A_120 = tpu.memref_slice %arg2[%mul3A_50] : memref<4194304xf32, #tpu.memory_space<hbm>> -> memref<4096xf32, #tpu.memory_space<hbm>>
    tpu.enqueue_dma source(%dma_start3A_120 : memref<4096xf32, #tpu.memory_space<hbm>>) target(%dma_start3A_119 : memref<4096xf32, #tpu.memory_space<vmem>>) target_semaphore(%arg13 : memref<!tpu.dma_semaphore, #tpu.memory_space<semaphore_mem>>)
    %dma_start3A_121 = arith.constant 0 : i32
    %dma_start3A_122 = tpu.memref_slice %arg8[%dma_start3A_121] : memref<8192xf32, #tpu.memory_space<vmem>> -> memref<4096xf32, #tpu.memory_space<vmem>>
    %dma_start3A_123 = tpu.memref_slice %arg3[%mul3A_50] : memref<8388608xf32, #tpu.memory_space<hbm>> -> memref<4096xf32, #tpu.memory_space<hbm>>
    %dma_start3A_124 = arith.constant 0 : i32
    %dma_start3A_125 = tpu.memref_slice %arg8[%dma_start3A_124] : memref<8192xf32, #tpu.memory_space<vmem>> -> memref<4096xf32, #tpu.memory_space<vmem>>
    %dma_start3A_126 = tpu.memref_slice %arg3[%mul3A_50] : memref<8388608xf32, #tpu.memory_space<hbm>> -> memref<4096xf32, #tpu.memory_space<hbm>>
    tpu.enqueue_dma source(%dma_start3A_126 : memref<4096xf32, #tpu.memory_space<hbm>>) target(%dma_start3A_125 : memref<4096xf32, #tpu.memory_space<vmem>>) target_semaphore(%arg13 : memref<!tpu.dma_semaphore, #tpu.memory_space<semaphore_mem>>)
    %dma_start3A_127 = arith.constant 0 : i32
    %dma_start3A_128 = tpu.memref_slice %arg9[%dma_start3A_127] : memref<8192xf32, #tpu.memory_space<vmem>> -> memref<4096xf32, #tpu.memory_space<vmem>>
    %dma_start3A_129 = tpu.memref_slice %arg3[%add3A_52] : memref<8388608xf32, #tpu.memory_space<hbm>> -> memref<4096xf32, #tpu.memory_space<hbm>>
    %dma_start3A_130 = arith.constant 0 : i32
    %dma_start3A_131 = tpu.memref_slice %arg9[%dma_start3A_130] : memref<8192xf32, #tpu.memory_space<vmem>> -> memref<4096xf32, #tpu.memory_space<vmem>>
    %dma_start3A_132 = tpu.memref_slice %arg3[%add3A_52] : memref<8388608xf32, #tpu.memory_space<hbm>> -> memref<4096xf32, #tpu.memory_space<hbm>>
    tpu.enqueue_dma source(%dma_start3A_132 : memref<4096xf32, #tpu.memory_space<hbm>>) target(%dma_start3A_131 : memref<4096xf32, #tpu.memory_space<vmem>>) target_semaphore(%arg13 : memref<!tpu.dma_semaphore, #tpu.memory_space<semaphore_mem>>)
    %dma_start3A_133 = arith.constant 0 : i32
    %dma_start3A_134 = tpu.memref_slice %arg10[%dma_start3A_133] : memref<8192xf32, #tpu.memory_space<vmem>> -> memref<4096xf32, #tpu.memory_space<vmem>>
    %dma_start3A_135 = tpu.memref_slice %arg4[%mul3A_50] : memref<4194304xf32, #tpu.memory_space<hbm>> -> memref<4096xf32, #tpu.memory_space<hbm>>
    %dma_start3A_136 = arith.constant 0 : i32
    %dma_start3A_137 = tpu.memref_slice %arg10[%dma_start3A_136] : memref<8192xf32, #tpu.memory_space<vmem>> -> memref<4096xf32, #tpu.memory_space<vmem>>
    %dma_start3A_138 = tpu.memref_slice %arg4[%mul3A_50] : memref<4194304xf32, #tpu.memory_space<hbm>> -> memref<4096xf32, #tpu.memory_space<hbm>>
    tpu.enqueue_dma source(%dma_start3A_138 : memref<4096xf32, #tpu.memory_space<hbm>>) target(%dma_start3A_137 : memref<4096xf32, #tpu.memory_space<vmem>>) target_semaphore(%arg13 : memref<!tpu.dma_semaphore, #tpu.memory_space<semaphore_mem>>)
    %dma_start3A_139 = arith.constant 0 : i32
    %dma_start3A_140 = tpu.memref_slice %arg11[%dma_start3A_139] : memref<57344xf32, #tpu.memory_space<vmem>> -> memref<4096xf32, #tpu.memory_space<vmem>>
    %dma_start3A_141 = tpu.memref_slice %arg5[%mul3A_61] : memref<29360128xf32, #tpu.memory_space<hbm>> -> memref<4096xf32, #tpu.memory_space<hbm>>
    %dma_start3A_142 = arith.constant 0 : i32
    %dma_start3A_143 = tpu.memref_slice %arg11[%dma_start3A_142] : memref<57344xf32, #tpu.memory_space<vmem>> -> memref<4096xf32, #tpu.memory_space<vmem>>
    %dma_start3A_144 = tpu.memref_slice %arg5[%mul3A_61] : memref<29360128xf32, #tpu.memory_space<hbm>> -> memref<4096xf32, #tpu.memory_space<hbm>>
    tpu.enqueue_dma source(%dma_start3A_144 : memref<4096xf32, #tpu.memory_space<hbm>>) target(%dma_start3A_143 : memref<4096xf32, #tpu.memory_space<vmem>>) target_semaphore(%arg13 : memref<!tpu.dma_semaphore, #tpu.memory_space<semaphore_mem>>)
    %dma_start3A_145 = arith.constant 4096 : i32
    %dma_start3A_146 = tpu.memref_slice %arg11[%dma_start3A_145] : memref<57344xf32, #tpu.memory_space<vmem>> -> memref<4096xf32, #tpu.memory_space<vmem>>
    %dma_start3A_147 = tpu.memref_slice %arg5[%mul3A_70] : memref<29360128xf32, #tpu.memory_space<hbm>> -> memref<4096xf32, #tpu.memory_space<hbm>>
    %dma_start3A_148 = arith.constant 4096 : i32
    %dma_start3A_149 = tpu.memref_slice %arg11[%dma_start3A_148] : memref<57344xf32, #tpu.memory_space<vmem>> -> memref<4096xf32, #tpu.memory_space<vmem>>
    %dma_start3A_150 = tpu.memref_slice %arg5[%mul3A_70] : memref<29360128xf32, #tpu.memory_space<hbm>> -> memref<4096xf32, #tpu.memory_space<hbm>>
    tpu.enqueue_dma source(%dma_start3A_150 : memref<4096xf32, #tpu.memory_space<hbm>>) target(%dma_start3A_149 : memref<4096xf32, #tpu.memory_space<vmem>>) target_semaphore(%arg13 : memref<!tpu.dma_semaphore, #tpu.memory_space<semaphore_mem>>)
    %dma_start3A_151 = arith.constant 8192 : i32
    %dma_start3A_152 = tpu.memref_slice %arg11[%dma_start3A_151] : memref<57344xf32, #tpu.memory_space<vmem>> -> memref<4096xf32, #tpu.memory_space<vmem>>
    %dma_start3A_153 = tpu.memref_slice %arg5[%mul3A_79] : memref<29360128xf32, #tpu.memory_space<hbm>> -> memref<4096xf32, #tpu.memory_space<hbm>>
    %dma_start3A_154 = arith.constant 8192 : i32
    %dma_start3A_155 = tpu.memref_slice %arg11[%dma_start3A_154] : memref<57344xf32, #tpu.memory_space<vmem>> -> memref<4096xf32, #tpu.memory_space<vmem>>
    %dma_start3A_156 = tpu.memref_slice %arg5[%mul3A_79] : memref<29360128xf32, #tpu.memory_space<hbm>> -> memref<4096xf32, #tpu.memory_space<hbm>>
    tpu.enqueue_dma source(%dma_start3A_156 : memref<4096xf32, #tpu.memory_space<hbm>>) target(%dma_start3A_155 : memref<4096xf32, #tpu.memory_space<vmem>>) target_semaphore(%arg13 : memref<!tpu.dma_semaphore, #tpu.memory_space<semaphore_mem>>)
    %dma_start3A_157 = arith.constant 12288 : i32
    %dma_start3A_158 = tpu.memref_slice %arg11[%dma_start3A_157] : memref<57344xf32, #tpu.memory_space<vmem>> -> memref<4096xf32, #tpu.memory_space<vmem>>
    %dma_start3A_159 = tpu.memref_slice %arg5[%mul3A_88] : memref<29360128xf32, #tpu.memory_space<hbm>> -> memref<4096xf32, #tpu.memory_space<hbm>>
    %dma_start3A_160 = arith.constant 12288 : i32
    %dma_start3A_161 = tpu.memref_slice %arg11[%dma_start3A_160] : memref<57344xf32, #tpu.memory_space<vmem>> -> memref<4096xf32, #tpu.memory_space<vmem>>
    %dma_start3A_162 = tpu.memref_slice %arg5[%mul3A_88] : memref<29360128xf32, #tpu.memory_space<hbm>> -> memref<4096xf32, #tpu.memory_space<hbm>>
    tpu.enqueue_dma source(%dma_start3A_162 : memref<4096xf32, #tpu.memory_space<hbm>>) target(%dma_start3A_161 : memref<4096xf32, #tpu.memory_space<vmem>>) target_semaphore(%arg13 : memref<!tpu.dma_semaphore, #tpu.memory_space<semaphore_mem>>)
    %dma_start3A_163 = arith.constant 16384 : i32
    %dma_start3A_164 = tpu.memref_slice %arg11[%dma_start3A_163] : memref<57344xf32, #tpu.memory_space<vmem>> -> memref<4096xf32, #tpu.memory_space<vmem>>
    %dma_start3A_165 = tpu.memref_slice %arg5[%mul3A_97] : memref<29360128xf32, #tpu.memory_space<hbm>> -> memref<4096xf32, #tpu.memory_space<hbm>>
    %dma_start3A_166 = arith.constant 16384 : i32
    %dma_start3A_167 = tpu.memref_slice %arg11[%dma_start3A_166] : memref<57344xf32, #tpu.memory_space<vmem>> -> memref<4096xf32, #tpu.memory_space<vmem>>
    %dma_start3A_168 = tpu.memref_slice %arg5[%mul3A_97] : memref<29360128xf32, #tpu.memory_space<hbm>> -> memref<4096xf32, #tpu.memory_space<hbm>>
    tpu.enqueue_dma source(%dma_start3A_168 : memref<4096xf32, #tpu.memory_space<hbm>>) target(%dma_start3A_167 : memref<4096xf32, #tpu.memory_space<vmem>>) target_semaphore(%arg13 : memref<!tpu.dma_semaphore, #tpu.memory_space<semaphore_mem>>)
    %dma_start3A_169 = arith.constant 20480 : i32
    %dma_start3A_170 = tpu.memref_slice %arg11[%dma_start3A_169] : memref<57344xf32, #tpu.memory_space<vmem>> -> memref<4096xf32, #tpu.memory_space<vmem>>
    %dma_start3A_171 = tpu.memref_slice %arg5[%mul3A_106] : memref<29360128xf32, #tpu.memory_space<hbm>> -> memref<4096xf32, #tpu.memory_space<hbm>>
    %dma_start3A_172 = arith.constant 20480 : i32
    %dma_start3A_173 = tpu.memref_slice %arg11[%dma_start3A_172] : memref<57344xf32, #tpu.memory_space<vmem>> -> memref<4096xf32, #tpu.memory_space<vmem>>
    %dma_start3A_174 = tpu.memref_slice %arg5[%mul3A_106] : memref<29360128xf32, #tpu.memory_space<hbm>> -> memref<4096xf32, #tpu.memory_space<hbm>>
    tpu.enqueue_dma source(%dma_start3A_174 : memref<4096xf32, #tpu.memory_space<hbm>>) target(%dma_start3A_173 : memref<4096xf32, #tpu.memory_space<vmem>>) target_semaphore(%arg13 : memref<!tpu.dma_semaphore, #tpu.memory_space<semaphore_mem>>)
    %dma_start3A_175 = arith.constant 24576 : i32
    %dma_start3A_176 = tpu.memref_slice %arg11[%dma_start3A_175] : memref<57344xf32, #tpu.memory_space<vmem>> -> memref<4096xf32, #tpu.memory_space<vmem>>
    %dma_start3A_177 = tpu.memref_slice %arg5[%mul3A_115] : memref<29360128xf32, #tpu.memory_space<hbm>> -> memref<4096xf32, #tpu.memory_space<hbm>>
    %dma_start3A_178 = arith.constant 24576 : i32
    %dma_start3A_179 = tpu.memref_slice %arg11[%dma_start3A_178] : memref<57344xf32, #tpu.memory_space<vmem>> -> memref<4096xf32, #tpu.memory_space<vmem>>
    %dma_start3A_180 = tpu.memref_slice %arg5[%mul3A_115] : memref<29360128xf32, #tpu.memory_space<hbm>> -> memref<4096xf32, #tpu.memory_space<hbm>>
    tpu.enqueue_dma source(%dma_start3A_180 : memref<4096xf32, #tpu.memory_space<hbm>>) target(%dma_start3A_179 : memref<4096xf32, #tpu.memory_space<vmem>>) target_semaphore(%arg13 : memref<!tpu.dma_semaphore, #tpu.memory_space<semaphore_mem>>)
    %scan3A = arith.constant 0 : i32
    %scan3A_181 = arith.constant 6 : i32
    %scan3A_182 = arith.addi %scan3A, %scan3A_181 : i32
    %scan3A_183 = arith.constant 1 : i32
    %scan3A_184:10 = scf.for %scan3A_245 = %scan3A to %scan3A_182 step %scan3A_183 iter_args(%scan3A_246 = %broadcast_in_dim3A_35, %scan3A_247 = %broadcast_in_dim3A_35, %scan3A_248 = %broadcast_in_dim3A_35, %scan3A_249 = %broadcast_in_dim3A_35, %scan3A_250 = %broadcast_in_dim3A_35, %scan3A_251 = %broadcast_in_dim3A_35, %scan3A_252 = %broadcast_in_dim3A_37, %scan3A_253 = %broadcast_in_dim3A_39, %scan3A_254 = %broadcast_in_dim3A_41, %scan3A_255 = %broadcast_in_dim3A_43) -> (vector<16xf32>, vector<16xf32>, vector<16xf32>, vector<16xf32>, vector<16xf32>, vector<16xf32>, vector<16xf32>, vector<16xf32>, vector<16xf32>, vector<16xf32>)  : i32 {
      %mul3A_256 = arith.constant 2 : i32
      %mul3A_257 = arith.muli %mul3A_256, %scan3A_245 : i32
      %add3A_258 = arith.constant 1 : i32
      %add3A_259 = arith.addi %mul3A_257, %add3A_258 : i32
      %mul3A_260 = arith.constant 32 : i32
      %mul3A_261 = arith.muli %add3A_259, %mul3A_260 : i32
      %add3A_262 = arith.addi %add3A_34, %mul3A_261 : i32
      %mul3A_263 = arith.constant 16384 : i32
      %mul3A_264 = arith.muli %select_n3A, %mul3A_263 : i32
      %add3A_265 = arith.addi %mul3A_264, %add3A_262 : i32
      %mul3A_266 = arith.constant 128 : i32
      %mul3A_267 = arith.muli %add3A_265, %mul3A_266 : i32
      %add3A_268 = arith.constant 4194304 : i32
      %add3A_269 = arith.addi %mul3A_267, %add3A_268 : i32
      %mul3A_270 = arith.constant 7 : i32
      %mul3A_271 = arith.muli %select_n3A, %mul3A_270 : i32
      %add3A_272 = arith.constant 0 : i32
      %add3A_273 = arith.addi %mul3A_271, %add3A_272 : i32
      %mul3A_274 = arith.constant 16384 : i32
      %mul3A_275 = arith.muli %add3A_273, %mul3A_274 : i32
      %add3A_276 = arith.addi %mul3A_275, %add3A_262 : i32
      %mul3A_277 = arith.constant 128 : i32
      %mul3A_278 = arith.muli %add3A_276, %mul3A_277 : i32
      %mul3A_279 = arith.constant 7 : i32
      %mul3A_280 = arith.muli %select_n3A, %mul3A_279 : i32
      %add3A_281 = arith.constant 1 : i32
      %add3A_282 = arith.addi %mul3A_280, %add3A_281 : i32
      %mul3A_283 = arith.constant 16384 : i32
      %mul3A_284 = arith.muli %add3A_282, %mul3A_283 : i32
      %add3A_285 = arith.addi %mul3A_284, %add3A_262 : i32
      %mul3A_286 = arith.constant 128 : i32
      %mul3A_287 = arith.muli %add3A_285, %mul3A_286 : i32
      %mul3A_288 = arith.constant 7 : i32
      %mul3A_289 = arith.muli %select_n3A, %mul3A_288 : i32
      %add3A_290 = arith.constant 2 : i32
      %add3A_291 = arith.addi %mul3A_289, %add3A_290 : i32
      %mul3A_292 = arith.constant 16384 : i32
      %mul3A_293 = arith.muli %add3A_291, %mul3A_292 : i32
      %add3A_294 = arith.addi %mul3A_293, %add3A_262 : i32
      %mul3A_295 = arith.constant 128 : i32
      %mul3A_296 = arith.muli %add3A_294, %mul3A_295 : i32
      %mul3A_297 = arith.constant 7 : i32
      %mul3A_298 = arith.muli %select_n3A, %mul3A_297 : i32
      %add3A_299 = arith.constant 3 : i32
      %add3A_300 = arith.addi %mul3A_298, %add3A_299 : i32
      %mul3A_301 = arith.constant 16384 : i32
      %mul3A_302 = arith.muli %add3A_300, %mul3A_301 : i32
      %add3A_303 = arith.addi %mul3A_302, %add3A_262 : i32
      %mul3A_304 = arith.constant 128 : i32
      %mul3A_305 = arith.muli %add3A_303, %mul3A_304 : i32
      %mul3A_306 = arith.constant 7 : i32
      %mul3A_307 = arith.muli %select_n3A, %mul3A_306 : i32
      %add3A_308 = arith.constant 4 : i32
      %add3A_309 = arith.addi %mul3A_307, %add3A_308 : i32
      %mul3A_310 = arith.constant 16384 : i32
      %mul3A_311 = arith.muli %add3A_309, %mul3A_310 : i32
      %add3A_312 = arith.addi %mul3A_311, %add3A_262 : i32
      %mul3A_313 = arith.constant 128 : i32
      %mul3A_314 = arith.muli %add3A_312, %mul3A_313 : i32
      %mul3A_315 = arith.constant 7 : i32
      %mul3A_316 = arith.muli %select_n3A, %mul3A_315 : i32
      %add3A_317 = arith.constant 5 : i32
      %add3A_318 = arith.addi %mul3A_316, %add3A_317 : i32
      %mul3A_319 = arith.constant 16384 : i32
      %mul3A_320 = arith.muli %add3A_318, %mul3A_319 : i32
      %add3A_321 = arith.addi %mul3A_320, %add3A_262 : i32
      %mul3A_322 = arith.constant 128 : i32
      %mul3A_323 = arith.muli %add3A_321, %mul3A_322 : i32
      %mul3A_324 = arith.constant 7 : i32
      %mul3A_325 = arith.muli %select_n3A, %mul3A_324 : i32
      %add3A_326 = arith.constant 6 : i32
      %add3A_327 = arith.addi %mul3A_325, %add3A_326 : i32
      %mul3A_328 = arith.constant 16384 : i32
      %mul3A_329 = arith.muli %add3A_327, %mul3A_328 : i32
      %add3A_330 = arith.addi %mul3A_329, %add3A_262 : i32
      %mul3A_331 = arith.constant 128 : i32
      %mul3A_332 = arith.muli %add3A_330, %mul3A_331 : i32
      %dma_start3A_333 = arith.constant 4096 : i32
      %dma_start3A_334 = tpu.memref_slice %arg7[%dma_start3A_333] : memref<8192xf32, #tpu.memory_space<vmem>> -> memref<4096xf32, #tpu.memory_space<vmem>>
      %dma_start3A_335 = tpu.memref_slice %arg2[%mul3A_267] : memref<4194304xf32, #tpu.memory_space<hbm>> -> memref<4096xf32, #tpu.memory_space<hbm>>
      %dma_start3A_336 = arith.constant 4096 : i32
      %dma_start3A_337 = tpu.memref_slice %arg7[%dma_start3A_336] : memref<8192xf32, #tpu.memory_space<vmem>> -> memref<4096xf32, #tpu.memory_space<vmem>>
      %dma_start3A_338 = tpu.memref_slice %arg2[%mul3A_267] : memref<4194304xf32, #tpu.memory_space<hbm>> -> memref<4096xf32, #tpu.memory_space<hbm>>
      tpu.enqueue_dma source(%dma_start3A_338 : memref<4096xf32, #tpu.memory_space<hbm>>) target(%dma_start3A_337 : memref<4096xf32, #tpu.memory_space<vmem>>) target_semaphore(%arg14 : memref<!tpu.dma_semaphore, #tpu.memory_space<semaphore_mem>>)
      %dma_start3A_339 = arith.constant 4096 : i32
      %dma_start3A_340 = tpu.memref_slice %arg8[%dma_start3A_339] : memref<8192xf32, #tpu.memory_space<vmem>> -> memref<4096xf32, #tpu.memory_space<vmem>>
      %dma_start3A_341 = tpu.memref_slice %arg3[%mul3A_267] : memref<8388608xf32, #tpu.memory_space<hbm>> -> memref<4096xf32, #tpu.memory_space<hbm>>
      %dma_start3A_342 = arith.constant 4096 : i32
      %dma_start3A_343 = tpu.memref_slice %arg8[%dma_start3A_342] : memref<8192xf32, #tpu.memory_space<vmem>> -> memref<4096xf32, #tpu.memory_space<vmem>>
      %dma_start3A_344 = tpu.memref_slice %arg3[%mul3A_267] : memref<8388608xf32, #tpu.memory_space<hbm>> -> memref<4096xf32, #tpu.memory_space<hbm>>
      tpu.enqueue_dma source(%dma_start3A_344 : memref<4096xf32, #tpu.memory_space<hbm>>) target(%dma_start3A_343 : memref<4096xf32, #tpu.memory_space<vmem>>) target_semaphore(%arg14 : memref<!tpu.dma_semaphore, #tpu.memory_space<semaphore_mem>>)
      %dma_start3A_345 = arith.constant 4096 : i32
      %dma_start3A_346 = tpu.memref_slice %arg9[%dma_start3A_345] : memref<8192xf32, #tpu.memory_space<vmem>> -> memref<4096xf32, #tpu.memory_space<vmem>>
      %dma_start3A_347 = tpu.memref_slice %arg3[%add3A_269] : memref<8388608xf32, #tpu.memory_space<hbm>> -> memref<4096xf32, #tpu.memory_space<hbm>>
      %dma_start3A_348 = arith.constant 4096 : i32
      %dma_start3A_349 = tpu.memref_slice %arg9[%dma_start3A_348] : memref<8192xf32, #tpu.memory_space<vmem>> -> memref<4096xf32, #tpu.memory_space<vmem>>
      %dma_start3A_350 = tpu.memref_slice %arg3[%add3A_269] : memref<8388608xf32, #tpu.memory_space<hbm>> -> memref<4096xf32, #tpu.memory_space<hbm>>
      tpu.enqueue_dma source(%dma_start3A_350 : memref<4096xf32, #tpu.memory_space<hbm>>) target(%dma_start3A_349 : memref<4096xf32, #tpu.memory_space<vmem>>) target_semaphore(%arg14 : memref<!tpu.dma_semaphore, #tpu.memory_space<semaphore_mem>>)
      %dma_start3A_351 = arith.constant 4096 : i32
      %dma_start3A_352 = tpu.memref_slice %arg10[%dma_start3A_351] : memref<8192xf32, #tpu.memory_space<vmem>> -> memref<4096xf32, #tpu.memory_space<vmem>>
      %dma_start3A_353 = tpu.memref_slice %arg4[%mul3A_267] : memref<4194304xf32, #tpu.memory_space<hbm>> -> memref<4096xf32, #tpu.memory_space<hbm>>
      %dma_start3A_354 = arith.constant 4096 : i32
      %dma_start3A_355 = tpu.memref_slice %arg10[%dma_start3A_354] : memref<8192xf32, #tpu.memory_space<vmem>> -> memref<4096xf32, #tpu.memory_space<vmem>>
      %dma_start3A_356 = tpu.memref_slice %arg4[%mul3A_267] : memref<4194304xf32, #tpu.memory_space<hbm>> -> memref<4096xf32, #tpu.memory_space<hbm>>
      tpu.enqueue_dma source(%dma_start3A_356 : memref<4096xf32, #tpu.memory_space<hbm>>) target(%dma_start3A_355 : memref<4096xf32, #tpu.memory_space<vmem>>) target_semaphore(%arg14 : memref<!tpu.dma_semaphore, #tpu.memory_space<semaphore_mem>>)
      %dma_start3A_357 = arith.constant 28672 : i32
      %dma_start3A_358 = tpu.memref_slice %arg11[%dma_start3A_357] : memref<57344xf32, #tpu.memory_space<vmem>> -> memref<4096xf32, #tpu.memory_space<vmem>>
      %dma_start3A_359 = tpu.memref_slice %arg5[%mul3A_278] : memref<29360128xf32, #tpu.memory_space<hbm>> -> memref<4096xf32, #tpu.memory_space<hbm>>
      %dma_start3A_360 = arith.constant 28672 : i32
      %dma_start3A_361 = tpu.memref_slice %arg11[%dma_start3A_360] : memref<57344xf32, #tpu.memory_space<vmem>> -> memref<4096xf32, #tpu.memory_space<vmem>>
      %dma_start3A_362 = tpu.memref_slice %arg5[%mul3A_278] : memref<29360128xf32, #tpu.memory_space<hbm>> -> memref<4096xf32, #tpu.memory_space<hbm>>
      tpu.enqueue_dma source(%dma_start3A_362 : memref<4096xf32, #tpu.memory_space<hbm>>) target(%dma_start3A_361 : memref<4096xf32, #tpu.memory_space<vmem>>) target_semaphore(%arg14 : memref<!tpu.dma_semaphore, #tpu.memory_space<semaphore_mem>>)
      %dma_start3A_363 = arith.constant 32768 : i32
      %dma_start3A_364 = tpu.memref_slice %arg11[%dma_start3A_363] : memref<57344xf32, #tpu.memory_space<vmem>> -> memref<4096xf32, #tpu.memory_space<vmem>>
      %dma_start3A_365 = tpu.memref_slice %arg5[%mul3A_287] : memref<29360128xf32, #tpu.memory_space<hbm>> -> memref<4096xf32, #tpu.memory_space<hbm>>
      %dma_start3A_366 = arith.constant 32768 : i32
      %dma_start3A_367 = tpu.memref_slice %arg11[%dma_start3A_366] : memref<57344xf32, #tpu.memory_space<vmem>> -> memref<4096xf32, #tpu.memory_space<vmem>>
      %dma_start3A_368 = tpu.memref_slice %arg5[%mul3A_287] : memref<29360128xf32, #tpu.memory_space<hbm>> -> memref<4096xf32, #tpu.memory_space<hbm>>
      tpu.enqueue_dma source(%dma_start3A_368 : memref<4096xf32, #tpu.memory_space<hbm>>) target(%dma_start3A_367 : memref<4096xf32, #tpu.memory_space<vmem>>) target_semaphore(%arg14 : memref<!tpu.dma_semaphore, #tpu.memory_space<semaphore_mem>>)
      %dma_start3A_369 = arith.constant 36864 : i32
      %dma_start3A_370 = tpu.memref_slice %arg11[%dma_start3A_369] : memref<57344xf32, #tpu.memory_space<vmem>> -> memref<4096xf32, #tpu.memory_space<vmem>>
      %dma_start3A_371 = tpu.memref_slice %arg5[%mul3A_296] : memref<29360128xf32, #tpu.memory_space<hbm>> -> memref<4096xf32, #tpu.memory_space<hbm>>
      %dma_start3A_372 = arith.constant 36864 : i32
      %dma_start3A_373 = tpu.memref_slice %arg11[%dma_start3A_372] : memref<57344xf32, #tpu.memory_space<vmem>> -> memref<4096xf32, #tpu.memory_space<vmem>>
      %dma_start3A_374 = tpu.memref_slice %arg5[%mul3A_296] : memref<29360128xf32, #tpu.memory_space<hbm>> -> memref<4096xf32, #tpu.memory_space<hbm>>
      tpu.enqueue_dma source(%dma_start3A_374 : memref<4096xf32, #tpu.memory_space<hbm>>) target(%dma_start3A_373 : memref<4096xf32, #tpu.memory_space<vmem>>) target_semaphore(%arg14 : memref<!tpu.dma_semaphore, #tpu.memory_space<semaphore_mem>>)
      %dma_start3A_375 = arith.constant 40960 : i32
      %dma_start3A_376 = tpu.memref_slice %arg11[%dma_start3A_375] : memref<57344xf32, #tpu.memory_space<vmem>> -> memref<4096xf32, #tpu.memory_space<vmem>>
      %dma_start3A_377 = tpu.memref_slice %arg5[%mul3A_305] : memref<29360128xf32, #tpu.memory_space<hbm>> -> memref<4096xf32, #tpu.memory_space<hbm>>
      %dma_start3A_378 = arith.constant 40960 : i32
      %dma_start3A_379 = tpu.memref_slice %arg11[%dma_start3A_378] : memref<57344xf32, #tpu.memory_space<vmem>> -> memref<4096xf32, #tpu.memory_space<vmem>>
      %dma_start3A_380 = tpu.memref_slice %arg5[%mul3A_305] : memref<29360128xf32, #tpu.memory_space<hbm>> -> memref<4096xf32, #tpu.memory_space<hbm>>
      tpu.enqueue_dma source(%dma_start3A_380 : memref<4096xf32, #tpu.memory_space<hbm>>) target(%dma_start3A_379 : memref<4096xf32, #tpu.memory_space<vmem>>) target_semaphore(%arg14 : memref<!tpu.dma_semaphore, #tpu.memory_space<semaphore_mem>>)
      %dma_start3A_381 = arith.constant 45056 : i32
      %dma_start3A_382 = tpu.memref_slice %arg11[%dma_start3A_381] : memref<57344xf32, #tpu.memory_space<vmem>> -> memref<4096xf32, #tpu.memory_space<vmem>>
      %dma_start3A_383 = tpu.memref_slice %arg5[%mul3A_314] : memref<29360128xf32, #tpu.memory_space<hbm>> -> memref<4096xf32, #tpu.memory_space<hbm>>
      %dma_start3A_384 = arith.constant 45056 : i32
      %dma_start3A_385 = tpu.memref_slice %arg11[%dma_start3A_384] : memref<57344xf32, #tpu.memory_space<vmem>> -> memref<4096xf32, #tpu.memory_space<vmem>>
      %dma_start3A_386 = tpu.memref_slice %arg5[%mul3A_314] : memref<29360128xf32, #tpu.memory_space<hbm>> -> memref<4096xf32, #tpu.memory_space<hbm>>
      tpu.enqueue_dma source(%dma_start3A_386 : memref<4096xf32, #tpu.memory_space<hbm>>) target(%dma_start3A_385 : memref<4096xf32, #tpu.memory_space<vmem>>) target_semaphore(%arg14 : memref<!tpu.dma_semaphore, #tpu.memory_space<semaphore_mem>>)
      %dma_start3A_387 = arith.constant 49152 : i32
      %dma_start3A_388 = tpu.memref_slice %arg11[%dma_start3A_387] : memref<57344xf32, #tpu.memory_space<vmem>> -> memref<4096xf32, #tpu.memory_space<vmem>>
      %dma_start3A_389 = tpu.memref_slice %arg5[%mul3A_323] : memref<29360128xf32, #tpu.memory_space<hbm>> -> memref<4096xf32, #tpu.memory_space<hbm>>
      %dma_start3A_390 = arith.constant 49152 : i32
      %dma_start3A_391 = tpu.memref_slice %arg11[%dma_start3A_390] : memref<57344xf32, #tpu.memory_space<vmem>> -> memref<4096xf32, #tpu.memory_space<vmem>>
      %dma_start3A_392 = tpu.memref_slice %arg5[%mul3A_323] : memref<29360128xf32, #tpu.memory_space<hbm>> -> memref<4096xf32, #tpu.memory_space<hbm>>
      tpu.enqueue_dma source(%dma_start3A_392 : memref<4096xf32, #tpu.memory_space<hbm>>) target(%dma_start3A_391 : memref<4096xf32, #tpu.memory_space<vmem>>) target_semaphore(%arg14 : memref<!tpu.dma_semaphore, #tpu.memory_space<semaphore_mem>>)
      %dma_start3A_393 = arith.constant 53248 : i32
      %dma_start3A_394 = tpu.memref_slice %arg11[%dma_start3A_393] : memref<57344xf32, #tpu.memory_space<vmem>> -> memref<4096xf32, #tpu.memory_space<vmem>>
      %dma_start3A_395 = tpu.memref_slice %arg5[%mul3A_332] : memref<29360128xf32, #tpu.memory_space<hbm>> -> memref<4096xf32, #tpu.memory_space<hbm>>
      %dma_start3A_396 = arith.constant 53248 : i32
      %dma_start3A_397 = tpu.memref_slice %arg11[%dma_start3A_396] : memref<57344xf32, #tpu.memory_space<vmem>> -> memref<4096xf32, #tpu.memory_space<vmem>>
      %dma_start3A_398 = tpu.memref_slice %arg5[%mul3A_332] : memref<29360128xf32, #tpu.memory_space<hbm>> -> memref<4096xf32, #tpu.memory_space<hbm>>
      tpu.enqueue_dma source(%dma_start3A_398 : memref<4096xf32, #tpu.memory_space<hbm>>) target(%dma_start3A_397 : memref<4096xf32, #tpu.memory_space<vmem>>) target_semaphore(%arg14 : memref<!tpu.dma_semaphore, #tpu.memory_space<semaphore_mem>>)
      %mul3A_399 = arith.constant 32 : i32
      %mul3A_400 = arith.muli %mul3A_257, %mul3A_399 : i32
      %add3A_401 = arith.addi %add3A_34, %mul3A_400 : i32
      %mul3A_402 = arith.constant 16384 : i32
      %mul3A_403 = arith.muli %select_n3A, %mul3A_402 : i32
      %add3A_404 = arith.addi %mul3A_403, %add3A_401 : i32
      %mul3A_405 = arith.constant 128 : i32
      %mul3A_406 = arith.muli %add3A_404, %mul3A_405 : i32
      %add3A_407 = arith.constant 4194304 : i32
      %add3A_408 = arith.addi %mul3A_406, %add3A_407 : i32
      %mul3A_409 = arith.constant 7 : i32
      %mul3A_410 = arith.muli %select_n3A, %mul3A_409 : i32
      %add3A_411 = arith.constant 0 : i32
      %add3A_412 = arith.addi %mul3A_410, %add3A_411 : i32
      %mul3A_413 = arith.constant 16384 : i32
      %mul3A_414 = arith.muli %add3A_412, %mul3A_413 : i32
      %add3A_415 = arith.addi %mul3A_414, %add3A_401 : i32
      %mul3A_416 = arith.constant 128 : i32
      %mul3A_417 = arith.muli %add3A_415, %mul3A_416 : i32
      %mul3A_418 = arith.constant 7 : i32
      %mul3A_419 = arith.muli %select_n3A, %mul3A_418 : i32
      %add3A_420 = arith.constant 1 : i32
      %add3A_421 = arith.addi %mul3A_419, %add3A_420 : i32
      %mul3A_422 = arith.constant 16384 : i32
      %mul3A_423 = arith.muli %add3A_421, %mul3A_422 : i32
      %add3A_424 = arith.addi %mul3A_423, %add3A_401 : i32
      %mul3A_425 = arith.constant 128 : i32
      %mul3A_426 = arith.muli %add3A_424, %mul3A_425 : i32
      %mul3A_427 = arith.constant 7 : i32
      %mul3A_428 = arith.muli %select_n3A, %mul3A_427 : i32
      %add3A_429 = arith.constant 2 : i32
      %add3A_430 = arith.addi %mul3A_428, %add3A_429 : i32
      %mul3A_431 = arith.constant 16384 : i32
      %mul3A_432 = arith.muli %add3A_430, %mul3A_431 : i32
      %add3A_433 = arith.addi %mul3A_432, %add3A_401 : i32
      %mul3A_434 = arith.constant 128 : i32
      %mul3A_435 = arith.muli %add3A_433, %mul3A_434 : i32
      %mul3A_436 = arith.constant 7 : i32
      %mul3A_437 = arith.muli %select_n3A, %mul3A_436 : i32
      %add3A_438 = arith.constant 3 : i32
      %add3A_439 = arith.addi %mul3A_437, %add3A_438 : i32
      %mul3A_440 = arith.constant 16384 : i32
      %mul3A_441 = arith.muli %add3A_439, %mul3A_440 : i32
      %add3A_442 = arith.addi %mul3A_441, %add3A_401 : i32
      %mul3A_443 = arith.constant 128 : i32
      %mul3A_444 = arith.muli %add3A_442, %mul3A_443 : i32
      %mul3A_445 = arith.constant 7 : i32
      %mul3A_446 = arith.muli %select_n3A, %mul3A_445 : i32
      %add3A_447 = arith.constant 4 : i32
      %add3A_448 = arith.addi %mul3A_446, %add3A_447 : i32
      %mul3A_449 = arith.constant 16384 : i32
      %mul3A_450 = arith.muli %add3A_448, %mul3A_449 : i32
      %add3A_451 = arith.addi %mul3A_450, %add3A_401 : i32
      %mul3A_452 = arith.constant 128 : i32
      %mul3A_453 = arith.muli %add3A_451, %mul3A_452 : i32
      %mul3A_454 = arith.constant 7 : i32
      %mul3A_455 = arith.muli %select_n3A, %mul3A_454 : i32
      %add3A_456 = arith.constant 5 : i32
      %add3A_457 = arith.addi %mul3A_455, %add3A_456 : i32
      %mul3A_458 = arith.constant 16384 : i32
      %mul3A_459 = arith.muli %add3A_457, %mul3A_458 : i32
      %add3A_460 = arith.addi %mul3A_459, %add3A_401 : i32
      %mul3A_461 = arith.constant 128 : i32
      %mul3A_462 = arith.muli %add3A_460, %mul3A_461 : i32
      %mul3A_463 = arith.constant 7 : i32
      %mul3A_464 = arith.muli %select_n3A, %mul3A_463 : i32
      %add3A_465 = arith.constant 6 : i32
      %add3A_466 = arith.addi %mul3A_464, %add3A_465 : i32
      %mul3A_467 = arith.constant 16384 : i32
      %mul3A_468 = arith.muli %add3A_466, %mul3A_467 : i32
      %add3A_469 = arith.addi %mul3A_468, %add3A_401 : i32
      %mul3A_470 = arith.constant 128 : i32
      %mul3A_471 = arith.muli %add3A_469, %mul3A_470 : i32
      %dma_wait3A = arith.constant 0 : i32
      %dma_wait3A_472 = tpu.memref_slice %arg7[%dma_wait3A] : memref<8192xf32, #tpu.memory_space<vmem>> -> memref<4096xf32, #tpu.memory_space<vmem>>
      %dma_wait3A_473 = tpu.memref_slice %arg2[%mul3A_406] : memref<4194304xf32, #tpu.memory_space<hbm>> -> memref<4096xf32, #tpu.memory_space<hbm>>
      %dma_wait3A_474 = arith.constant 0 : i32
      %dma_wait3A_475 = tpu.memref_slice %arg7[%dma_wait3A_474] : memref<8192xf32, #tpu.memory_space<vmem>> -> memref<4096xf32, #tpu.memory_space<vmem>>
      %dma_wait3A_476 = tpu.memref_slice %arg2[%mul3A_406] : memref<4194304xf32, #tpu.memory_space<hbm>> -> memref<4096xf32, #tpu.memory_space<hbm>>
      tpu.wait_dma2 semaphore(%arg13 : memref<!tpu.dma_semaphore, #tpu.memory_space<semaphore_mem>>) src(%dma_wait3A_476 : memref<4096xf32, #tpu.memory_space<hbm>>) dst(%dma_wait3A_475 : memref<4096xf32, #tpu.memory_space<vmem>>)
      %dma_wait3A_477 = arith.constant 0 : i32
      %dma_wait3A_478 = tpu.memref_slice %arg8[%dma_wait3A_477] : memref<8192xf32, #tpu.memory_space<vmem>> -> memref<4096xf32, #tpu.memory_space<vmem>>
      %dma_wait3A_479 = tpu.memref_slice %arg3[%mul3A_406] : memref<8388608xf32, #tpu.memory_space<hbm>> -> memref<4096xf32, #tpu.memory_space<hbm>>
      %dma_wait3A_480 = arith.constant 0 : i32
      %dma_wait3A_481 = tpu.memref_slice %arg8[%dma_wait3A_480] : memref<8192xf32, #tpu.memory_space<vmem>> -> memref<4096xf32, #tpu.memory_space<vmem>>
      %dma_wait3A_482 = tpu.memref_slice %arg3[%mul3A_406] : memref<8388608xf32, #tpu.memory_space<hbm>> -> memref<4096xf32, #tpu.memory_space<hbm>>
      tpu.wait_dma2 semaphore(%arg13 : memref<!tpu.dma_semaphore, #tpu.memory_space<semaphore_mem>>) src(%dma_wait3A_482 : memref<4096xf32, #tpu.memory_space<hbm>>) dst(%dma_wait3A_481 : memref<4096xf32, #tpu.memory_space<vmem>>)
      %dma_wait3A_483 = arith.constant 0 : i32
      %dma_wait3A_484 = tpu.memref_slice %arg9[%dma_wait3A_483] : memref<8192xf32, #tpu.memory_space<vmem>> -> memref<4096xf32, #tpu.memory_space<vmem>>
      %dma_wait3A_485 = tpu.memref_slice %arg3[%add3A_408] : memref<8388608xf32, #tpu.memory_space<hbm>> -> memref<4096xf32, #tpu.memory_space<hbm>>
      %dma_wait3A_486 = arith.constant 0 : i32
      %dma_wait3A_487 = tpu.memref_slice %arg9[%dma_wait3A_486] : memref<8192xf32, #tpu.memory_space<vmem>> -> memref<4096xf32, #tpu.memory_space<vmem>>
      %dma_wait3A_488 = tpu.memref_slice %arg3[%add3A_408] : memref<8388608xf32, #tpu.memory_space<hbm>> -> memref<4096xf32, #tpu.memory_space<hbm>>
      tpu.wait_dma2 semaphore(%arg13 : memref<!tpu.dma_semaphore, #tpu.memory_space<semaphore_mem>>) src(%dma_wait3A_488 : memref<4096xf32, #tpu.memory_space<hbm>>) dst(%dma_wait3A_487 : memref<4096xf32, #tpu.memory_space<vmem>>)
      %dma_wait3A_489 = arith.constant 0 : i32
      %dma_wait3A_490 = tpu.memref_slice %arg10[%dma_wait3A_489] : memref<8192xf32, #tpu.memory_space<vmem>> -> memref<4096xf32, #tpu.memory_space<vmem>>
      %dma_wait3A_491 = tpu.memref_slice %arg4[%mul3A_406] : memref<4194304xf32, #tpu.memory_space<hbm>> -> memref<4096xf32, #tpu.memory_space<hbm>>
      %dma_wait3A_492 = arith.constant 0 : i32
      %dma_wait3A_493 = tpu.memref_slice %arg10[%dma_wait3A_492] : memref<8192xf32, #tpu.memory_space<vmem>> -> memref<4096xf32, #tpu.memory_space<vmem>>
      %dma_wait3A_494 = tpu.memref_slice %arg4[%mul3A_406] : memref<4194304xf32, #tpu.memory_space<hbm>> -> memref<4096xf32, #tpu.memory_space<hbm>>
      tpu.wait_dma2 semaphore(%arg13 : memref<!tpu.dma_semaphore, #tpu.memory_space<semaphore_mem>>) src(%dma_wait3A_494 : memref<4096xf32, #tpu.memory_space<hbm>>) dst(%dma_wait3A_493 : memref<4096xf32, #tpu.memory_space<vmem>>)
      %dma_wait3A_495 = arith.constant 0 : i32
      %dma_wait3A_496 = tpu.memref_slice %arg11[%dma_wait3A_495] : memref<57344xf32, #tpu.memory_space<vmem>> -> memref<4096xf32, #tpu.memory_space<vmem>>
      %dma_wait3A_497 = tpu.memref_slice %arg5[%mul3A_417] : memref<29360128xf32, #tpu.memory_space<hbm>> -> memref<4096xf32, #tpu.memory_space<hbm>>
      %dma_wait3A_498 = arith.constant 0 : i32
      %dma_wait3A_499 = tpu.memref_slice %arg11[%dma_wait3A_498] : memref<57344xf32, #tpu.memory_space<vmem>> -> memref<4096xf32, #tpu.memory_space<vmem>>
      %dma_wait3A_500 = tpu.memref_slice %arg5[%mul3A_417] : memref<29360128xf32, #tpu.memory_space<hbm>> -> memref<4096xf32, #tpu.memory_space<hbm>>
      tpu.wait_dma2 semaphore(%arg13 : memref<!tpu.dma_semaphore, #tpu.memory_space<semaphore_mem>>) src(%dma_wait3A_500 : memref<4096xf32, #tpu.memory_space<hbm>>) dst(%dma_wait3A_499 : memref<4096xf32, #tpu.memory_space<vmem>>)
      %dma_wait3A_501 = arith.constant 4096 : i32
      %dma_wait3A_502 = tpu.memref_slice %arg11[%dma_wait3A_501] : memref<57344xf32, #tpu.memory_space<vmem>> -> memref<4096xf32, #tpu.memory_space<vmem>>
      %dma_wait3A_503 = tpu.memref_slice %arg5[%mul3A_426] : memref<29360128xf32, #tpu.memory_space<hbm>> -> memref<4096xf32, #tpu.memory_space<hbm>>
      %dma_wait3A_504 = arith.constant 4096 : i32
      %dma_wait3A_505 = tpu.memref_slice %arg11[%dma_wait3A_504] : memref<57344xf32, #tpu.memory_space<vmem>> -> memref<4096xf32, #tpu.memory_space<vmem>>
      %dma_wait3A_506 = tpu.memref_slice %arg5[%mul3A_426] : memref<29360128xf32, #tpu.memory_space<hbm>> -> memref<4096xf32, #tpu.memory_space<hbm>>
      tpu.wait_dma2 semaphore(%arg13 : memref<!tpu.dma_semaphore, #tpu.memory_space<semaphore_mem>>) src(%dma_wait3A_506 : memref<4096xf32, #tpu.memory_space<hbm>>) dst(%dma_wait3A_505 : memref<4096xf32, #tpu.memory_space<vmem>>)
      %dma_wait3A_507 = arith.constant 8192 : i32
      %dma_wait3A_508 = tpu.memref_slice %arg11[%dma_wait3A_507] : memref<57344xf32, #tpu.memory_space<vmem>> -> memref<4096xf32, #tpu.memory_space<vmem>>
      %dma_wait3A_509 = tpu.memref_slice %arg5[%mul3A_435] : memref<29360128xf32, #tpu.memory_space<hbm>> -> memref<4096xf32, #tpu.memory_space<hbm>>
      %dma_wait3A_510 = arith.constant 8192 : i32
      %dma_wait3A_511 = tpu.memref_slice %arg11[%dma_wait3A_510] : memref<57344xf32, #tpu.memory_space<vmem>> -> memref<4096xf32, #tpu.memory_space<vmem>>
      %dma_wait3A_512 = tpu.memref_slice %arg5[%mul3A_435] : memref<29360128xf32, #tpu.memory_space<hbm>> -> memref<4096xf32, #tpu.memory_space<hbm>>
      tpu.wait_dma2 semaphore(%arg13 : memref<!tpu.dma_semaphore, #tpu.memory_space<semaphore_mem>>) src(%dma_wait3A_512 : memref<4096xf32, #tpu.memory_space<hbm>>) dst(%dma_wait3A_511 : memref<4096xf32, #tpu.memory_space<vmem>>)
      %dma_wait3A_513 = arith.constant 12288 : i32
      %dma_wait3A_514 = tpu.memref_slice %arg11[%dma_wait3A_513] : memref<57344xf32, #tpu.memory_space<vmem>> -> memref<4096xf32, #tpu.memory_space<vmem>>
      %dma_wait3A_515 = tpu.memref_slice %arg5[%mul3A_444] : memref<29360128xf32, #tpu.memory_space<hbm>> -> memref<4096xf32, #tpu.memory_space<hbm>>
      %dma_wait3A_516 = arith.constant 12288 : i32
      %dma_wait3A_517 = tpu.memref_slice %arg11[%dma_wait3A_516] : memref<57344xf32, #tpu.memory_space<vmem>> -> memref<4096xf32, #tpu.memory_space<vmem>>
      %dma_wait3A_518 = tpu.memref_slice %arg5[%mul3A_444] : memref<29360128xf32, #tpu.memory_space<hbm>> -> memref<4096xf32, #tpu.memory_space<hbm>>
      tpu.wait_dma2 semaphore(%arg13 : memref<!tpu.dma_semaphore, #tpu.memory_space<semaphore_mem>>) src(%dma_wait3A_518 : memref<4096xf32, #tpu.memory_space<hbm>>) dst(%dma_wait3A_517 : memref<4096xf32, #tpu.memory_space<vmem>>)
      %dma_wait3A_519 = arith.constant 16384 : i32
      %dma_wait3A_520 = tpu.memref_slice %arg11[%dma_wait3A_519] : memref<57344xf32, #tpu.memory_space<vmem>> -> memref<4096xf32, #tpu.memory_space<vmem>>
      %dma_wait3A_521 = tpu.memref_slice %arg5[%mul3A_453] : memref<29360128xf32, #tpu.memory_space<hbm>> -> memref<4096xf32, #tpu.memory_space<hbm>>
      %dma_wait3A_522 = arith.constant 16384 : i32
      %dma_wait3A_523 = tpu.memref_slice %arg11[%dma_wait3A_522] : memref<57344xf32, #tpu.memory_space<vmem>> -> memref<4096xf32, #tpu.memory_space<vmem>>
      %dma_wait3A_524 = tpu.memref_slice %arg5[%mul3A_453] : memref<29360128xf32, #tpu.memory_space<hbm>> -> memref<4096xf32, #tpu.memory_space<hbm>>
      tpu.wait_dma2 semaphore(%arg13 : memref<!tpu.dma_semaphore, #tpu.memory_space<semaphore_mem>>) src(%dma_wait3A_524 : memref<4096xf32, #tpu.memory_space<hbm>>) dst(%dma_wait3A_523 : memref<4096xf32, #tpu.memory_space<vmem>>)
      %dma_wait3A_525 = arith.constant 20480 : i32
      %dma_wait3A_526 = tpu.memref_slice %arg11[%dma_wait3A_525] : memref<57344xf32, #tpu.memory_space<vmem>> -> memref<4096xf32, #tpu.memory_space<vmem>>
      %dma_wait3A_527 = tpu.memref_slice %arg5[%mul3A_462] : memref<29360128xf32, #tpu.memory_space<hbm>> -> memref<4096xf32, #tpu.memory_space<hbm>>
      %dma_wait3A_528 = arith.constant 20480 : i32
      %dma_wait3A_529 = tpu.memref_slice %arg11[%dma_wait3A_528] : memref<57344xf32, #tpu.memory_space<vmem>> -> memref<4096xf32, #tpu.memory_space<vmem>>
      %dma_wait3A_530 = tpu.memref_slice %arg5[%mul3A_462] : memref<29360128xf32, #tpu.memory_space<hbm>> -> memref<4096xf32, #tpu.memory_space<hbm>>
      tpu.wait_dma2 semaphore(%arg13 : memref<!tpu.dma_semaphore, #tpu.memory_space<semaphore_mem>>) src(%dma_wait3A_530 : memref<4096xf32, #tpu.memory_space<hbm>>) dst(%dma_wait3A_529 : memref<4096xf32, #tpu.memory_space<vmem>>)
      %dma_wait3A_531 = arith.constant 24576 : i32
      %dma_wait3A_532 = tpu.memref_slice %arg11[%dma_wait3A_531] : memref<57344xf32, #tpu.memory_space<vmem>> -> memref<4096xf32, #tpu.memory_space<vmem>>
      %dma_wait3A_533 = tpu.memref_slice %arg5[%mul3A_471] : memref<29360128xf32, #tpu.memory_space<hbm>> -> memref<4096xf32, #tpu.memory_space<hbm>>
      %dma_wait3A_534 = arith.constant 24576 : i32
      %dma_wait3A_535 = tpu.memref_slice %arg11[%dma_wait3A_534] : memref<57344xf32, #tpu.memory_space<vmem>> -> memref<4096xf32, #tpu.memory_space<vmem>>
      %dma_wait3A_536 = tpu.memref_slice %arg5[%mul3A_471] : memref<29360128xf32, #tpu.memory_space<hbm>> -> memref<4096xf32, #tpu.memory_space<hbm>>
      tpu.wait_dma2 semaphore(%arg13 : memref<!tpu.dma_semaphore, #tpu.memory_space<semaphore_mem>>) src(%dma_wait3A_536 : memref<4096xf32, #tpu.memory_space<hbm>>) dst(%dma_wait3A_535 : memref<4096xf32, #tpu.memory_space<vmem>>)
      %scan3A_537 = arith.constant 0 : i32
      %scan3A_538 = arith.constant 256 : i32
      %scan3A_539 = arith.addi %scan3A_537, %scan3A_538 : i32
      %scan3A_540 = arith.constant 2 : i32
      %scan3A_541:10 = scf.for %scan3A_693 = %scan3A_537 to %scan3A_539 step %scan3A_540 iter_args(%scan3A_694 = %scan3A_246, %scan3A_695 = %scan3A_247, %scan3A_696 = %scan3A_248, %scan3A_697 = %scan3A_249, %scan3A_698 = %scan3A_250, %scan3A_699 = %scan3A_251, %scan3A_700 = %scan3A_252, %scan3A_701 = %scan3A_253, %scan3A_702 = %scan3A_254, %scan3A_703 = %scan3A_255) -> (vector<16xf32>, vector<16xf32>, vector<16xf32>, vector<16xf32>, vector<16xf32>, vector<16xf32>, vector<16xf32>, vector<16xf32>, vector<16xf32>, vector<16xf32>)  : i32 {
        %mul3A_704 = arith.constant 16 : i32
        %mul3A_705 = arith.muli %scan3A_693, %mul3A_704 : i32
        %add3A_706 = arith.constant 0 : i32
        %add3A_707 = arith.addi %add3A_706, %mul3A_705 : i32
        %get3A = arith.index_cast %add3A_707 : i32 to index
        %get3A_708 = tpu.vector_load %arg7[%get3A] {strides = array<i32>} : memref<8192xf32, #tpu.memory_space<vmem>>, vector<16xf32>,
        %get3A_709 = vector.shape_cast %get3A_708 : vector<16xf32> to vector<16xf32>
        %get3A_710 = arith.index_cast %add3A_707 : i32 to index
        %get3A_711 = tpu.vector_load %arg8[%get3A_710] {strides = array<i32>} : memref<8192xf32, #tpu.memory_space<vmem>>, vector<16xf32>,
        %get3A_712 = vector.shape_cast %get3A_711 : vector<16xf32> to vector<16xf32>
        %get3A_713 = arith.index_cast %add3A_707 : i32 to index
        %get3A_714 = tpu.vector_load %arg9[%get3A_713] {strides = array<i32>} : memref<8192xf32, #tpu.memory_space<vmem>>, vector<16xf32>,
        %get3A_715 = vector.shape_cast %get3A_714 : vector<16xf32> to vector<16xf32>
        %gt3A = arith.constant 0.000000e+00 : f32
        %gt3A_716 = vector.broadcast %gt3A : f32 to vector<16xf32>
        %gt3A_717 = arith.cmpf ogt, %get3A_715, %gt3A_716 : vector<16xf32>
        %get3A_718 = arith.index_cast %add3A_707 : i32 to index
        %get3A_719 = tpu.vector_load %arg10[%get3A_718] {strides = array<i32>} : memref<8192xf32, #tpu.memory_space<vmem>>, vector<16xf32>,
        %get3A_720 = vector.shape_cast %get3A_719 : vector<16xf32> to vector<16xf32>
        %gt3A_721 = arith.constant 0.000000e+00 : f32
        %gt3A_722 = vector.broadcast %gt3A_721 : f32 to vector<16xf32>
        %gt3A_723 = arith.cmpf ogt, %get3A_720, %gt3A_722 : vector<16xf32>
        %mul3A_724 = arith.constant 16 : i32
        %mul3A_725 = arith.muli %scan3A_693, %mul3A_724 : i32
        %add3A_726 = arith.constant 0 : i32
        %add3A_727 = arith.addi %add3A_726, %mul3A_725 : i32
        %get3A_728 = arith.index_cast %add3A_727 : i32 to index
        %get3A_729 = tpu.vector_load %arg11[%get3A_728] {strides = array<i32>} : memref<57344xf32, #tpu.memory_space<vmem>>, vector<16xf32>,
        %get3A_730 = vector.shape_cast %get3A_729 : vector<16xf32> to vector<16xf32>
        %add3A_731 = arith.constant 4096 : i32
        %add3A_732 = arith.addi %add3A_727, %add3A_731 : i32
        %get3A_733 = arith.index_cast %add3A_732 : i32 to index
        %get3A_734 = tpu.vector_load %arg11[%get3A_733] {strides = array<i32>} : memref<57344xf32, #tpu.memory_space<vmem>>, vector<16xf32>,
        %get3A_735 = vector.shape_cast %get3A_734 : vector<16xf32> to vector<16xf32>
        %add3A_736 = arith.addf %get3A_730, %get3A_735 : vector<16xf32>
        %add3A_737 = arith.constant 8192 : i32
        %add3A_738 = arith.addi %add3A_727, %add3A_737 : i32
        %get3A_739 = arith.index_cast %add3A_738 : i32 to index
        %get3A_740 = tpu.vector_load %arg11[%get3A_739] {strides = array<i32>} : memref<57344xf32, #tpu.memory_space<vmem>>, vector<16xf32>,
        %get3A_741 = vector.shape_cast %get3A_740 : vector<16xf32> to vector<16xf32>
        %add3A_742 = arith.addf %add3A_736, %get3A_741 : vector<16xf32>
        %add3A_743 = arith.constant 12288 : i32
        %add3A_744 = arith.addi %add3A_727, %add3A_743 : i32
        %get3A_745 = arith.index_cast %add3A_744 : i32 to index
        %get3A_746 = tpu.vector_load %arg11[%get3A_745] {strides = array<i32>} : memref<57344xf32, #tpu.memory_space<vmem>>, vector<16xf32>,
        %get3A_747 = vector.shape_cast %get3A_746 : vector<16xf32> to vector<16xf32>
        %add3A_748 = arith.addf %add3A_742, %get3A_747 : vector<16xf32>
        %add3A_749 = arith.constant 16384 : i32
        %add3A_750 = arith.addi %add3A_727, %add3A_749 : i32
        %get3A_751 = arith.index_cast %add3A_750 : i32 to index
        %get3A_752 = tpu.vector_load %arg11[%get3A_751] {strides = array<i32>} : memref<57344xf32, #tpu.memory_space<vmem>>, vector<16xf32>,
        %get3A_753 = vector.shape_cast %get3A_752 : vector<16xf32> to vector<16xf32>
        %add3A_754 = arith.addf %add3A_748, %get3A_753 : vector<16xf32>
        %add3A_755 = arith.constant 20480 : i32
        %add3A_756 = arith.addi %add3A_727, %add3A_755 : i32
        %get3A_757 = arith.index_cast %add3A_756 : i32 to index
        %get3A_758 = tpu.vector_load %arg11[%get3A_757] {strides = array<i32>} : memref<57344xf32, #tpu.memory_space<vmem>>, vector<16xf32>,
        %get3A_759 = vector.shape_cast %get3A_758 : vector<16xf32> to vector<16xf32>
        %add3A_760 = arith.addf %add3A_754, %get3A_759 : vector<16xf32>
        %add3A_761 = arith.constant 24576 : i32
        %add3A_762 = arith.addi %add3A_727, %add3A_761 : i32
        %get3A_763 = arith.index_cast %add3A_762 : i32 to index
        %get3A_764 = tpu.vector_load %arg11[%get3A_763] {strides = array<i32>} : memref<57344xf32, #tpu.memory_space<vmem>>, vector<16xf32>,
        %get3A_765 = vector.shape_cast %get3A_764 : vector<16xf32> to vector<16xf32>
        %add3A_766 = arith.addf %add3A_760, %get3A_765 : vector<16xf32>
        %gt3A_767 = arith.constant 0.000000e+00 : f32
        %gt3A_768 = vector.broadcast %gt3A_767 : f32 to vector<16xf32>
        %gt3A_769 = arith.cmpf ogt, %add3A_766, %gt3A_768 : vector<16xf32>
        %sub3A_770 = arith.subf %get3A_709, %get3A_712 : vector<16xf32>
        %abs3A = math.absf %sub3A_770 : vector<16xf32>
        %broadcast_in_dim3A_771 = arith.constant 1.000000e+00 : f32
        %broadcast_in_dim3A_772 = vector.broadcast %broadcast_in_dim3A_771 : f32 to vector<16xf32>
        %broadcast_in_dim3A_773 = arith.constant 0.000000e+00 : f32
        %broadcast_in_dim3A_774 = vector.broadcast %broadcast_in_dim3A_773 : f32 to vector<16xf32>
        %select_n3A_775 = arith.select %gt3A_717, %abs3A, %broadcast_in_dim3A_774 : vector<16xi1>, vector<16xf32>
        %add3A_776 = arith.addf %scan3A_694, %select_n3A_775 : vector<16xf32>
        %select_n3A_777 = arith.select %gt3A_717, %broadcast_in_dim3A_772, %broadcast_in_dim3A_774 : vector<16xi1>, vector<16xf32>
        %add3A_778 = arith.addf %scan3A_695, %select_n3A_777 : vector<16xf32>
        %select_n3A_779 = arith.select %gt3A_723, %abs3A, %broadcast_in_dim3A_774 : vector<16xi1>, vector<16xf32>
        %add3A_780 = arith.addf %scan3A_696, %select_n3A_779 : vector<16xf32>
        %select_n3A_781 = arith.select %gt3A_723, %broadcast_in_dim3A_772, %broadcast_in_dim3A_774 : vector<16xi1>, vector<16xf32>
        %add3A_782 = arith.addf %scan3A_697, %select_n3A_781 : vector<16xf32>
        %select_n3A_783 = arith.select %gt3A_769, %abs3A, %broadcast_in_dim3A_774 : vector<16xi1>, vector<16xf32>
        %add3A_784 = arith.addf %scan3A_698, %select_n3A_783 : vector<16xf32>
        %select_n3A_785 = arith.select %gt3A_769, %broadcast_in_dim3A_772, %broadcast_in_dim3A_774 : vector<16xi1>, vector<16xf32>
        %add3A_786 = arith.addf %scan3A_699, %select_n3A_785 : vector<16xf32>
        %broadcast_in_dim3A_787 = arith.constant 0xFF800000 : f32
        %broadcast_in_dim3A_788 = vector.broadcast %broadcast_in_dim3A_787 : f32 to vector<16xf32>
        %broadcast_in_dim3A_789 = arith.constant 0x7F800000 : f32
        %broadcast_in_dim3A_790 = vector.broadcast %broadcast_in_dim3A_789 : f32 to vector<16xf32>
        %select_n3A_791 = arith.select %gt3A_717, %get3A_712, %broadcast_in_dim3A_788 : vector<16xi1>, vector<16xf32>
        %max3A = arith.maximumf %scan3A_700, %select_n3A_791 : vector<16xf32>
        %select_n3A_792 = arith.select %gt3A_717, %get3A_709, %broadcast_in_dim3A_788 : vector<16xi1>, vector<16xf32>
        %max3A_793 = arith.maximumf %scan3A_701, %select_n3A_792 : vector<16xf32>
        %select_n3A_794 = arith.select %gt3A_717, %get3A_712, %broadcast_in_dim3A_790 : vector<16xi1>, vector<16xf32>
        %min3A = arith.minimumf %scan3A_702, %select_n3A_794 : vector<16xf32>
        %select_n3A_795 = arith.select %gt3A_717, %get3A_709, %broadcast_in_dim3A_790 : vector<16xi1>, vector<16xf32>
        %min3A_796 = arith.minimumf %scan3A_703, %select_n3A_795 : vector<16xf32>
        %scan3A_797 = arith.constant 1 : i32
        %scan3A_798 = arith.addi %scan3A_693, %scan3A_797 : i32
        %mul3A_799 = arith.constant 16 : i32
        %mul3A_800 = arith.muli %scan3A_798, %mul3A_799 : i32
        %add3A_801 = arith.constant 0 : i32
        %add3A_802 = arith.addi %add3A_801, %mul3A_800 : i32
        %get3A_803 = arith.index_cast %add3A_802 : i32 to index
        %get3A_804 = tpu.vector_load %arg7[%get3A_803] {strides = array<i32>} : memref<8192xf32, #tpu.memory_space<vmem>>, vector<16xf32>,
        %get3A_805 = vector.shape_cast %get3A_804 : vector<16xf32> to vector<16xf32>
        %get3A_806 = arith.index_cast %add3A_802 : i32 to index
        %get3A_807 = tpu.vector_load %arg8[%get3A_806] {strides = array<i32>} : memref<8192xf32, #tpu.memory_space<vmem>>, vector<16xf32>,
        %get3A_808 = vector.shape_cast %get3A_807 : vector<16xf32> to vector<16xf32>
        %get3A_809 = arith.index_cast %add3A_802 : i32 to index
        %get3A_810 = tpu.vector_load %arg9[%get3A_809] {strides = array<i32>} : memref<8192xf32, #tpu.memory_space<vmem>>, vector<16xf32>,
        %get3A_811 = vector.shape_cast %get3A_810 : vector<16xf32> to vector<16xf32>
        %gt3A_812 = arith.constant 0.000000e+00 : f32
        %gt3A_813 = vector.broadcast %gt3A_812 : f32 to vector<16xf32>
        %gt3A_814 = arith.cmpf ogt, %get3A_811, %gt3A_813 : vector<16xf32>
        %get3A_815 = arith.index_cast %add3A_802 : i32 to index
        %get3A_816 = tpu.vector_load %arg10[%get3A_815] {strides = array<i32>} : memref<8192xf32, #tpu.memory_space<vmem>>, vector<16xf32>,
        %get3A_817 = vector.shape_cast %get3A_816 : vector<16xf32> to vector<16xf32>
        %gt3A_818 = arith.constant 0.000000e+00 : f32
        %gt3A_819 = vector.broadcast %gt3A_818 : f32 to vector<16xf32>
        %gt3A_820 = arith.cmpf ogt, %get3A_817, %gt3A_819 : vector<16xf32>
        %mul3A_821 = arith.constant 16 : i32
        %mul3A_822 = arith.muli %scan3A_798, %mul3A_821 : i32
        %add3A_823 = arith.constant 0 : i32
        %add3A_824 = arith.addi %add3A_823, %mul3A_822 : i32
        %get3A_825 = arith.index_cast %add3A_824 : i32 to index
        %get3A_826 = tpu.vector_load %arg11[%get3A_825] {strides = array<i32>} : memref<57344xf32, #tpu.memory_space<vmem>>, vector<16xf32>,
        %get3A_827 = vector.shape_cast %get3A_826 : vector<16xf32> to vector<16xf32>
        %add3A_828 = arith.constant 4096 : i32
        %add3A_829 = arith.addi %add3A_824, %add3A_828 : i32
        %get3A_830 = arith.index_cast %add3A_829 : i32 to index
        %get3A_831 = tpu.vector_load %arg11[%get3A_830] {strides = array<i32>} : memref<57344xf32, #tpu.memory_space<vmem>>, vector<16xf32>,
        %get3A_832 = vector.shape_cast %get3A_831 : vector<16xf32> to vector<16xf32>
        %add3A_833 = arith.addf %get3A_827, %get3A_832 : vector<16xf32>
        %add3A_834 = arith.constant 8192 : i32
        %add3A_835 = arith.addi %add3A_824, %add3A_834 : i32
        %get3A_836 = arith.index_cast %add3A_835 : i32 to index
        %get3A_837 = tpu.vector_load %arg11[%get3A_836] {strides = array<i32>} : memref<57344xf32, #tpu.memory_space<vmem>>, vector<16xf32>,
        %get3A_838 = vector.shape_cast %get3A_837 : vector<16xf32> to vector<16xf32>
        %add3A_839 = arith.addf %add3A_833, %get3A_838 : vector<16xf32>
        %add3A_840 = arith.constant 12288 : i32
        %add3A_841 = arith.addi %add3A_824, %add3A_840 : i32
        %get3A_842 = arith.index_cast %add3A_841 : i32 to index
        %get3A_843 = tpu.vector_load %arg11[%get3A_842] {strides = array<i32>} : memref<57344xf32, #tpu.memory_space<vmem>>, vector<16xf32>,
        %get3A_844 = vector.shape_cast %get3A_843 : vector<16xf32> to vector<16xf32>
        %add3A_845 = arith.addf %add3A_839, %get3A_844 : vector<16xf32>
        %add3A_846 = arith.constant 16384 : i32
        %add3A_847 = arith.addi %add3A_824, %add3A_846 : i32
        %get3A_848 = arith.index_cast %add3A_847 : i32 to index
        %get3A_849 = tpu.vector_load %arg11[%get3A_848] {strides = array<i32>} : memref<57344xf32, #tpu.memory_space<vmem>>, vector<16xf32>,
        %get3A_850 = vector.shape_cast %get3A_849 : vector<16xf32> to vector<16xf32>
        %add3A_851 = arith.addf %add3A_845, %get3A_850 : vector<16xf32>
        %add3A_852 = arith.constant 20480 : i32
        %add3A_853 = arith.addi %add3A_824, %add3A_852 : i32
        %get3A_854 = arith.index_cast %add3A_853 : i32 to index
        %get3A_855 = tpu.vector_load %arg11[%get3A_854] {strides = array<i32>} : memref<57344xf32, #tpu.memory_space<vmem>>, vector<16xf32>,
        %get3A_856 = vector.shape_cast %get3A_855 : vector<16xf32> to vector<16xf32>
        %add3A_857 = arith.addf %add3A_851, %get3A_856 : vector<16xf32>
        %add3A_858 = arith.constant 24576 : i32
        %add3A_859 = arith.addi %add3A_824, %add3A_858 : i32
        %get3A_860 = arith.index_cast %add3A_859 : i32 to index
        %get3A_861 = tpu.vector_load %arg11[%get3A_860] {strides = array<i32>} : memref<57344xf32, #tpu.memory_space<vmem>>, vector<16xf32>,
        %get3A_862 = vector.shape_cast %get3A_861 : vector<16xf32> to vector<16xf32>
        %add3A_863 = arith.addf %add3A_857, %get3A_862 : vector<16xf32>
        %gt3A_864 = arith.constant 0.000000e+00 : f32
        %gt3A_865 = vector.broadcast %gt3A_864 : f32 to vector<16xf32>
        %gt3A_866 = arith.cmpf ogt, %add3A_863, %gt3A_865 : vector<16xf32>
        %sub3A_867 = arith.subf %get3A_805, %get3A_808 : vector<16xf32>
        %abs3A_868 = math.absf %sub3A_867 : vector<16xf32>
        %broadcast_in_dim3A_869 = arith.constant 1.000000e+00 : f32
        %broadcast_in_dim3A_870 = vector.broadcast %broadcast_in_dim3A_869 : f32 to vector<16xf32>
        %broadcast_in_dim3A_871 = arith.constant 0.000000e+00 : f32
        %broadcast_in_dim3A_872 = vector.broadcast %broadcast_in_dim3A_871 : f32 to vector<16xf32>
        %select_n3A_873 = arith.select %gt3A_814, %abs3A_868, %broadcast_in_dim3A_872 : vector<16xi1>, vector<16xf32>
        %add3A_874 = arith.addf %add3A_776, %select_n3A_873 : vector<16xf32>
        %select_n3A_875 = arith.select %gt3A_814, %broadcast_in_dim3A_870, %broadcast_in_dim3A_872 : vector<16xi1>, vector<16xf32>
        %add3A_876 = arith.addf %add3A_778, %select_n3A_875 : vector<16xf32>
        %select_n3A_877 = arith.select %gt3A_820, %abs3A_868, %broadcast_in_dim3A_872 : vector<16xi1>, vector<16xf32>
        %add3A_878 = arith.addf %add3A_780, %select_n3A_877 : vector<16xf32>
        %select_n3A_879 = arith.select %gt3A_820, %broadcast_in_dim3A_870, %broadcast_in_dim3A_872 : vector<16xi1>, vector<16xf32>
        %add3A_880 = arith.addf %add3A_782, %select_n3A_879 : vector<16xf32>
        %select_n3A_881 = arith.select %gt3A_866, %abs3A_868, %broadcast_in_dim3A_872 : vector<16xi1>, vector<16xf32>
        %add3A_882 = arith.addf %add3A_784, %select_n3A_881 : vector<16xf32>
        %select_n3A_883 = arith.select %gt3A_866, %broadcast_in_dim3A_870, %broadcast_in_dim3A_872 : vector<16xi1>, vector<16xf32>
        %add3A_884 = arith.addf %add3A_786, %select_n3A_883 : vector<16xf32>
        %broadcast_in_dim3A_885 = arith.constant 0xFF800000 : f32
        %broadcast_in_dim3A_886 = vector.broadcast %broadcast_in_dim3A_885 : f32 to vector<16xf32>
        %broadcast_in_dim3A_887 = arith.constant 0x7F800000 : f32
        %broadcast_in_dim3A_888 = vector.broadcast %broadcast_in_dim3A_887 : f32 to vector<16xf32>
        %select_n3A_889 = arith.select %gt3A_814, %get3A_808, %broadcast_in_dim3A_886 : vector<16xi1>, vector<16xf32>
        %max3A_890 = arith.maximumf %max3A, %select_n3A_889 : vector<16xf32>
        %select_n3A_891 = arith.select %gt3A_814, %get3A_805, %broadcast_in_dim3A_886 : vector<16xi1>, vector<16xf32>
        %max3A_892 = arith.maximumf %max3A_793, %select_n3A_891 : vector<16xf32>
        %select_n3A_893 = arith.select %gt3A_814, %get3A_808, %broadcast_in_dim3A_888 : vector<16xi1>, vector<16xf32>
        %min3A_894 = arith.minimumf %min3A, %select_n3A_893 : vector<16xf32>
        %select_n3A_895 = arith.select %gt3A_814, %get3A_805, %broadcast_in_dim3A_888 : vector<16xi1>, vector<16xf32>
        %min3A_896 = arith.minimumf %min3A_796, %select_n3A_895 : vector<16xf32>
        scf.yield %add3A_874, %add3A_876, %add3A_878, %add3A_880, %add3A_882, %add3A_884, %max3A_890, %max3A_892, %min3A_894, %min3A_896 : vector<16xf32>, vector<16xf32>, vector<16xf32>, vector<16xf32>, vector<16xf32>, vector<16xf32>, vector<16xf32>, vector<16xf32>, vector<16xf32>, vector<16xf32>
      }
      %scan3A_542 = arith.constant 256 : i32
      %lt3A_543 = arith.constant 5 : i32
      %lt3A_544 = arith.cmpi slt, %scan3A_245, %lt3A_543 : i32
      %convert_element_type3A = arith.extui %lt3A_544 : i1 to i32
      %cond3A = arith.constant 0 : i32
      %cond3A_545 = arith.cmpi ne, %convert_element_type3A, %cond3A : i32
      scf.if %cond3A_545 {
        %add3A_693 = arith.constant 2 : i32
        %add3A_694 = arith.addi %mul3A_257, %add3A_693 : i32
        %mul3A_695 = arith.constant 32 : i32
        %mul3A_696 = arith.muli %add3A_694, %mul3A_695 : i32
        %add3A_697 = arith.addi %add3A_34, %mul3A_696 : i32
        %mul3A_698 = arith.constant 16384 : i32
        %mul3A_699 = arith.muli %select_n3A, %mul3A_698 : i32
        %add3A_700 = arith.addi %mul3A_699, %add3A_697 : i32
        %mul3A_701 = arith.constant 128 : i32
        %mul3A_702 = arith.muli %add3A_700, %mul3A_701 : i32
        %add3A_703 = arith.constant 4194304 : i32
        %add3A_704 = arith.addi %mul3A_702, %add3A_703 : i32
        %mul3A_705 = arith.constant 7 : i32
        %mul3A_706 = arith.muli %select_n3A, %mul3A_705 : i32
        %add3A_707 = arith.constant 0 : i32
        %add3A_708 = arith.addi %mul3A_706, %add3A_707 : i32
        %mul3A_709 = arith.constant 16384 : i32
        %mul3A_710 = arith.muli %add3A_708, %mul3A_709 : i32
        %add3A_711 = arith.addi %mul3A_710, %add3A_697 : i32
        %mul3A_712 = arith.constant 128 : i32
        %mul3A_713 = arith.muli %add3A_711, %mul3A_712 : i32
        %mul3A_714 = arith.constant 7 : i32
        %mul3A_715 = arith.muli %select_n3A, %mul3A_714 : i32
        %add3A_716 = arith.constant 1 : i32
        %add3A_717 = arith.addi %mul3A_715, %add3A_716 : i32
        %mul3A_718 = arith.constant 16384 : i32
        %mul3A_719 = arith.muli %add3A_717, %mul3A_718 : i32
        %add3A_720 = arith.addi %mul3A_719, %add3A_697 : i32
        %mul3A_721 = arith.constant 128 : i32
        %mul3A_722 = arith.muli %add3A_720, %mul3A_721 : i32
        %mul3A_723 = arith.constant 7 : i32
        %mul3A_724 = arith.muli %select_n3A, %mul3A_723 : i32
        %add3A_725 = arith.constant 2 : i32
        %add3A_726 = arith.addi %mul3A_724, %add3A_725 : i32
        %mul3A_727 = arith.constant 16384 : i32
        %mul3A_728 = arith.muli %add3A_726, %mul3A_727 : i32
        %add3A_729 = arith.addi %mul3A_728, %add3A_697 : i32
        %mul3A_730 = arith.constant 128 : i32
        %mul3A_731 = arith.muli %add3A_729, %mul3A_730 : i32
        %mul3A_732 = arith.constant 7 : i32
        %mul3A_733 = arith.muli %select_n3A, %mul3A_732 : i32
        %add3A_734 = arith.constant 3 : i32
        %add3A_735 = arith.addi %mul3A_733, %add3A_734 : i32
        %mul3A_736 = arith.constant 16384 : i32
        %mul3A_737 = arith.muli %add3A_735, %mul3A_736 : i32
        %add3A_738 = arith.addi %mul3A_737, %add3A_697 : i32
        %mul3A_739 = arith.constant 128 : i32
        %mul3A_740 = arith.muli %add3A_738, %mul3A_739 : i32
        %mul3A_741 = arith.constant 7 : i32
        %mul3A_742 = arith.muli %select_n3A, %mul3A_741 : i32
        %add3A_743 = arith.constant 4 : i32
        %add3A_744 = arith.addi %mul3A_742, %add3A_743 : i32
        %mul3A_745 = arith.constant 16384 : i32
        %mul3A_746 = arith.muli %add3A_744, %mul3A_745 : i32
        %add3A_747 = arith.addi %mul3A_746, %add3A_697 : i32
        %mul3A_748 = arith.constant 128 : i32
        %mul3A_749 = arith.muli %add3A_747, %mul3A_748 : i32
        %mul3A_750 = arith.constant 7 : i32
        %mul3A_751 = arith.muli %select_n3A, %mul3A_750 : i32
        %add3A_752 = arith.constant 5 : i32
        %add3A_753 = arith.addi %mul3A_751, %add3A_752 : i32
        %mul3A_754 = arith.constant 16384 : i32
        %mul3A_755 = arith.muli %add3A_753, %mul3A_754 : i32
        %add3A_756 = arith.addi %mul3A_755, %add3A_697 : i32
        %mul3A_757 = arith.constant 128 : i32
        %mul3A_758 = arith.muli %add3A_756, %mul3A_757 : i32
        %mul3A_759 = arith.constant 7 : i32
        %mul3A_760 = arith.muli %select_n3A, %mul3A_759 : i32
        %add3A_761 = arith.constant 6 : i32
        %add3A_762 = arith.addi %mul3A_760, %add3A_761 : i32
        %mul3A_763 = arith.constant 16384 : i32
        %mul3A_764 = arith.muli %add3A_762, %mul3A_763 : i32
        %add3A_765 = arith.addi %mul3A_764, %add3A_697 : i32
        %mul3A_766 = arith.constant 128 : i32
        %mul3A_767 = arith.muli %add3A_765, %mul3A_766 : i32
        %dma_start3A_768 = arith.constant 0 : i32
        %dma_start3A_769 = tpu.memref_slice %arg7[%dma_start3A_768] : memref<8192xf32, #tpu.memory_space<vmem>> -> memref<4096xf32, #tpu.memory_space<vmem>>
        %dma_start3A_770 = tpu.memref_slice %arg2[%mul3A_702] : memref<4194304xf32, #tpu.memory_space<hbm>> -> memref<4096xf32, #tpu.memory_space<hbm>>
        %dma_start3A_771 = arith.constant 0 : i32
        %dma_start3A_772 = tpu.memref_slice %arg7[%dma_start3A_771] : memref<8192xf32, #tpu.memory_space<vmem>> -> memref<4096xf32, #tpu.memory_space<vmem>>
        %dma_start3A_773 = tpu.memref_slice %arg2[%mul3A_702] : memref<4194304xf32, #tpu.memory_space<hbm>> -> memref<4096xf32, #tpu.memory_space<hbm>>
        tpu.enqueue_dma source(%dma_start3A_773 : memref<4096xf32, #tpu.memory_space<hbm>>) target(%dma_start3A_772 : memref<4096xf32, #tpu.memory_space<vmem>>) target_semaphore(%arg13 : memref<!tpu.dma_semaphore, #tpu.memory_space<semaphore_mem>>)
        %dma_start3A_774 = arith.constant 0 : i32
        %dma_start3A_775 = tpu.memref_slice %arg8[%dma_start3A_774] : memref<8192xf32, #tpu.memory_space<vmem>> -> memref<4096xf32, #tpu.memory_space<vmem>>
        %dma_start3A_776 = tpu.memref_slice %arg3[%mul3A_702] : memref<8388608xf32, #tpu.memory_space<hbm>> -> memref<4096xf32, #tpu.memory_space<hbm>>
        %dma_start3A_777 = arith.constant 0 : i32
        %dma_start3A_778 = tpu.memref_slice %arg8[%dma_start3A_777] : memref<8192xf32, #tpu.memory_space<vmem>> -> memref<4096xf32, #tpu.memory_space<vmem>>
        %dma_start3A_779 = tpu.memref_slice %arg3[%mul3A_702] : memref<8388608xf32, #tpu.memory_space<hbm>> -> memref<4096xf32, #tpu.memory_space<hbm>>
        tpu.enqueue_dma source(%dma_start3A_779 : memref<4096xf32, #tpu.memory_space<hbm>>) target(%dma_start3A_778 : memref<4096xf32, #tpu.memory_space<vmem>>) target_semaphore(%arg13 : memref<!tpu.dma_semaphore, #tpu.memory_space<semaphore_mem>>)
        %dma_start3A_780 = arith.constant 0 : i32
        %dma_start3A_781 = tpu.memref_slice %arg9[%dma_start3A_780] : memref<8192xf32, #tpu.memory_space<vmem>> -> memref<4096xf32, #tpu.memory_space<vmem>>
        %dma_start3A_782 = tpu.memref_slice %arg3[%add3A_704] : memref<8388608xf32, #tpu.memory_space<hbm>> -> memref<4096xf32, #tpu.memory_space<hbm>>
        %dma_start3A_783 = arith.constant 0 : i32
        %dma_start3A_784 = tpu.memref_slice %arg9[%dma_start3A_783] : memref<8192xf32, #tpu.memory_space<vmem>> -> memref<4096xf32, #tpu.memory_space<vmem>>
        %dma_start3A_785 = tpu.memref_slice %arg3[%add3A_704] : memref<8388608xf32, #tpu.memory_space<hbm>> -> memref<4096xf32, #tpu.memory_space<hbm>>
        tpu.enqueue_dma source(%dma_start3A_785 : memref<4096xf32, #tpu.memory_space<hbm>>) target(%dma_start3A_784 : memref<4096xf32, #tpu.memory_space<vmem>>) target_semaphore(%arg13 : memref<!tpu.dma_semaphore, #tpu.memory_space<semaphore_mem>>)
        %dma_start3A_786 = arith.constant 0 : i32
        %dma_start3A_787 = tpu.memref_slice %arg10[%dma_start3A_786] : memref<8192xf32, #tpu.memory_space<vmem>> -> memref<4096xf32, #tpu.memory_space<vmem>>
        %dma_start3A_788 = tpu.memref_slice %arg4[%mul3A_702] : memref<4194304xf32, #tpu.memory_space<hbm>> -> memref<4096xf32, #tpu.memory_space<hbm>>
        %dma_start3A_789 = arith.constant 0 : i32
        %dma_start3A_790 = tpu.memref_slice %arg10[%dma_start3A_789] : memref<8192xf32, #tpu.memory_space<vmem>> -> memref<4096xf32, #tpu.memory_space<vmem>>
        %dma_start3A_791 = tpu.memref_slice %arg4[%mul3A_702] : memref<4194304xf32, #tpu.memory_space<hbm>> -> memref<4096xf32, #tpu.memory_space<hbm>>
        tpu.enqueue_dma source(%dma_start3A_791 : memref<4096xf32, #tpu.memory_space<hbm>>) target(%dma_start3A_790 : memref<4096xf32, #tpu.memory_space<vmem>>) target_semaphore(%arg13 : memref<!tpu.dma_semaphore, #tpu.memory_space<semaphore_mem>>)
        %dma_start3A_792 = arith.constant 0 : i32
        %dma_start3A_793 = tpu.memref_slice %arg11[%dma_start3A_792] : memref<57344xf32, #tpu.memory_space<vmem>> -> memref<4096xf32, #tpu.memory_space<vmem>>
        %dma_start3A_794 = tpu.memref_slice %arg5[%mul3A_713] : memref<29360128xf32, #tpu.memory_space<hbm>> -> memref<4096xf32, #tpu.memory_space<hbm>>
        %dma_start3A_795 = arith.constant 0 : i32
        %dma_start3A_796 = tpu.memref_slice %arg11[%dma_start3A_795] : memref<57344xf32, #tpu.memory_space<vmem>> -> memref<4096xf32, #tpu.memory_space<vmem>>
        %dma_start3A_797 = tpu.memref_slice %arg5[%mul3A_713] : memref<29360128xf32, #tpu.memory_space<hbm>> -> memref<4096xf32, #tpu.memory_space<hbm>>
        tpu.enqueue_dma source(%dma_start3A_797 : memref<4096xf32, #tpu.memory_space<hbm>>) target(%dma_start3A_796 : memref<4096xf32, #tpu.memory_space<vmem>>) target_semaphore(%arg13 : memref<!tpu.dma_semaphore, #tpu.memory_space<semaphore_mem>>)
        %dma_start3A_798 = arith.constant 4096 : i32
        %dma_start3A_799 = tpu.memref_slice %arg11[%dma_start3A_798] : memref<57344xf32, #tpu.memory_space<vmem>> -> memref<4096xf32, #tpu.memory_space<vmem>>
        %dma_start3A_800 = tpu.memref_slice %arg5[%mul3A_722] : memref<29360128xf32, #tpu.memory_space<hbm>> -> memref<4096xf32, #tpu.memory_space<hbm>>
        %dma_start3A_801 = arith.constant 4096 : i32
        %dma_start3A_802 = tpu.memref_slice %arg11[%dma_start3A_801] : memref<57344xf32, #tpu.memory_space<vmem>> -> memref<4096xf32, #tpu.memory_space<vmem>>
        %dma_start3A_803 = tpu.memref_slice %arg5[%mul3A_722] : memref<29360128xf32, #tpu.memory_space<hbm>> -> memref<4096xf32, #tpu.memory_space<hbm>>
        tpu.enqueue_dma source(%dma_start3A_803 : memref<4096xf32, #tpu.memory_space<hbm>>) target(%dma_start3A_802 : memref<4096xf32, #tpu.memory_space<vmem>>) target_semaphore(%arg13 : memref<!tpu.dma_semaphore, #tpu.memory_space<semaphore_mem>>)
        %dma_start3A_804 = arith.constant 8192 : i32
        %dma_start3A_805 = tpu.memref_slice %arg11[%dma_start3A_804] : memref<57344xf32, #tpu.memory_space<vmem>> -> memref<4096xf32, #tpu.memory_space<vmem>>
        %dma_start3A_806 = tpu.memref_slice %arg5[%mul3A_731] : memref<29360128xf32, #tpu.memory_space<hbm>> -> memref<4096xf32, #tpu.memory_space<hbm>>
        %dma_start3A_807 = arith.constant 8192 : i32
        %dma_start3A_808 = tpu.memref_slice %arg11[%dma_start3A_807] : memref<57344xf32, #tpu.memory_space<vmem>> -> memref<4096xf32, #tpu.memory_space<vmem>>
        %dma_start3A_809 = tpu.memref_slice %arg5[%mul3A_731] : memref<29360128xf32, #tpu.memory_space<hbm>> -> memref<4096xf32, #tpu.memory_space<hbm>>
        tpu.enqueue_dma source(%dma_start3A_809 : memref<4096xf32, #tpu.memory_space<hbm>>) target(%dma_start3A_808 : memref<4096xf32, #tpu.memory_space<vmem>>) target_semaphore(%arg13 : memref<!tpu.dma_semaphore, #tpu.memory_space<semaphore_mem>>)
        %dma_start3A_810 = arith.constant 12288 : i32
        %dma_start3A_811 = tpu.memref_slice %arg11[%dma_start3A_810] : memref<57344xf32, #tpu.memory_space<vmem>> -> memref<4096xf32, #tpu.memory_space<vmem>>
        %dma_start3A_812 = tpu.memref_slice %arg5[%mul3A_740] : memref<29360128xf32, #tpu.memory_space<hbm>> -> memref<4096xf32, #tpu.memory_space<hbm>>
        %dma_start3A_813 = arith.constant 12288 : i32
        %dma_start3A_814 = tpu.memref_slice %arg11[%dma_start3A_813] : memref<57344xf32, #tpu.memory_space<vmem>> -> memref<4096xf32, #tpu.memory_space<vmem>>
        %dma_start3A_815 = tpu.memref_slice %arg5[%mul3A_740] : memref<29360128xf32, #tpu.memory_space<hbm>> -> memref<4096xf32, #tpu.memory_space<hbm>>
        tpu.enqueue_dma source(%dma_start3A_815 : memref<4096xf32, #tpu.memory_space<hbm>>) target(%dma_start3A_814 : memref<4096xf32, #tpu.memory_space<vmem>>) target_semaphore(%arg13 : memref<!tpu.dma_semaphore, #tpu.memory_space<semaphore_mem>>)
        %dma_start3A_816 = arith.constant 16384 : i32
        %dma_start3A_817 = tpu.memref_slice %arg11[%dma_start3A_816] : memref<57344xf32, #tpu.memory_space<vmem>> -> memref<4096xf32, #tpu.memory_space<vmem>>
        %dma_start3A_818 = tpu.memref_slice %arg5[%mul3A_749] : memref<29360128xf32, #tpu.memory_space<hbm>> -> memref<4096xf32, #tpu.memory_space<hbm>>
        %dma_start3A_819 = arith.constant 16384 : i32
        %dma_start3A_820 = tpu.memref_slice %arg11[%dma_start3A_819] : memref<57344xf32, #tpu.memory_space<vmem>> -> memref<4096xf32, #tpu.memory_space<vmem>>
        %dma_start3A_821 = tpu.memref_slice %arg5[%mul3A_749] : memref<29360128xf32, #tpu.memory_space<hbm>> -> memref<4096xf32, #tpu.memory_space<hbm>>
        tpu.enqueue_dma source(%dma_start3A_821 : memref<4096xf32, #tpu.memory_space<hbm>>) target(%dma_start3A_820 : memref<4096xf32, #tpu.memory_space<vmem>>) target_semaphore(%arg13 : memref<!tpu.dma_semaphore, #tpu.memory_space<semaphore_mem>>)
        %dma_start3A_822 = arith.constant 20480 : i32
        %dma_start3A_823 = tpu.memref_slice %arg11[%dma_start3A_822] : memref<57344xf32, #tpu.memory_space<vmem>> -> memref<4096xf32, #tpu.memory_space<vmem>>
        %dma_start3A_824 = tpu.memref_slice %arg5[%mul3A_758] : memref<29360128xf32, #tpu.memory_space<hbm>> -> memref<4096xf32, #tpu.memory_space<hbm>>
        %dma_start3A_825 = arith.constant 20480 : i32
        %dma_start3A_826 = tpu.memref_slice %arg11[%dma_start3A_825] : memref<57344xf32, #tpu.memory_space<vmem>> -> memref<4096xf32, #tpu.memory_space<vmem>>
        %dma_start3A_827 = tpu.memref_slice %arg5[%mul3A_758] : memref<29360128xf32, #tpu.memory_space<hbm>> -> memref<4096xf32, #tpu.memory_space<hbm>>
        tpu.enqueue_dma source(%dma_start3A_827 : memref<4096xf32, #tpu.memory_space<hbm>>) target(%dma_start3A_826 : memref<4096xf32, #tpu.memory_space<vmem>>) target_semaphore(%arg13 : memref<!tpu.dma_semaphore, #tpu.memory_space<semaphore_mem>>)
        %dma_start3A_828 = arith.constant 24576 : i32
        %dma_start3A_829 = tpu.memref_slice %arg11[%dma_start3A_828] : memref<57344xf32, #tpu.memory_space<vmem>> -> memref<4096xf32, #tpu.memory_space<vmem>>
        %dma_start3A_830 = tpu.memref_slice %arg5[%mul3A_767] : memref<29360128xf32, #tpu.memory_space<hbm>> -> memref<4096xf32, #tpu.memory_space<hbm>>
        %dma_start3A_831 = arith.constant 24576 : i32
        %dma_start3A_832 = tpu.memref_slice %arg11[%dma_start3A_831] : memref<57344xf32, #tpu.memory_space<vmem>> -> memref<4096xf32, #tpu.memory_space<vmem>>
        %dma_start3A_833 = tpu.memref_slice %arg5[%mul3A_767] : memref<29360128xf32, #tpu.memory_space<hbm>> -> memref<4096xf32, #tpu.memory_space<hbm>>
        tpu.enqueue_dma source(%dma_start3A_833 : memref<4096xf32, #tpu.memory_space<hbm>>) target(%dma_start3A_832 : memref<4096xf32, #tpu.memory_space<vmem>>) target_semaphore(%arg13 : memref<!tpu.dma_semaphore, #tpu.memory_space<semaphore_mem>>)
      } else {
      }
      %add3A_546 = arith.constant 1 : i32
      %add3A_547 = arith.addi %mul3A_257, %add3A_546 : i32
      %mul3A_548 = arith.constant 32 : i32
      %mul3A_549 = arith.muli %add3A_547, %mul3A_548 : i32
      %add3A_550 = arith.addi %add3A_34, %mul3A_549 : i32
      %mul3A_551 = arith.constant 16384 : i32
      %mul3A_552 = arith.muli %select_n3A, %mul3A_551 : i32
      %add3A_553 = arith.addi %mul3A_552, %add3A_550 : i32
      %mul3A_554 = arith.constant 128 : i32
      %mul3A_555 = arith.muli %add3A_553, %mul3A_554 : i32
      %add3A_556 = arith.constant 4194304 : i32
      %add3A_557 = arith.addi %mul3A_555, %add3A_556 : i32
      %mul3A_558 = arith.constant 7 : i32
      %mul3A_559 = arith.muli %select_n3A, %mul3A_558 : i32
      %add3A_560 = arith.constant 0 : i32
      %add3A_561 = arith.addi %mul3A_559, %add3A_560 : i32
      %mul3A_562 = arith.constant 16384 : i32
      %mul3A_563 = arith.muli %add3A_561, %mul3A_562 : i32
      %add3A_564 = arith.addi %mul3A_563, %add3A_550 : i32
      %mul3A_565 = arith.constant 128 : i32
      %mul3A_566 = arith.muli %add3A_564, %mul3A_565 : i32
      %mul3A_567 = arith.constant 7 : i32
      %mul3A_568 = arith.muli %select_n3A, %mul3A_567 : i32
      %add3A_569 = arith.constant 1 : i32
      %add3A_570 = arith.addi %mul3A_568, %add3A_569 : i32
      %mul3A_571 = arith.constant 16384 : i32
      %mul3A_572 = arith.muli %add3A_570, %mul3A_571 : i32
      %add3A_573 = arith.addi %mul3A_572, %add3A_550 : i32
      %mul3A_574 = arith.constant 128 : i32
      %mul3A_575 = arith.muli %add3A_573, %mul3A_574 : i32
      %mul3A_576 = arith.constant 7 : i32
      %mul3A_577 = arith.muli %select_n3A, %mul3A_576 : i32
      %add3A_578 = arith.constant 2 : i32
      %add3A_579 = arith.addi %mul3A_577, %add3A_578 : i32
      %mul3A_580 = arith.constant 16384 : i32
      %mul3A_581 = arith.muli %add3A_579, %mul3A_580 : i32
      %add3A_582 = arith.addi %mul3A_581, %add3A_550 : i32
      %mul3A_583 = arith.constant 128 : i32
      %mul3A_584 = arith.muli %add3A_582, %mul3A_583 : i32
      %mul3A_585 = arith.constant 7 : i32
      %mul3A_586 = arith.muli %select_n3A, %mul3A_585 : i32
      %add3A_587 = arith.constant 3 : i32
      %add3A_588 = arith.addi %mul3A_586, %add3A_587 : i32
      %mul3A_589 = arith.constant 16384 : i32
      %mul3A_590 = arith.muli %add3A_588, %mul3A_589 : i32
      %add3A_591 = arith.addi %mul3A_590, %add3A_550 : i32
      %mul3A_592 = arith.constant 128 : i32
      %mul3A_593 = arith.muli %add3A_591, %mul3A_592 : i32
      %mul3A_594 = arith.constant 7 : i32
      %mul3A_595 = arith.muli %select_n3A, %mul3A_594 : i32
      %add3A_596 = arith.constant 4 : i32
      %add3A_597 = arith.addi %mul3A_595, %add3A_596 : i32
      %mul3A_598 = arith.constant 16384 : i32
      %mul3A_599 = arith.muli %add3A_597, %mul3A_598 : i32
      %add3A_600 = arith.addi %mul3A_599, %add3A_550 : i32
      %mul3A_601 = arith.constant 128 : i32
      %mul3A_602 = arith.muli %add3A_600, %mul3A_601 : i32
      %mul3A_603 = arith.constant 7 : i32
      %mul3A_604 = arith.muli %select_n3A, %mul3A_603 : i32
      %add3A_605 = arith.constant 5 : i32
      %add3A_606 = arith.addi %mul3A_604, %add3A_605 : i32
      %mul3A_607 = arith.constant 16384 : i32
      %mul3A_608 = arith.muli %add3A_606, %mul3A_607 : i32
      %add3A_609 = arith.addi %mul3A_608, %add3A_550 : i32
      %mul3A_610 = arith.constant 128 : i32
      %mul3A_611 = arith.muli %add3A_609, %mul3A_610 : i32
      %mul3A_612 = arith.constant 7 : i32
      %mul3A_613 = arith.muli %select_n3A, %mul3A_612 : i32
      %add3A_614 = arith.constant 6 : i32
      %add3A_615 = arith.addi %mul3A_613, %add3A_614 : i32
      %mul3A_616 = arith.constant 16384 : i32
      %mul3A_617 = arith.muli %add3A_615, %mul3A_616 : i32
      %add3A_618 = arith.addi %mul3A_617, %add3A_550 : i32
      %mul3A_619 = arith.constant 128 : i32
      %mul3A_620 = arith.muli %add3A_618, %mul3A_619 : i32
      %dma_wait3A_621 = arith.constant 4096 : i32
      %dma_wait3A_622 = tpu.memref_slice %arg7[%dma_wait3A_621] : memref<8192xf32, #tpu.memory_space<vmem>> -> memref<4096xf32, #tpu.memory_space<vmem>>
      %dma_wait3A_623 = tpu.memref_slice %arg2[%mul3A_555] : memref<4194304xf32, #tpu.memory_space<hbm>> -> memref<4096xf32, #tpu.memory_space<hbm>>
      %dma_wait3A_624 = arith.constant 4096 : i32
      %dma_wait3A_625 = tpu.memref_slice %arg7[%dma_wait3A_624] : memref<8192xf32, #tpu.memory_space<vmem>> -> memref<4096xf32, #tpu.memory_space<vmem>>
      %dma_wait3A_626 = tpu.memref_slice %arg2[%mul3A_555] : memref<4194304xf32, #tpu.memory_space<hbm>> -> memref<4096xf32, #tpu.memory_space<hbm>>
      tpu.wait_dma2 semaphore(%arg14 : memref<!tpu.dma_semaphore, #tpu.memory_space<semaphore_mem>>) src(%dma_wait3A_626 : memref<4096xf32, #tpu.memory_space<hbm>>) dst(%dma_wait3A_625 : memref<4096xf32, #tpu.memory_space<vmem>>)
      %dma_wait3A_627 = arith.constant 4096 : i32
      %dma_wait3A_628 = tpu.memref_slice %arg8[%dma_wait3A_627] : memref<8192xf32, #tpu.memory_space<vmem>> -> memref<4096xf32, #tpu.memory_space<vmem>>
      %dma_wait3A_629 = tpu.memref_slice %arg3[%mul3A_555] : memref<8388608xf32, #tpu.memory_space<hbm>> -> memref<4096xf32, #tpu.memory_space<hbm>>
      %dma_wait3A_630 = arith.constant 4096 : i32
      %dma_wait3A_631 = tpu.memref_slice %arg8[%dma_wait3A_630] : memref<8192xf32, #tpu.memory_space<vmem>> -> memref<4096xf32, #tpu.memory_space<vmem>>
      %dma_wait3A_632 = tpu.memref_slice %arg3[%mul3A_555] : memref<8388608xf32, #tpu.memory_space<hbm>> -> memref<4096xf32, #tpu.memory_space<hbm>>
      tpu.wait_dma2 semaphore(%arg14 : memref<!tpu.dma_semaphore, #tpu.memory_space<semaphore_mem>>) src(%dma_wait3A_632 : memref<4096xf32, #tpu.memory_space<hbm>>) dst(%dma_wait3A_631 : memref<4096xf32, #tpu.memory_space<vmem>>)
      %dma_wait3A_633 = arith.constant 4096 : i32
      %dma_wait3A_634 = tpu.memref_slice %arg9[%dma_wait3A_633] : memref<8192xf32, #tpu.memory_space<vmem>> -> memref<4096xf32, #tpu.memory_space<vmem>>
      %dma_wait3A_635 = tpu.memref_slice %arg3[%add3A_557] : memref<8388608xf32, #tpu.memory_space<hbm>> -> memref<4096xf32, #tpu.memory_space<hbm>>
      %dma_wait3A_636 = arith.constant 4096 : i32
      %dma_wait3A_637 = tpu.memref_slice %arg9[%dma_wait3A_636] : memref<8192xf32, #tpu.memory_space<vmem>> -> memref<4096xf32, #tpu.memory_space<vmem>>
      %dma_wait3A_638 = tpu.memref_slice %arg3[%add3A_557] : memref<8388608xf32, #tpu.memory_space<hbm>> -> memref<4096xf32, #tpu.memory_space<hbm>>
      tpu.wait_dma2 semaphore(%arg14 : memref<!tpu.dma_semaphore, #tpu.memory_space<semaphore_mem>>) src(%dma_wait3A_638 : memref<4096xf32, #tpu.memory_space<hbm>>) dst(%dma_wait3A_637 : memref<4096xf32, #tpu.memory_space<vmem>>)
      %dma_wait3A_639 = arith.constant 4096 : i32
      %dma_wait3A_640 = tpu.memref_slice %arg10[%dma_wait3A_639] : memref<8192xf32, #tpu.memory_space<vmem>> -> memref<4096xf32, #tpu.memory_space<vmem>>
      %dma_wait3A_641 = tpu.memref_slice %arg4[%mul3A_555] : memref<4194304xf32, #tpu.memory_space<hbm>> -> memref<4096xf32, #tpu.memory_space<hbm>>
      %dma_wait3A_642 = arith.constant 4096 : i32
      %dma_wait3A_643 = tpu.memref_slice %arg10[%dma_wait3A_642] : memref<8192xf32, #tpu.memory_space<vmem>> -> memref<4096xf32, #tpu.memory_space<vmem>>
      %dma_wait3A_644 = tpu.memref_slice %arg4[%mul3A_555] : memref<4194304xf32, #tpu.memory_space<hbm>> -> memref<4096xf32, #tpu.memory_space<hbm>>
      tpu.wait_dma2 semaphore(%arg14 : memref<!tpu.dma_semaphore, #tpu.memory_space<semaphore_mem>>) src(%dma_wait3A_644 : memref<4096xf32, #tpu.memory_space<hbm>>) dst(%dma_wait3A_643 : memref<4096xf32, #tpu.memory_space<vmem>>)
      %dma_wait3A_645 = arith.constant 28672 : i32
      %dma_wait3A_646 = tpu.memref_slice %arg11[%dma_wait3A_645] : memref<57344xf32, #tpu.memory_space<vmem>> -> memref<4096xf32, #tpu.memory_space<vmem>>
      %dma_wait3A_647 = tpu.memref_slice %arg5[%mul3A_566] : memref<29360128xf32, #tpu.memory_space<hbm>> -> memref<4096xf32, #tpu.memory_space<hbm>>
      %dma_wait3A_648 = arith.constant 28672 : i32
      %dma_wait3A_649 = tpu.memref_slice %arg11[%dma_wait3A_648] : memref<57344xf32, #tpu.memory_space<vmem>> -> memref<4096xf32, #tpu.memory_space<vmem>>
      %dma_wait3A_650 = tpu.memref_slice %arg5[%mul3A_566] : memref<29360128xf32, #tpu.memory_space<hbm>> -> memref<4096xf32, #tpu.memory_space<hbm>>
      tpu.wait_dma2 semaphore(%arg14 : memref<!tpu.dma_semaphore, #tpu.memory_space<semaphore_mem>>) src(%dma_wait3A_650 : memref<4096xf32, #tpu.memory_space<hbm>>) dst(%dma_wait3A_649 : memref<4096xf32, #tpu.memory_space<vmem>>)
      %dma_wait3A_651 = arith.constant 32768 : i32
      %dma_wait3A_652 = tpu.memref_slice %arg11[%dma_wait3A_651] : memref<57344xf32, #tpu.memory_space<vmem>> -> memref<4096xf32, #tpu.memory_space<vmem>>
      %dma_wait3A_653 = tpu.memref_slice %arg5[%mul3A_575] : memref<29360128xf32, #tpu.memory_space<hbm>> -> memref<4096xf32, #tpu.memory_space<hbm>>
      %dma_wait3A_654 = arith.constant 32768 : i32
      %dma_wait3A_655 = tpu.memref_slice %arg11[%dma_wait3A_654] : memref<57344xf32, #tpu.memory_space<vmem>> -> memref<4096xf32, #tpu.memory_space<vmem>>
      %dma_wait3A_656 = tpu.memref_slice %arg5[%mul3A_575] : memref<29360128xf32, #tpu.memory_space<hbm>> -> memref<4096xf32, #tpu.memory_space<hbm>>
      tpu.wait_dma2 semaphore(%arg14 : memref<!tpu.dma_semaphore, #tpu.memory_space<semaphore_mem>>) src(%dma_wait3A_656 : memref<4096xf32, #tpu.memory_space<hbm>>) dst(%dma_wait3A_655 : memref<4096xf32, #tpu.memory_space<vmem>>)
      %dma_wait3A_657 = arith.constant 36864 : i32
      %dma_wait3A_658 = tpu.memref_slice %arg11[%dma_wait3A_657] : memref<57344xf32, #tpu.memory_space<vmem>> -> memref<4096xf32, #tpu.memory_space<vmem>>
      %dma_wait3A_659 = tpu.memref_slice %arg5[%mul3A_584] : memref<29360128xf32, #tpu.memory_space<hbm>> -> memref<4096xf32, #tpu.memory_space<hbm>>
      %dma_wait3A_660 = arith.constant 36864 : i32
      %dma_wait3A_661 = tpu.memref_slice %arg11[%dma_wait3A_660] : memref<57344xf32, #tpu.memory_space<vmem>> -> memref<4096xf32, #tpu.memory_space<vmem>>
      %dma_wait3A_662 = tpu.memref_slice %arg5[%mul3A_584] : memref<29360128xf32, #tpu.memory_space<hbm>> -> memref<4096xf32, #tpu.memory_space<hbm>>
      tpu.wait_dma2 semaphore(%arg14 : memref<!tpu.dma_semaphore, #tpu.memory_space<semaphore_mem>>) src(%dma_wait3A_662 : memref<4096xf32, #tpu.memory_space<hbm>>) dst(%dma_wait3A_661 : memref<4096xf32, #tpu.memory_space<vmem>>)
      %dma_wait3A_663 = arith.constant 40960 : i32
      %dma_wait3A_664 = tpu.memref_slice %arg11[%dma_wait3A_663] : memref<57344xf32, #tpu.memory_space<vmem>> -> memref<4096xf32, #tpu.memory_space<vmem>>
      %dma_wait3A_665 = tpu.memref_slice %arg5[%mul3A_593] : memref<29360128xf32, #tpu.memory_space<hbm>> -> memref<4096xf32, #tpu.memory_space<hbm>>
      %dma_wait3A_666 = arith.constant 40960 : i32
      %dma_wait3A_667 = tpu.memref_slice %arg11[%dma_wait3A_666] : memref<57344xf32, #tpu.memory_space<vmem>> -> memref<4096xf32, #tpu.memory_space<vmem>>
      %dma_wait3A_668 = tpu.memref_slice %arg5[%mul3A_593] : memref<29360128xf32, #tpu.memory_space<hbm>> -> memref<4096xf32, #tpu.memory_space<hbm>>
      tpu.wait_dma2 semaphore(%arg14 : memref<!tpu.dma_semaphore, #tpu.memory_space<semaphore_mem>>) src(%dma_wait3A_668 : memref<4096xf32, #tpu.memory_space<hbm>>) dst(%dma_wait3A_667 : memref<4096xf32, #tpu.memory_space<vmem>>)
      %dma_wait3A_669 = arith.constant 45056 : i32
      %dma_wait3A_670 = tpu.memref_slice %arg11[%dma_wait3A_669] : memref<57344xf32, #tpu.memory_space<vmem>> -> memref<4096xf32, #tpu.memory_space<vmem>>
      %dma_wait3A_671 = tpu.memref_slice %arg5[%mul3A_602] : memref<29360128xf32, #tpu.memory_space<hbm>> -> memref<4096xf32, #tpu.memory_space<hbm>>
      %dma_wait3A_672 = arith.constant 45056 : i32
      %dma_wait3A_673 = tpu.memref_slice %arg11[%dma_wait3A_672] : memref<57344xf32, #tpu.memory_space<vmem>> -> memref<4096xf32, #tpu.memory_space<vmem>>
      %dma_wait3A_674 = tpu.memref_slice %arg5[%mul3A_602] : memref<29360128xf32, #tpu.memory_space<hbm>> -> memref<4096xf32, #tpu.memory_space<hbm>>
      tpu.wait_dma2 semaphore(%arg14 : memref<!tpu.dma_semaphore, #tpu.memory_space<semaphore_mem>>) src(%dma_wait3A_674 : memref<4096xf32, #tpu.memory_space<hbm>>) dst(%dma_wait3A_673 : memref<4096xf32, #tpu.memory_space<vmem>>)
      %dma_wait3A_675 = arith.constant 49152 : i32
      %dma_wait3A_676 = tpu.memref_slice %arg11[%dma_wait3A_675] : memref<57344xf32, #tpu.memory_space<vmem>> -> memref<4096xf32, #tpu.memory_space<vmem>>
      %dma_wait3A_677 = tpu.memref_slice %arg5[%mul3A_611] : memref<29360128xf32, #tpu.memory_space<hbm>> -> memref<4096xf32, #tpu.memory_space<hbm>>
      %dma_wait3A_678 = arith.constant 49152 : i32
      %dma_wait3A_679 = tpu.memref_slice %arg11[%dma_wait3A_678] : memref<57344xf32, #tpu.memory_space<vmem>> -> memref<4096xf32, #tpu.memory_space<vmem>>
      %dma_wait3A_680 = tpu.memref_slice %arg5[%mul3A_611] : memref<29360128xf32, #tpu.memory_space<hbm>> -> memref<4096xf32, #tpu.memory_space<hbm>>
      tpu.wait_dma2 semaphore(%arg14 : memref<!tpu.dma_semaphore, #tpu.memory_space<semaphore_mem>>) src(%dma_wait3A_680 : memref<4096xf32, #tpu.memory_space<hbm>>) dst(%dma_wait3A_679 : memref<4096xf32, #tpu.memory_space<vmem>>)
      %dma_wait3A_681 = arith.constant 53248 : i32
      %dma_wait3A_682 = tpu.memref_slice %arg11[%dma_wait3A_681] : memref<57344xf32, #tpu.memory_space<vmem>> -> memref<4096xf32, #tpu.memory_space<vmem>>
      %dma_wait3A_683 = tpu.memref_slice %arg5[%mul3A_620] : memref<29360128xf32, #tpu.memory_space<hbm>> -> memref<4096xf32, #tpu.memory_space<hbm>>
      %dma_wait3A_684 = arith.constant 53248 : i32
      %dma_wait3A_685 = tpu.memref_slice %arg11[%dma_wait3A_684] : memref<57344xf32, #tpu.memory_space<vmem>> -> memref<4096xf32, #tpu.memory_space<vmem>>
      %dma_wait3A_686 = tpu.memref_slice %arg5[%mul3A_620] : memref<29360128xf32, #tpu.memory_space<hbm>> -> memref<4096xf32, #tpu.memory_space<hbm>>
      tpu.wait_dma2 semaphore(%arg14 : memref<!tpu.dma_semaphore, #tpu.memory_space<semaphore_mem>>) src(%dma_wait3A_686 : memref<4096xf32, #tpu.memory_space<hbm>>) dst(%dma_wait3A_685 : memref<4096xf32, #tpu.memory_space<vmem>>)
      %scan3A_687 = arith.constant 0 : i32
      %scan3A_688 = arith.constant 256 : i32
      %scan3A_689 = arith.addi %scan3A_687, %scan3A_688 : i32
      %scan3A_690 = arith.constant 2 : i32
      %scan3A_691:10 = scf.for %scan3A_693 = %scan3A_687 to %scan3A_689 step %scan3A_690 iter_args(%scan3A_694 = %scan3A_541#0, %scan3A_695 = %scan3A_541#1, %scan3A_696 = %scan3A_541#2, %scan3A_697 = %scan3A_541#3, %scan3A_698 = %scan3A_541#4, %scan3A_699 = %scan3A_541#5, %scan3A_700 = %scan3A_541#6, %scan3A_701 = %scan3A_541#7, %scan3A_702 = %scan3A_541#8, %scan3A_703 = %scan3A_541#9) -> (vector<16xf32>, vector<16xf32>, vector<16xf32>, vector<16xf32>, vector<16xf32>, vector<16xf32>, vector<16xf32>, vector<16xf32>, vector<16xf32>, vector<16xf32>)  : i32 {
        %mul3A_704 = arith.constant 16 : i32
        %mul3A_705 = arith.muli %scan3A_693, %mul3A_704 : i32
        %add3A_706 = arith.constant 4096 : i32
        %add3A_707 = arith.addi %add3A_706, %mul3A_705 : i32
        %get3A = arith.index_cast %add3A_707 : i32 to index
        %get3A_708 = tpu.vector_load %arg7[%get3A] {strides = array<i32>} : memref<8192xf32, #tpu.memory_space<vmem>>, vector<16xf32>,
        %get3A_709 = vector.shape_cast %get3A_708 : vector<16xf32> to vector<16xf32>
        %get3A_710 = arith.index_cast %add3A_707 : i32 to index
        %get3A_711 = tpu.vector_load %arg8[%get3A_710] {strides = array<i32>} : memref<8192xf32, #tpu.memory_space<vmem>>, vector<16xf32>,
        %get3A_712 = vector.shape_cast %get3A_711 : vector<16xf32> to vector<16xf32>
        %get3A_713 = arith.index_cast %add3A_707 : i32 to index
        %get3A_714 = tpu.vector_load %arg9[%get3A_713] {strides = array<i32>} : memref<8192xf32, #tpu.memory_space<vmem>>, vector<16xf32>,
        %get3A_715 = vector.shape_cast %get3A_714 : vector<16xf32> to vector<16xf32>
        %gt3A = arith.constant 0.000000e+00 : f32
        %gt3A_716 = vector.broadcast %gt3A : f32 to vector<16xf32>
        %gt3A_717 = arith.cmpf ogt, %get3A_715, %gt3A_716 : vector<16xf32>
        %get3A_718 = arith.index_cast %add3A_707 : i32 to index
        %get3A_719 = tpu.vector_load %arg10[%get3A_718] {strides = array<i32>} : memref<8192xf32, #tpu.memory_space<vmem>>, vector<16xf32>,
        %get3A_720 = vector.shape_cast %get3A_719 : vector<16xf32> to vector<16xf32>
        %gt3A_721 = arith.constant 0.000000e+00 : f32
        %gt3A_722 = vector.broadcast %gt3A_721 : f32 to vector<16xf32>
        %gt3A_723 = arith.cmpf ogt, %get3A_720, %gt3A_722 : vector<16xf32>
        %mul3A_724 = arith.constant 16 : i32
        %mul3A_725 = arith.muli %scan3A_693, %mul3A_724 : i32
        %add3A_726 = arith.constant 28672 : i32
        %add3A_727 = arith.addi %add3A_726, %mul3A_725 : i32
        %get3A_728 = arith.index_cast %add3A_727 : i32 to index
        %get3A_729 = tpu.vector_load %arg11[%get3A_728] {strides = array<i32>} : memref<57344xf32, #tpu.memory_space<vmem>>, vector<16xf32>,
        %get3A_730 = vector.shape_cast %get3A_729 : vector<16xf32> to vector<16xf32>
        %add3A_731 = arith.constant 4096 : i32
        %add3A_732 = arith.addi %add3A_727, %add3A_731 : i32
        %get3A_733 = arith.index_cast %add3A_732 : i32 to index
        %get3A_734 = tpu.vector_load %arg11[%get3A_733] {strides = array<i32>} : memref<57344xf32, #tpu.memory_space<vmem>>, vector<16xf32>,
        %get3A_735 = vector.shape_cast %get3A_734 : vector<16xf32> to vector<16xf32>
        %add3A_736 = arith.addf %get3A_730, %get3A_735 : vector<16xf32>
        %add3A_737 = arith.constant 8192 : i32
        %add3A_738 = arith.addi %add3A_727, %add3A_737 : i32
        %get3A_739 = arith.index_cast %add3A_738 : i32 to index
        %get3A_740 = tpu.vector_load %arg11[%get3A_739] {strides = array<i32>} : memref<57344xf32, #tpu.memory_space<vmem>>, vector<16xf32>,
        %get3A_741 = vector.shape_cast %get3A_740 : vector<16xf32> to vector<16xf32>
        %add3A_742 = arith.addf %add3A_736, %get3A_741 : vector<16xf32>
        %add3A_743 = arith.constant 12288 : i32
        %add3A_744 = arith.addi %add3A_727, %add3A_743 : i32
        %get3A_745 = arith.index_cast %add3A_744 : i32 to index
        %get3A_746 = tpu.vector_load %arg11[%get3A_745] {strides = array<i32>} : memref<57344xf32, #tpu.memory_space<vmem>>, vector<16xf32>,
        %get3A_747 = vector.shape_cast %get3A_746 : vector<16xf32> to vector<16xf32>
        %add3A_748 = arith.addf %add3A_742, %get3A_747 : vector<16xf32>
        %add3A_749 = arith.constant 16384 : i32
        %add3A_750 = arith.addi %add3A_727, %add3A_749 : i32
        %get3A_751 = arith.index_cast %add3A_750 : i32 to index
        %get3A_752 = tpu.vector_load %arg11[%get3A_751] {strides = array<i32>} : memref<57344xf32, #tpu.memory_space<vmem>>, vector<16xf32>,
        %get3A_753 = vector.shape_cast %get3A_752 : vector<16xf32> to vector<16xf32>
        %add3A_754 = arith.addf %add3A_748, %get3A_753 : vector<16xf32>
        %add3A_755 = arith.constant 20480 : i32
        %add3A_756 = arith.addi %add3A_727, %add3A_755 : i32
        %get3A_757 = arith.index_cast %add3A_756 : i32 to index
        %get3A_758 = tpu.vector_load %arg11[%get3A_757] {strides = array<i32>} : memref<57344xf32, #tpu.memory_space<vmem>>, vector<16xf32>,
        %get3A_759 = vector.shape_cast %get3A_758 : vector<16xf32> to vector<16xf32>
        %add3A_760 = arith.addf %add3A_754, %get3A_759 : vector<16xf32>
        %add3A_761 = arith.constant 24576 : i32
        %add3A_762 = arith.addi %add3A_727, %add3A_761 : i32
        %get3A_763 = arith.index_cast %add3A_762 : i32 to index
        %get3A_764 = tpu.vector_load %arg11[%get3A_763] {strides = array<i32>} : memref<57344xf32, #tpu.memory_space<vmem>>, vector<16xf32>,
        %get3A_765 = vector.shape_cast %get3A_764 : vector<16xf32> to vector<16xf32>
        %add3A_766 = arith.addf %add3A_760, %get3A_765 : vector<16xf32>
        %gt3A_767 = arith.constant 0.000000e+00 : f32
        %gt3A_768 = vector.broadcast %gt3A_767 : f32 to vector<16xf32>
        %gt3A_769 = arith.cmpf ogt, %add3A_766, %gt3A_768 : vector<16xf32>
        %sub3A_770 = arith.subf %get3A_709, %get3A_712 : vector<16xf32>
        %abs3A = math.absf %sub3A_770 : vector<16xf32>
        %broadcast_in_dim3A_771 = arith.constant 1.000000e+00 : f32
        %broadcast_in_dim3A_772 = vector.broadcast %broadcast_in_dim3A_771 : f32 to vector<16xf32>
        %broadcast_in_dim3A_773 = arith.constant 0.000000e+00 : f32
        %broadcast_in_dim3A_774 = vector.broadcast %broadcast_in_dim3A_773 : f32 to vector<16xf32>
        %select_n3A_775 = arith.select %gt3A_717, %abs3A, %broadcast_in_dim3A_774 : vector<16xi1>, vector<16xf32>
        %add3A_776 = arith.addf %scan3A_694, %select_n3A_775 : vector<16xf32>
        %select_n3A_777 = arith.select %gt3A_717, %broadcast_in_dim3A_772, %broadcast_in_dim3A_774 : vector<16xi1>, vector<16xf32>
        %add3A_778 = arith.addf %scan3A_695, %select_n3A_777 : vector<16xf32>
        %select_n3A_779 = arith.select %gt3A_723, %abs3A, %broadcast_in_dim3A_774 : vector<16xi1>, vector<16xf32>
        %add3A_780 = arith.addf %scan3A_696, %select_n3A_779 : vector<16xf32>
        %select_n3A_781 = arith.select %gt3A_723, %broadcast_in_dim3A_772, %broadcast_in_dim3A_774 : vector<16xi1>, vector<16xf32>
        %add3A_782 = arith.addf %scan3A_697, %select_n3A_781 : vector<16xf32>
        %select_n3A_783 = arith.select %gt3A_769, %abs3A, %broadcast_in_dim3A_774 : vector<16xi1>, vector<16xf32>
        %add3A_784 = arith.addf %scan3A_698, %select_n3A_783 : vector<16xf32>
        %select_n3A_785 = arith.select %gt3A_769, %broadcast_in_dim3A_772, %broadcast_in_dim3A_774 : vector<16xi1>, vector<16xf32>
        %add3A_786 = arith.addf %scan3A_699, %select_n3A_785 : vector<16xf32>
        %broadcast_in_dim3A_787 = arith.constant 0xFF800000 : f32
        %broadcast_in_dim3A_788 = vector.broadcast %broadcast_in_dim3A_787 : f32 to vector<16xf32>
        %broadcast_in_dim3A_789 = arith.constant 0x7F800000 : f32
        %broadcast_in_dim3A_790 = vector.broadcast %broadcast_in_dim3A_789 : f32 to vector<16xf32>
        %select_n3A_791 = arith.select %gt3A_717, %get3A_712, %broadcast_in_dim3A_788 : vector<16xi1>, vector<16xf32>
        %max3A = arith.maximumf %scan3A_700, %select_n3A_791 : vector<16xf32>
        %select_n3A_792 = arith.select %gt3A_717, %get3A_709, %broadcast_in_dim3A_788 : vector<16xi1>, vector<16xf32>
        %max3A_793 = arith.maximumf %scan3A_701, %select_n3A_792 : vector<16xf32>
        %select_n3A_794 = arith.select %gt3A_717, %get3A_712, %broadcast_in_dim3A_790 : vector<16xi1>, vector<16xf32>
        %min3A = arith.minimumf %scan3A_702, %select_n3A_794 : vector<16xf32>
        %select_n3A_795 = arith.select %gt3A_717, %get3A_709, %broadcast_in_dim3A_790 : vector<16xi1>, vector<16xf32>
        %min3A_796 = arith.minimumf %scan3A_703, %select_n3A_795 : vector<16xf32>
        %scan3A_797 = arith.constant 1 : i32
        %scan3A_798 = arith.addi %scan3A_693, %scan3A_797 : i32
        %mul3A_799 = arith.constant 16 : i32
        %mul3A_800 = arith.muli %scan3A_798, %mul3A_799 : i32
        %add3A_801 = arith.constant 4096 : i32
        %add3A_802 = arith.addi %add3A_801, %mul3A_800 : i32
        %get3A_803 = arith.index_cast %add3A_802 : i32 to index
        %get3A_804 = tpu.vector_load %arg7[%get3A_803] {strides = array<i32>} : memref<8192xf32, #tpu.memory_space<vmem>>, vector<16xf32>,
        %get3A_805 = vector.shape_cast %get3A_804 : vector<16xf32> to vector<16xf32>
        %get3A_806 = arith.index_cast %add3A_802 : i32 to index
        %get3A_807 = tpu.vector_load %arg8[%get3A_806] {strides = array<i32>} : memref<8192xf32, #tpu.memory_space<vmem>>, vector<16xf32>,
        %get3A_808 = vector.shape_cast %get3A_807 : vector<16xf32> to vector<16xf32>
        %get3A_809 = arith.index_cast %add3A_802 : i32 to index
        %get3A_810 = tpu.vector_load %arg9[%get3A_809] {strides = array<i32>} : memref<8192xf32, #tpu.memory_space<vmem>>, vector<16xf32>,
        %get3A_811 = vector.shape_cast %get3A_810 : vector<16xf32> to vector<16xf32>
        %gt3A_812 = arith.constant 0.000000e+00 : f32
        %gt3A_813 = vector.broadcast %gt3A_812 : f32 to vector<16xf32>
        %gt3A_814 = arith.cmpf ogt, %get3A_811, %gt3A_813 : vector<16xf32>
        %get3A_815 = arith.index_cast %add3A_802 : i32 to index
        %get3A_816 = tpu.vector_load %arg10[%get3A_815] {strides = array<i32>} : memref<8192xf32, #tpu.memory_space<vmem>>, vector<16xf32>,
        %get3A_817 = vector.shape_cast %get3A_816 : vector<16xf32> to vector<16xf32>
        %gt3A_818 = arith.constant 0.000000e+00 : f32
        %gt3A_819 = vector.broadcast %gt3A_818 : f32 to vector<16xf32>
        %gt3A_820 = arith.cmpf ogt, %get3A_817, %gt3A_819 : vector<16xf32>
        %mul3A_821 = arith.constant 16 : i32
        %mul3A_822 = arith.muli %scan3A_798, %mul3A_821 : i32
        %add3A_823 = arith.constant 28672 : i32
        %add3A_824 = arith.addi %add3A_823, %mul3A_822 : i32
        %get3A_825 = arith.index_cast %add3A_824 : i32 to index
        %get3A_826 = tpu.vector_load %arg11[%get3A_825] {strides = array<i32>} : memref<57344xf32, #tpu.memory_space<vmem>>, vector<16xf32>,
        %get3A_827 = vector.shape_cast %get3A_826 : vector<16xf32> to vector<16xf32>
        %add3A_828 = arith.constant 4096 : i32
        %add3A_829 = arith.addi %add3A_824, %add3A_828 : i32
        %get3A_830 = arith.index_cast %add3A_829 : i32 to index
        %get3A_831 = tpu.vector_load %arg11[%get3A_830] {strides = array<i32>} : memref<57344xf32, #tpu.memory_space<vmem>>, vector<16xf32>,
        %get3A_832 = vector.shape_cast %get3A_831 : vector<16xf32> to vector<16xf32>
        %add3A_833 = arith.addf %get3A_827, %get3A_832 : vector<16xf32>
        %add3A_834 = arith.constant 8192 : i32
        %add3A_835 = arith.addi %add3A_824, %add3A_834 : i32
        %get3A_836 = arith.index_cast %add3A_835 : i32 to index
        %get3A_837 = tpu.vector_load %arg11[%get3A_836] {strides = array<i32>} : memref<57344xf32, #tpu.memory_space<vmem>>, vector<16xf32>,
        %get3A_838 = vector.shape_cast %get3A_837 : vector<16xf32> to vector<16xf32>
        %add3A_839 = arith.addf %add3A_833, %get3A_838 : vector<16xf32>
        %add3A_840 = arith.constant 12288 : i32
        %add3A_841 = arith.addi %add3A_824, %add3A_840 : i32
        %get3A_842 = arith.index_cast %add3A_841 : i32 to index
        %get3A_843 = tpu.vector_load %arg11[%get3A_842] {strides = array<i32>} : memref<57344xf32, #tpu.memory_space<vmem>>, vector<16xf32>,
        %get3A_844 = vector.shape_cast %get3A_843 : vector<16xf32> to vector<16xf32>
        %add3A_845 = arith.addf %add3A_839, %get3A_844 : vector<16xf32>
        %add3A_846 = arith.constant 16384 : i32
        %add3A_847 = arith.addi %add3A_824, %add3A_846 : i32
        %get3A_848 = arith.index_cast %add3A_847 : i32 to index
        %get3A_849 = tpu.vector_load %arg11[%get3A_848] {strides = array<i32>} : memref<57344xf32, #tpu.memory_space<vmem>>, vector<16xf32>,
        %get3A_850 = vector.shape_cast %get3A_849 : vector<16xf32> to vector<16xf32>
        %add3A_851 = arith.addf %add3A_845, %get3A_850 : vector<16xf32>
        %add3A_852 = arith.constant 20480 : i32
        %add3A_853 = arith.addi %add3A_824, %add3A_852 : i32
        %get3A_854 = arith.index_cast %add3A_853 : i32 to index
        %get3A_855 = tpu.vector_load %arg11[%get3A_854] {strides = array<i32>} : memref<57344xf32, #tpu.memory_space<vmem>>, vector<16xf32>,
        %get3A_856 = vector.shape_cast %get3A_855 : vector<16xf32> to vector<16xf32>
        %add3A_857 = arith.addf %add3A_851, %get3A_856 : vector<16xf32>
        %add3A_858 = arith.constant 24576 : i32
        %add3A_859 = arith.addi %add3A_824, %add3A_858 : i32
        %get3A_860 = arith.index_cast %add3A_859 : i32 to index
        %get3A_861 = tpu.vector_load %arg11[%get3A_860] {strides = array<i32>} : memref<57344xf32, #tpu.memory_space<vmem>>, vector<16xf32>,
        %get3A_862 = vector.shape_cast %get3A_861 : vector<16xf32> to vector<16xf32>
        %add3A_863 = arith.addf %add3A_857, %get3A_862 : vector<16xf32>
        %gt3A_864 = arith.constant 0.000000e+00 : f32
        %gt3A_865 = vector.broadcast %gt3A_864 : f32 to vector<16xf32>
        %gt3A_866 = arith.cmpf ogt, %add3A_863, %gt3A_865 : vector<16xf32>
        %sub3A_867 = arith.subf %get3A_805, %get3A_808 : vector<16xf32>
        %abs3A_868 = math.absf %sub3A_867 : vector<16xf32>
        %broadcast_in_dim3A_869 = arith.constant 1.000000e+00 : f32
        %broadcast_in_dim3A_870 = vector.broadcast %broadcast_in_dim3A_869 : f32 to vector<16xf32>
        %broadcast_in_dim3A_871 = arith.constant 0.000000e+00 : f32
        %broadcast_in_dim3A_872 = vector.broadcast %broadcast_in_dim3A_871 : f32 to vector<16xf32>
        %select_n3A_873 = arith.select %gt3A_814, %abs3A_868, %broadcast_in_dim3A_872 : vector<16xi1>, vector<16xf32>
        %add3A_874 = arith.addf %add3A_776, %select_n3A_873 : vector<16xf32>
        %select_n3A_875 = arith.select %gt3A_814, %broadcast_in_dim3A_870, %broadcast_in_dim3A_872 : vector<16xi1>, vector<16xf32>
        %add3A_876 = arith.addf %add3A_778, %select_n3A_875 : vector<16xf32>
        %select_n3A_877 = arith.select %gt3A_820, %abs3A_868, %broadcast_in_dim3A_872 : vector<16xi1>, vector<16xf32>
        %add3A_878 = arith.addf %add3A_780, %select_n3A_877 : vector<16xf32>
        %select_n3A_879 = arith.select %gt3A_820, %broadcast_in_dim3A_870, %broadcast_in_dim3A_872 : vector<16xi1>, vector<16xf32>
        %add3A_880 = arith.addf %add3A_782, %select_n3A_879 : vector<16xf32>
        %select_n3A_881 = arith.select %gt3A_866, %abs3A_868, %broadcast_in_dim3A_872 : vector<16xi1>, vector<16xf32>
        %add3A_882 = arith.addf %add3A_784, %select_n3A_881 : vector<16xf32>
        %select_n3A_883 = arith.select %gt3A_866, %broadcast_in_dim3A_870, %broadcast_in_dim3A_872 : vector<16xi1>, vector<16xf32>
        %add3A_884 = arith.addf %add3A_786, %select_n3A_883 : vector<16xf32>
        %broadcast_in_dim3A_885 = arith.constant 0xFF800000 : f32
        %broadcast_in_dim3A_886 = vector.broadcast %broadcast_in_dim3A_885 : f32 to vector<16xf32>
        %broadcast_in_dim3A_887 = arith.constant 0x7F800000 : f32
        %broadcast_in_dim3A_888 = vector.broadcast %broadcast_in_dim3A_887 : f32 to vector<16xf32>
        %select_n3A_889 = arith.select %gt3A_814, %get3A_808, %broadcast_in_dim3A_886 : vector<16xi1>, vector<16xf32>
        %max3A_890 = arith.maximumf %max3A, %select_n3A_889 : vector<16xf32>
        %select_n3A_891 = arith.select %gt3A_814, %get3A_805, %broadcast_in_dim3A_886 : vector<16xi1>, vector<16xf32>
        %max3A_892 = arith.maximumf %max3A_793, %select_n3A_891 : vector<16xf32>
        %select_n3A_893 = arith.select %gt3A_814, %get3A_808, %broadcast_in_dim3A_888 : vector<16xi1>, vector<16xf32>
        %min3A_894 = arith.minimumf %min3A, %select_n3A_893 : vector<16xf32>
        %select_n3A_895 = arith.select %gt3A_814, %get3A_805, %broadcast_in_dim3A_888 : vector<16xi1>, vector<16xf32>
        %min3A_896 = arith.minimumf %min3A_796, %select_n3A_895 : vector<16xf32>
        scf.yield %add3A_874, %add3A_876, %add3A_878, %add3A_880, %add3A_882, %add3A_884, %max3A_890, %max3A_892, %min3A_894, %min3A_896 : vector<16xf32>, vector<16xf32>, vector<16xf32>, vector<16xf32>, vector<16xf32>, vector<16xf32>, vector<16xf32>, vector<16xf32>, vector<16xf32>, vector<16xf32>
      }
      %scan3A_692 = arith.constant 256 : i32
      scf.yield %scan3A_691#0, %scan3A_691#1, %scan3A_691#2, %scan3A_691#3, %scan3A_691#4, %scan3A_691#5, %scan3A_691#6, %scan3A_691#7, %scan3A_691#8, %scan3A_691#9 : vector<16xf32>, vector<16xf32>, vector<16xf32>, vector<16xf32>, vector<16xf32>, vector<16xf32>, vector<16xf32>, vector<16xf32>, vector<16xf32>, vector<16xf32>
    }
    %scan3A_185 = arith.constant 6 : i32
    %swap3A = arith.constant 0 : i32
    %swap3A_186 = arith.index_cast %swap3A : i32 to index
    %swap3A_187 = arith.constant 0 : index
    %swap3A_188 = tpu.vector_load %arg12[%swap3A_186, %swap3A_187] {strides = array<i32>} : memref<10x16xf32, #tpu.memory_space<vmem>>, vector<1x16xf32>,
    %swap3A_189 = vector.shape_cast %swap3A_188 : vector<1x16xf32> to vector<16xf32>
    %swap3A_190 = vector.shape_cast %scan3A_184#0 : vector<16xf32> to vector<1x16xf32>
    tpu.vector_store %arg12[%swap3A_186, %swap3A_187], %swap3A_190 {strides = array<i32>} : memref<10x16xf32, #tpu.memory_space<vmem>>, vector<1x16xf32>,
    %swap3A_191 = arith.constant 1 : i32
    %swap3A_192 = arith.index_cast %swap3A_191 : i32 to index
    %swap3A_193 = arith.constant 0 : index
    %swap3A_194 = tpu.vector_load %arg12[%swap3A_192, %swap3A_193] {strides = array<i32>} : memref<10x16xf32, #tpu.memory_space<vmem>>, vector<1x16xf32>,
    %swap3A_195 = vector.shape_cast %swap3A_194 : vector<1x16xf32> to vector<16xf32>
    %swap3A_196 = vector.shape_cast %scan3A_184#1 : vector<16xf32> to vector<1x16xf32>
    tpu.vector_store %arg12[%swap3A_192, %swap3A_193], %swap3A_196 {strides = array<i32>} : memref<10x16xf32, #tpu.memory_space<vmem>>, vector<1x16xf32>,
    %swap3A_197 = arith.constant 2 : i32
    %swap3A_198 = arith.index_cast %swap3A_197 : i32 to index
    %swap3A_199 = arith.constant 0 : index
    %swap3A_200 = tpu.vector_load %arg12[%swap3A_198, %swap3A_199] {strides = array<i32>} : memref<10x16xf32, #tpu.memory_space<vmem>>, vector<1x16xf32>,
    %swap3A_201 = vector.shape_cast %swap3A_200 : vector<1x16xf32> to vector<16xf32>
    %swap3A_202 = vector.shape_cast %scan3A_184#2 : vector<16xf32> to vector<1x16xf32>
    tpu.vector_store %arg12[%swap3A_198, %swap3A_199], %swap3A_202 {strides = array<i32>} : memref<10x16xf32, #tpu.memory_space<vmem>>, vector<1x16xf32>,
    %swap3A_203 = arith.constant 3 : i32
    %swap3A_204 = arith.index_cast %swap3A_203 : i32 to index
    %swap3A_205 = arith.constant 0 : index
    %swap3A_206 = tpu.vector_load %arg12[%swap3A_204, %swap3A_205] {strides = array<i32>} : memref<10x16xf32, #tpu.memory_space<vmem>>, vector<1x16xf32>,
    %swap3A_207 = vector.shape_cast %swap3A_206 : vector<1x16xf32> to vector<16xf32>
    %swap3A_208 = vector.shape_cast %scan3A_184#3 : vector<16xf32> to vector<1x16xf32>
    tpu.vector_store %arg12[%swap3A_204, %swap3A_205], %swap3A_208 {strides = array<i32>} : memref<10x16xf32, #tpu.memory_space<vmem>>, vector<1x16xf32>,
    %swap3A_209 = arith.constant 4 : i32
    %swap3A_210 = arith.index_cast %swap3A_209 : i32 to index
    %swap3A_211 = arith.constant 0 : index
    %swap3A_212 = tpu.vector_load %arg12[%swap3A_210, %swap3A_211] {strides = array<i32>} : memref<10x16xf32, #tpu.memory_space<vmem>>, vector<1x16xf32>,
    %swap3A_213 = vector.shape_cast %swap3A_212 : vector<1x16xf32> to vector<16xf32>
    %swap3A_214 = vector.shape_cast %scan3A_184#4 : vector<16xf32> to vector<1x16xf32>
    tpu.vector_store %arg12[%swap3A_210, %swap3A_211], %swap3A_214 {strides = array<i32>} : memref<10x16xf32, #tpu.memory_space<vmem>>, vector<1x16xf32>,
    %swap3A_215 = arith.constant 5 : i32
    %swap3A_216 = arith.index_cast %swap3A_215 : i32 to index
    %swap3A_217 = arith.constant 0 : index
    %swap3A_218 = tpu.vector_load %arg12[%swap3A_216, %swap3A_217] {strides = array<i32>} : memref<10x16xf32, #tpu.memory_space<vmem>>, vector<1x16xf32>,
    %swap3A_219 = vector.shape_cast %swap3A_218 : vector<1x16xf32> to vector<16xf32>
    %swap3A_220 = vector.shape_cast %scan3A_184#5 : vector<16xf32> to vector<1x16xf32>
    tpu.vector_store %arg12[%swap3A_216, %swap3A_217], %swap3A_220 {strides = array<i32>} : memref<10x16xf32, #tpu.memory_space<vmem>>, vector<1x16xf32>,
    %swap3A_221 = arith.constant 6 : i32
    %swap3A_222 = arith.index_cast %swap3A_221 : i32 to index
    %swap3A_223 = arith.constant 0 : index
    %swap3A_224 = tpu.vector_load %arg12[%swap3A_222, %swap3A_223] {strides = array<i32>} : memref<10x16xf32, #tpu.memory_space<vmem>>, vector<1x16xf32>,
    %swap3A_225 = vector.shape_cast %swap3A_224 : vector<1x16xf32> to vector<16xf32>
    %swap3A_226 = vector.shape_cast %scan3A_184#6 : vector<16xf32> to vector<1x16xf32>
    tpu.vector_store %arg12[%swap3A_222, %swap3A_223], %swap3A_226 {strides = array<i32>} : memref<10x16xf32, #tpu.memory_space<vmem>>, vector<1x16xf32>,
    %swap3A_227 = arith.constant 7 : i32
    %swap3A_228 = arith.index_cast %swap3A_227 : i32 to index
    %swap3A_229 = arith.constant 0 : index
    %swap3A_230 = tpu.vector_load %arg12[%swap3A_228, %swap3A_229] {strides = array<i32>} : memref<10x16xf32, #tpu.memory_space<vmem>>, vector<1x16xf32>,
    %swap3A_231 = vector.shape_cast %swap3A_230 : vector<1x16xf32> to vector<16xf32>
    %swap3A_232 = vector.shape_cast %scan3A_184#7 : vector<16xf32> to vector<1x16xf32>
    tpu.vector_store %arg12[%swap3A_228, %swap3A_229], %swap3A_232 {strides = array<i32>} : memref<10x16xf32, #tpu.memory_space<vmem>>, vector<1x16xf32>,
    %swap3A_233 = arith.constant 8 : i32
    %swap3A_234 = arith.index_cast %swap3A_233 : i32 to index
    %swap3A_235 = arith.constant 0 : index
    %swap3A_236 = tpu.vector_load %arg12[%swap3A_234, %swap3A_235] {strides = array<i32>} : memref<10x16xf32, #tpu.memory_space<vmem>>, vector<1x16xf32>,
    %swap3A_237 = vector.shape_cast %swap3A_236 : vector<1x16xf32> to vector<16xf32>
    %swap3A_238 = vector.shape_cast %scan3A_184#8 : vector<16xf32> to vector<1x16xf32>
    tpu.vector_store %arg12[%swap3A_234, %swap3A_235], %swap3A_238 {strides = array<i32>} : memref<10x16xf32, #tpu.memory_space<vmem>>, vector<1x16xf32>,
    %swap3A_239 = arith.constant 9 : i32
    %swap3A_240 = arith.index_cast %swap3A_239 : i32 to index
    %swap3A_241 = arith.constant 0 : index
    %swap3A_242 = tpu.vector_load %arg12[%swap3A_240, %swap3A_241] {strides = array<i32>} : memref<10x16xf32, #tpu.memory_space<vmem>>, vector<1x16xf32>,
    %swap3A_243 = vector.shape_cast %swap3A_242 : vector<1x16xf32> to vector<16xf32>
    %swap3A_244 = vector.shape_cast %scan3A_184#9 : vector<16xf32> to vector<1x16xf32>
    tpu.vector_store %arg12[%swap3A_240, %swap3A_241], %swap3A_244 {strides = array<i32>} : memref<10x16xf32, #tpu.memory_space<vmem>>, vector<1x16xf32>,
    "tpu.region"() ({
      %run_scoped3A = tpu.sem_alloc : memref<!tpu.dma_semaphore, #tpu.memory_space<semaphore_mem>>
      %dma_start3A_245 = arith.constant 0 : i32
      %dma_start3A_246 = arith.constant 0 : i32
      %dma_start3A_247 = tpu.memref_slice %arg6[%add3A, %dma_start3A_245, %dma_start3A_246] : memref<32x10x16xf32, #tpu.memory_space<hbm>> -> memref<1x10x16xf32, #tpu.memory_space<hbm>>
      %dma_start3A_248 = tpu.memref_squeeze %dma_start3A_247 : memref<1x10x16xf32, #tpu.memory_space<hbm>> -> memref<10x16xf32, #tpu.memory_space<hbm>>
      %dma_start3A_249 = arith.constant 0 : i32
      %dma_start3A_250 = arith.constant 0 : i32
      %dma_start3A_251 = tpu.memref_slice %arg6[%add3A, %dma_start3A_249, %dma_start3A_250] : memref<32x10x16xf32, #tpu.memory_space<hbm>> -> memref<1x10x16xf32, #tpu.memory_space<hbm>>
      %dma_start3A_252 = tpu.memref_squeeze %dma_start3A_251 : memref<1x10x16xf32, #tpu.memory_space<hbm>> -> memref<10x16xf32, #tpu.memory_space<hbm>>
      tpu.enqueue_dma source(%arg12 : memref<10x16xf32, #tpu.memory_space<vmem>>) target(%dma_start3A_252 : memref<10x16xf32, #tpu.memory_space<hbm>>) target_semaphore(%run_scoped3A : memref<!tpu.dma_semaphore, #tpu.memory_space<semaphore_mem>>)
      %dma_wait3A = arith.constant 0 : i32
      %dma_wait3A_253 = arith.constant 0 : i32
      %dma_wait3A_254 = tpu.memref_slice %arg6[%add3A, %dma_wait3A, %dma_wait3A_253] : memref<32x10x16xf32, #tpu.memory_space<hbm>> -> memref<1x10x16xf32, #tpu.memory_space<hbm>>
      %dma_wait3A_255 = tpu.memref_squeeze %dma_wait3A_254 : memref<1x10x16xf32, #tpu.memory_space<hbm>> -> memref<10x16xf32, #tpu.memory_space<hbm>>
      %dma_wait3A_256 = arith.constant 0 : i32
      %dma_wait3A_257 = arith.constant 0 : i32
      %dma_wait3A_258 = tpu.memref_slice %arg6[%add3A, %dma_wait3A_256, %dma_wait3A_257] : memref<32x10x16xf32, #tpu.memory_space<hbm>> -> memref<1x10x16xf32, #tpu.memory_space<hbm>>
      %dma_wait3A_259 = tpu.memref_squeeze %dma_wait3A_258 : memref<1x10x16xf32, #tpu.memory_space<hbm>> -> memref<10x16xf32, #tpu.memory_space<hbm>>
      tpu.wait_dma2 semaphore(%run_scoped3A : memref<!tpu.dma_semaphore, #tpu.memory_space<semaphore_mem>>) src(%arg12 : memref<10x16xf32, #tpu.memory_space<vmem>>) dst(%dma_wait3A_259 : memref<10x16xf32, #tpu.memory_space<hbm>>)
      tpu.yield
    }) : () -> ()
    return
  }
}

module attributes {stable_mosaic.version = 14 : i64} {
  func.func @_tc_kernel(%arg0: i32, %arg1: i32, %arg2: memref<1x2048x128xf32, #tpu.memory_space<vmem>>, %arg3: memref<1x1x2048x128xf32, #tpu.memory_space<vmem>>, %arg4: memref<1x1x2048x128xf32, #tpu.memory_space<vmem>>, %arg5: memref<1x2048x128xf32, #tpu.memory_space<vmem>>, %arg6: memref<1x7x2048x128xf32, #tpu.memory_space<vmem>>, %arg7: memref<10xf32, #tpu.memory_space<smem>>, %arg8: memref<6x8x128xf32, #tpu.memory_space<vmem>>, %arg9: memref<2x8x128xf32, #tpu.memory_space<vmem>>, %arg10: memref<2x8x128xf32, #tpu.memory_space<vmem>>) attributes {dimension_semantics = [#tpu.dimension_semantics<arbitrary>, #tpu.dimension_semantics<arbitrary>], iteration_bounds = array<i64: 2, 5>, scalar_prefetch = 0 : i64, scratch_operands = 3 : i64, tpu.core_type = #tpu.core_type<tc>, window_params = [{transform_indices = @transform_0, window_bounds = array<i64: 1, 2048, 128>}, {transform_indices = @transform_1, window_bounds = array<i64: 1, 1, 2048, 128>}, {transform_indices = @transform_2, window_bounds = array<i64: 1, 1, 2048, 128>}, {transform_indices = @transform_3, window_bounds = array<i64: 1, 2048, 128>}, {transform_indices = @transform_4, window_bounds = array<i64: 1, 7, 2048, 128>}, {transform_indices = @transform_5, window_bounds = array<i64: 10>}]} {
    %eq3A = arith.constant 0 : i32
    %eq3A_0 = arith.cmpi eq, %arg0, %eq3A : i32
    %eq3A_1 = arith.constant 0 : i32
    %eq3A_2 = arith.cmpi eq, %arg1, %eq3A_1 : i32
    %and3A = arith.andi %eq3A_0, %eq3A_2 : i1
    %convert_element_type3A = arith.extui %and3A : i1 to i32
    %cond3A = arith.constant 0 : i32
    %cond3A_3 = arith.cmpi ne, %convert_element_type3A, %cond3A : i32
    scf.if %cond3A_3 {
      %broadcast_in_dim3A_208 = arith.constant 0.000000e+00 : f32
      %broadcast_in_dim3A_209 = vector.broadcast %broadcast_in_dim3A_208 : f32 to vector<6x8x128xf32>
      %swap3A_210 = arith.constant 0 : index
      %swap3A_211 = arith.constant 0 : index
      %swap3A_212 = arith.constant 0 : index
      %swap3A_213 = vector.load %arg8[%swap3A_210, %swap3A_211, %swap3A_212] : memref<6x8x128xf32, #tpu.memory_space<vmem>>, vector<6x8x128xf32>
      tpu.vector_store %arg8[%swap3A_210, %swap3A_211, %swap3A_212], %broadcast_in_dim3A_209 {strides = array<i32>} : memref<6x8x128xf32, #tpu.memory_space<vmem>>, vector<6x8x128xf32>,
      %broadcast_in_dim3A_214 = arith.constant 0xFF800000 : f32
      %broadcast_in_dim3A_215 = vector.broadcast %broadcast_in_dim3A_214 : f32 to vector<2x8x128xf32>
      %swap3A_216 = arith.constant 0 : index
      %swap3A_217 = arith.constant 0 : index
      %swap3A_218 = arith.constant 0 : index
      %swap3A_219 = vector.load %arg9[%swap3A_216, %swap3A_217, %swap3A_218] : memref<2x8x128xf32, #tpu.memory_space<vmem>>, vector<2x8x128xf32>
      tpu.vector_store %arg9[%swap3A_216, %swap3A_217, %swap3A_218], %broadcast_in_dim3A_215 {strides = array<i32>} : memref<2x8x128xf32, #tpu.memory_space<vmem>>, vector<2x8x128xf32>,
      %broadcast_in_dim3A_220 = arith.constant 0x7F800000 : f32
      %broadcast_in_dim3A_221 = vector.broadcast %broadcast_in_dim3A_220 : f32 to vector<2x8x128xf32>
      %swap3A_222 = arith.constant 0 : index
      %swap3A_223 = arith.constant 0 : index
      %swap3A_224 = arith.constant 0 : index
      %swap3A_225 = vector.load %arg10[%swap3A_222, %swap3A_223, %swap3A_224] : memref<2x8x128xf32, #tpu.memory_space<vmem>>, vector<2x8x128xf32>
      tpu.vector_store %arg10[%swap3A_222, %swap3A_223, %swap3A_224], %broadcast_in_dim3A_221 {strides = array<i32>} : memref<2x8x128xf32, #tpu.memory_space<vmem>>, vector<2x8x128xf32>,
    } else {
    }
    %get3A = arith.constant 0 : index
    %get3A_4 = arith.constant 0 : index
    %get3A_5 = arith.constant 0 : index
    %get3A_6 = vector.load %arg2[%get3A, %get3A_4, %get3A_5] : memref<1x2048x128xf32, #tpu.memory_space<vmem>>, vector<1x2048x128xf32>
    %get3A_7 = vector.shape_cast %get3A_6 : vector<1x2048x128xf32> to vector<2048x128xf32>
    %get3A_8 = arith.constant 0 : index
    %get3A_9 = arith.constant 0 : index
    %get3A_10 = arith.constant 0 : index
    %get3A_11 = arith.constant 0 : index
    %get3A_12 = vector.load %arg3[%get3A_8, %get3A_9, %get3A_10, %get3A_11] : memref<1x1x2048x128xf32, #tpu.memory_space<vmem>>, vector<1x1x2048x128xf32>
    %get3A_13 = vector.shape_cast %get3A_12 : vector<1x1x2048x128xf32> to vector<2048x128xf32>
    %get3A_14 = arith.constant 0 : index
    %get3A_15 = arith.constant 0 : index
    %get3A_16 = arith.constant 0 : index
    %get3A_17 = arith.constant 0 : index
    %get3A_18 = vector.load %arg4[%get3A_14, %get3A_15, %get3A_16, %get3A_17] : memref<1x1x2048x128xf32, #tpu.memory_space<vmem>>, vector<1x1x2048x128xf32>
    %get3A_19 = vector.shape_cast %get3A_18 : vector<1x1x2048x128xf32> to vector<2048x128xf32>
    %get3A_20 = arith.constant 0 : index
    %get3A_21 = arith.constant 0 : index
    %get3A_22 = arith.constant 0 : index
    %get3A_23 = vector.load %arg5[%get3A_20, %get3A_21, %get3A_22] : memref<1x2048x128xf32, #tpu.memory_space<vmem>>, vector<1x2048x128xf32>
    %get3A_24 = vector.shape_cast %get3A_23 : vector<1x2048x128xf32> to vector<2048x128xf32>
    %gt3A = arith.constant 0.000000e+00 : f32
    %gt3A_25 = vector.broadcast %gt3A : f32 to vector<2048x128xf32>
    %gt3A_26 = arith.cmpf ogt, %get3A_19, %gt3A_25 : vector<2048x128xf32>
    %convert_element_type3A_27 = arith.extui %gt3A_26 : vector<2048x128xi1> to vector<2048x128xi32>
    %convert_element_type3A_28 = arith.sitofp %convert_element_type3A_27 : vector<2048x128xi32> to vector<2048x128xf32>
    %gt3A_29 = arith.constant 0.000000e+00 : f32
    %gt3A_30 = vector.broadcast %gt3A_29 : f32 to vector<2048x128xf32>
    %gt3A_31 = arith.cmpf ogt, %get3A_24, %gt3A_30 : vector<2048x128xf32>
    %convert_element_type3A_32 = arith.extui %gt3A_31 : vector<2048x128xi1> to vector<2048x128xi32>
    %convert_element_type3A_33 = arith.sitofp %convert_element_type3A_32 : vector<2048x128xi32> to vector<2048x128xf32>
    %get3A_34 = arith.constant 0 : index
    %get3A_35 = arith.constant 0 : index
    %get3A_36 = arith.constant 0 : index
    %get3A_37 = arith.constant 0 : index
    %get3A_38 = vector.load %arg6[%get3A_34, %get3A_35, %get3A_36, %get3A_37] : memref<1x7x2048x128xf32, #tpu.memory_space<vmem>>, vector<1x7x2048x128xf32>
    %get3A_39 = vector.shape_cast %get3A_38 : vector<1x7x2048x128xf32> to vector<7x2048x128xf32>
    %reduce_sum3A = arith.constant dense<0.000000e+00> : vector<2048x128xf32>
    %reduce_sum3A_40 = vector.multi_reduction <add>, %get3A_39, %reduce_sum3A [0] : vector<7x2048x128xf32> to vector<2048x128xf32>
    %gt3A_41 = arith.constant 0.000000e+00 : f32
    %gt3A_42 = vector.broadcast %gt3A_41 : f32 to vector<2048x128xf32>
    %gt3A_43 = arith.cmpf ogt, %reduce_sum3A_40, %gt3A_42 : vector<2048x128xf32>
    %convert_element_type3A_44 = arith.extui %gt3A_43 : vector<2048x128xi1> to vector<2048x128xi32>
    %convert_element_type3A_45 = arith.sitofp %convert_element_type3A_44 : vector<2048x128xi32> to vector<2048x128xf32>
    %sub3A = arith.subf %get3A_7, %get3A_13 : vector<2048x128xf32>
    %abs3A = math.absf %sub3A : vector<2048x128xf32>
    %get3A_46 = arith.constant 0 : index
    %get3A_47 = arith.constant 0 : index
    %get3A_48 = arith.constant 0 : index
    %get3A_49 = vector.load %arg8[%get3A_46, %get3A_47, %get3A_48] : memref<6x8x128xf32, #tpu.memory_space<vmem>>, vector<1x8x128xf32>
    %get3A_50 = vector.shape_cast %get3A_49 : vector<1x8x128xf32> to vector<8x128xf32>
    %mul3A = arith.mulf %abs3A, %convert_element_type3A_28 : vector<2048x128xf32>
    %reshape3A = vector.shape_cast %mul3A : vector<2048x128xf32> to vector<256x8x128xf32>
    %reduce_sum3A_51 = arith.constant dense<0.000000e+00> : vector<8x128xf32>
    %reduce_sum3A_52 = vector.multi_reduction <add>, %reshape3A, %reduce_sum3A_51 [0] : vector<256x8x128xf32> to vector<8x128xf32>
    %add3A = arith.addf %get3A_50, %reduce_sum3A_52 : vector<8x128xf32>
    %swap3A = arith.constant 0 : index
    %swap3A_53 = arith.constant 0 : index
    %swap3A_54 = arith.constant 0 : index
    %swap3A_55 = vector.load %arg8[%swap3A, %swap3A_53, %swap3A_54] : memref<6x8x128xf32, #tpu.memory_space<vmem>>, vector<1x8x128xf32>
    %swap3A_56 = vector.shape_cast %swap3A_55 : vector<1x8x128xf32> to vector<8x128xf32>
    %swap3A_57 = vector.shape_cast %add3A : vector<8x128xf32> to vector<1x8x128xf32>
    tpu.vector_store %arg8[%swap3A, %swap3A_53, %swap3A_54], %swap3A_57 {strides = array<i32>} : memref<6x8x128xf32, #tpu.memory_space<vmem>>, vector<1x8x128xf32>,
    %get3A_58 = arith.constant 1 : index
    %get3A_59 = arith.constant 0 : index
    %get3A_60 = arith.constant 0 : index
    %get3A_61 = vector.load %arg8[%get3A_58, %get3A_59, %get3A_60] : memref<6x8x128xf32, #tpu.memory_space<vmem>>, vector<1x8x128xf32>
    %get3A_62 = vector.shape_cast %get3A_61 : vector<1x8x128xf32> to vector<8x128xf32>
    %reshape3A_63 = vector.shape_cast %convert_element_type3A_28 : vector<2048x128xf32> to vector<256x8x128xf32>
    %reduce_sum3A_64 = arith.constant dense<0.000000e+00> : vector<8x128xf32>
    %reduce_sum3A_65 = vector.multi_reduction <add>, %reshape3A_63, %reduce_sum3A_64 [0] : vector<256x8x128xf32> to vector<8x128xf32>
    %add3A_66 = arith.addf %get3A_62, %reduce_sum3A_65 : vector<8x128xf32>
    %swap3A_67 = arith.constant 1 : index
    %swap3A_68 = arith.constant 0 : index
    %swap3A_69 = arith.constant 0 : index
    %swap3A_70 = vector.load %arg8[%swap3A_67, %swap3A_68, %swap3A_69] : memref<6x8x128xf32, #tpu.memory_space<vmem>>, vector<1x8x128xf32>
    %swap3A_71 = vector.shape_cast %swap3A_70 : vector<1x8x128xf32> to vector<8x128xf32>
    %swap3A_72 = vector.shape_cast %add3A_66 : vector<8x128xf32> to vector<1x8x128xf32>
    tpu.vector_store %arg8[%swap3A_67, %swap3A_68, %swap3A_69], %swap3A_72 {strides = array<i32>} : memref<6x8x128xf32, #tpu.memory_space<vmem>>, vector<1x8x128xf32>,
    %get3A_73 = arith.constant 2 : index
    %get3A_74 = arith.constant 0 : index
    %get3A_75 = arith.constant 0 : index
    %get3A_76 = vector.load %arg8[%get3A_73, %get3A_74, %get3A_75] : memref<6x8x128xf32, #tpu.memory_space<vmem>>, vector<1x8x128xf32>
    %get3A_77 = vector.shape_cast %get3A_76 : vector<1x8x128xf32> to vector<8x128xf32>
    %mul3A_78 = arith.mulf %abs3A, %convert_element_type3A_33 : vector<2048x128xf32>
    %reshape3A_79 = vector.shape_cast %mul3A_78 : vector<2048x128xf32> to vector<256x8x128xf32>
    %reduce_sum3A_80 = arith.constant dense<0.000000e+00> : vector<8x128xf32>
    %reduce_sum3A_81 = vector.multi_reduction <add>, %reshape3A_79, %reduce_sum3A_80 [0] : vector<256x8x128xf32> to vector<8x128xf32>
    %add3A_82 = arith.addf %get3A_77, %reduce_sum3A_81 : vector<8x128xf32>
    %swap3A_83 = arith.constant 2 : index
    %swap3A_84 = arith.constant 0 : index
    %swap3A_85 = arith.constant 0 : index
    %swap3A_86 = vector.load %arg8[%swap3A_83, %swap3A_84, %swap3A_85] : memref<6x8x128xf32, #tpu.memory_space<vmem>>, vector<1x8x128xf32>
    %swap3A_87 = vector.shape_cast %swap3A_86 : vector<1x8x128xf32> to vector<8x128xf32>
    %swap3A_88 = vector.shape_cast %add3A_82 : vector<8x128xf32> to vector<1x8x128xf32>
    tpu.vector_store %arg8[%swap3A_83, %swap3A_84, %swap3A_85], %swap3A_88 {strides = array<i32>} : memref<6x8x128xf32, #tpu.memory_space<vmem>>, vector<1x8x128xf32>,
    %get3A_89 = arith.constant 3 : index
    %get3A_90 = arith.constant 0 : index
    %get3A_91 = arith.constant 0 : index
    %get3A_92 = vector.load %arg8[%get3A_89, %get3A_90, %get3A_91] : memref<6x8x128xf32, #tpu.memory_space<vmem>>, vector<1x8x128xf32>
    %get3A_93 = vector.shape_cast %get3A_92 : vector<1x8x128xf32> to vector<8x128xf32>
    %reshape3A_94 = vector.shape_cast %convert_element_type3A_33 : vector<2048x128xf32> to vector<256x8x128xf32>
    %reduce_sum3A_95 = arith.constant dense<0.000000e+00> : vector<8x128xf32>
    %reduce_sum3A_96 = vector.multi_reduction <add>, %reshape3A_94, %reduce_sum3A_95 [0] : vector<256x8x128xf32> to vector<8x128xf32>
    %add3A_97 = arith.addf %get3A_93, %reduce_sum3A_96 : vector<8x128xf32>
    %swap3A_98 = arith.constant 3 : index
    %swap3A_99 = arith.constant 0 : index
    %swap3A_100 = arith.constant 0 : index
    %swap3A_101 = vector.load %arg8[%swap3A_98, %swap3A_99, %swap3A_100] : memref<6x8x128xf32, #tpu.memory_space<vmem>>, vector<1x8x128xf32>
    %swap3A_102 = vector.shape_cast %swap3A_101 : vector<1x8x128xf32> to vector<8x128xf32>
    %swap3A_103 = vector.shape_cast %add3A_97 : vector<8x128xf32> to vector<1x8x128xf32>
    tpu.vector_store %arg8[%swap3A_98, %swap3A_99, %swap3A_100], %swap3A_103 {strides = array<i32>} : memref<6x8x128xf32, #tpu.memory_space<vmem>>, vector<1x8x128xf32>,
    %get3A_104 = arith.constant 4 : index
    %get3A_105 = arith.constant 0 : index
    %get3A_106 = arith.constant 0 : index
    %get3A_107 = vector.load %arg8[%get3A_104, %get3A_105, %get3A_106] : memref<6x8x128xf32, #tpu.memory_space<vmem>>, vector<1x8x128xf32>
    %get3A_108 = vector.shape_cast %get3A_107 : vector<1x8x128xf32> to vector<8x128xf32>
    %mul3A_109 = arith.mulf %abs3A, %convert_element_type3A_45 : vector<2048x128xf32>
    %reshape3A_110 = vector.shape_cast %mul3A_109 : vector<2048x128xf32> to vector<256x8x128xf32>
    %reduce_sum3A_111 = arith.constant dense<0.000000e+00> : vector<8x128xf32>
    %reduce_sum3A_112 = vector.multi_reduction <add>, %reshape3A_110, %reduce_sum3A_111 [0] : vector<256x8x128xf32> to vector<8x128xf32>
    %add3A_113 = arith.addf %get3A_108, %reduce_sum3A_112 : vector<8x128xf32>
    %swap3A_114 = arith.constant 4 : index
    %swap3A_115 = arith.constant 0 : index
    %swap3A_116 = arith.constant 0 : index
    %swap3A_117 = vector.load %arg8[%swap3A_114, %swap3A_115, %swap3A_116] : memref<6x8x128xf32, #tpu.memory_space<vmem>>, vector<1x8x128xf32>
    %swap3A_118 = vector.shape_cast %swap3A_117 : vector<1x8x128xf32> to vector<8x128xf32>
    %swap3A_119 = vector.shape_cast %add3A_113 : vector<8x128xf32> to vector<1x8x128xf32>
    tpu.vector_store %arg8[%swap3A_114, %swap3A_115, %swap3A_116], %swap3A_119 {strides = array<i32>} : memref<6x8x128xf32, #tpu.memory_space<vmem>>, vector<1x8x128xf32>,
    %get3A_120 = arith.constant 5 : index
    %get3A_121 = arith.constant 0 : index
    %get3A_122 = arith.constant 0 : index
    %get3A_123 = vector.load %arg8[%get3A_120, %get3A_121, %get3A_122] : memref<6x8x128xf32, #tpu.memory_space<vmem>>, vector<1x8x128xf32>
    %get3A_124 = vector.shape_cast %get3A_123 : vector<1x8x128xf32> to vector<8x128xf32>
    %reshape3A_125 = vector.shape_cast %convert_element_type3A_45 : vector<2048x128xf32> to vector<256x8x128xf32>
    %reduce_sum3A_126 = arith.constant dense<0.000000e+00> : vector<8x128xf32>
    %reduce_sum3A_127 = vector.multi_reduction <add>, %reshape3A_125, %reduce_sum3A_126 [0] : vector<256x8x128xf32> to vector<8x128xf32>
    %add3A_128 = arith.addf %get3A_124, %reduce_sum3A_127 : vector<8x128xf32>
    %swap3A_129 = arith.constant 5 : index
    %swap3A_130 = arith.constant 0 : index
    %swap3A_131 = arith.constant 0 : index
    %swap3A_132 = vector.load %arg8[%swap3A_129, %swap3A_130, %swap3A_131] : memref<6x8x128xf32, #tpu.memory_space<vmem>>, vector<1x8x128xf32>
    %swap3A_133 = vector.shape_cast %swap3A_132 : vector<1x8x128xf32> to vector<8x128xf32>
    %swap3A_134 = vector.shape_cast %add3A_128 : vector<8x128xf32> to vector<1x8x128xf32>
    tpu.vector_store %arg8[%swap3A_129, %swap3A_130, %swap3A_131], %swap3A_134 {strides = array<i32>} : memref<6x8x128xf32, #tpu.memory_space<vmem>>, vector<1x8x128xf32>,
    %get3A_135 = arith.constant 0 : index
    %get3A_136 = arith.constant 0 : index
    %get3A_137 = arith.constant 0 : index
    %get3A_138 = vector.load %arg9[%get3A_135, %get3A_136, %get3A_137] : memref<2x8x128xf32, #tpu.memory_space<vmem>>, vector<1x8x128xf32>
    %get3A_139 = vector.shape_cast %get3A_138 : vector<1x8x128xf32> to vector<8x128xf32>
    %jit3A = arith.constant 0xFF800000 : f32
    %broadcast_in_dim3A = vector.broadcast %jit3A : f32 to vector<2048x128xf32>
    %select_n3A = arith.select %gt3A_26, %get3A_13, %broadcast_in_dim3A : vector<2048x128xi1>, vector<2048x128xf32>
    %reshape3A_140 = vector.shape_cast %select_n3A : vector<2048x128xf32> to vector<256x8x128xf32>
    %reduce_max3A = arith.constant dense<0xFF800000> : vector<8x128xf32>
    %reduce_max3A_141 = vector.multi_reduction <maximumf>, %reshape3A_140, %reduce_max3A [0] : vector<256x8x128xf32> to vector<8x128xf32>
    %max3A = arith.maximumf %get3A_139, %reduce_max3A_141 : vector<8x128xf32>
    %swap3A_142 = arith.constant 0 : index
    %swap3A_143 = arith.constant 0 : index
    %swap3A_144 = arith.constant 0 : index
    %swap3A_145 = vector.load %arg9[%swap3A_142, %swap3A_143, %swap3A_144] : memref<2x8x128xf32, #tpu.memory_space<vmem>>, vector<1x8x128xf32>
    %swap3A_146 = vector.shape_cast %swap3A_145 : vector<1x8x128xf32> to vector<8x128xf32>
    %swap3A_147 = vector.shape_cast %max3A : vector<8x128xf32> to vector<1x8x128xf32>
    tpu.vector_store %arg9[%swap3A_142, %swap3A_143, %swap3A_144], %swap3A_147 {strides = array<i32>} : memref<2x8x128xf32, #tpu.memory_space<vmem>>, vector<1x8x128xf32>,
    %get3A_148 = arith.constant 1 : index
    %get3A_149 = arith.constant 0 : index
    %get3A_150 = arith.constant 0 : index
    %get3A_151 = vector.load %arg9[%get3A_148, %get3A_149, %get3A_150] : memref<2x8x128xf32, #tpu.memory_space<vmem>>, vector<1x8x128xf32>
    %get3A_152 = vector.shape_cast %get3A_151 : vector<1x8x128xf32> to vector<8x128xf32>
    %jit3A_153 = arith.constant 0xFF800000 : f32
    %broadcast_in_dim3A_154 = vector.broadcast %jit3A_153 : f32 to vector<2048x128xf32>
    %select_n3A_155 = arith.select %gt3A_26, %get3A_7, %broadcast_in_dim3A_154 : vector<2048x128xi1>, vector<2048x128xf32>
    %reshape3A_156 = vector.shape_cast %select_n3A_155 : vector<2048x128xf32> to vector<256x8x128xf32>
    %reduce_max3A_157 = arith.constant dense<0xFF800000> : vector<8x128xf32>
    %reduce_max3A_158 = vector.multi_reduction <maximumf>, %reshape3A_156, %reduce_max3A_157 [0] : vector<256x8x128xf32> to vector<8x128xf32>
    %max3A_159 = arith.maximumf %get3A_152, %reduce_max3A_158 : vector<8x128xf32>
    %swap3A_160 = arith.constant 1 : index
    %swap3A_161 = arith.constant 0 : index
    %swap3A_162 = arith.constant 0 : index
    %swap3A_163 = vector.load %arg9[%swap3A_160, %swap3A_161, %swap3A_162] : memref<2x8x128xf32, #tpu.memory_space<vmem>>, vector<1x8x128xf32>
    %swap3A_164 = vector.shape_cast %swap3A_163 : vector<1x8x128xf32> to vector<8x128xf32>
    %swap3A_165 = vector.shape_cast %max3A_159 : vector<8x128xf32> to vector<1x8x128xf32>
    tpu.vector_store %arg9[%swap3A_160, %swap3A_161, %swap3A_162], %swap3A_165 {strides = array<i32>} : memref<2x8x128xf32, #tpu.memory_space<vmem>>, vector<1x8x128xf32>,
    %get3A_166 = arith.constant 0 : index
    %get3A_167 = arith.constant 0 : index
    %get3A_168 = arith.constant 0 : index
    %get3A_169 = vector.load %arg10[%get3A_166, %get3A_167, %get3A_168] : memref<2x8x128xf32, #tpu.memory_space<vmem>>, vector<1x8x128xf32>
    %get3A_170 = vector.shape_cast %get3A_169 : vector<1x8x128xf32> to vector<8x128xf32>
    %jit3A_171 = arith.constant 0x7F800000 : f32
    %broadcast_in_dim3A_172 = vector.broadcast %jit3A_171 : f32 to vector<2048x128xf32>
    %select_n3A_173 = arith.select %gt3A_26, %get3A_13, %broadcast_in_dim3A_172 : vector<2048x128xi1>, vector<2048x128xf32>
    %reshape3A_174 = vector.shape_cast %select_n3A_173 : vector<2048x128xf32> to vector<256x8x128xf32>
    %reduce_min3A = arith.constant dense<0x7F800000> : vector<8x128xf32>
    %reduce_min3A_175 = vector.multi_reduction <minimumf>, %reshape3A_174, %reduce_min3A [0] : vector<256x8x128xf32> to vector<8x128xf32>
    %min3A = arith.minimumf %get3A_170, %reduce_min3A_175 : vector<8x128xf32>
    %swap3A_176 = arith.constant 0 : index
    %swap3A_177 = arith.constant 0 : index
    %swap3A_178 = arith.constant 0 : index
    %swap3A_179 = vector.load %arg10[%swap3A_176, %swap3A_177, %swap3A_178] : memref<2x8x128xf32, #tpu.memory_space<vmem>>, vector<1x8x128xf32>
    %swap3A_180 = vector.shape_cast %swap3A_179 : vector<1x8x128xf32> to vector<8x128xf32>
    %swap3A_181 = vector.shape_cast %min3A : vector<8x128xf32> to vector<1x8x128xf32>
    tpu.vector_store %arg10[%swap3A_176, %swap3A_177, %swap3A_178], %swap3A_181 {strides = array<i32>} : memref<2x8x128xf32, #tpu.memory_space<vmem>>, vector<1x8x128xf32>,
    %get3A_182 = arith.constant 1 : index
    %get3A_183 = arith.constant 0 : index
    %get3A_184 = arith.constant 0 : index
    %get3A_185 = vector.load %arg10[%get3A_182, %get3A_183, %get3A_184] : memref<2x8x128xf32, #tpu.memory_space<vmem>>, vector<1x8x128xf32>
    %get3A_186 = vector.shape_cast %get3A_185 : vector<1x8x128xf32> to vector<8x128xf32>
    %jit3A_187 = arith.constant 0x7F800000 : f32
    %broadcast_in_dim3A_188 = vector.broadcast %jit3A_187 : f32 to vector<2048x128xf32>
    %select_n3A_189 = arith.select %gt3A_26, %get3A_7, %broadcast_in_dim3A_188 : vector<2048x128xi1>, vector<2048x128xf32>
    %reshape3A_190 = vector.shape_cast %select_n3A_189 : vector<2048x128xf32> to vector<256x8x128xf32>
    %reduce_min3A_191 = arith.constant dense<0x7F800000> : vector<8x128xf32>
    %reduce_min3A_192 = vector.multi_reduction <minimumf>, %reshape3A_190, %reduce_min3A_191 [0] : vector<256x8x128xf32> to vector<8x128xf32>
    %min3A_193 = arith.minimumf %get3A_186, %reduce_min3A_192 : vector<8x128xf32>
    %swap3A_194 = arith.constant 1 : index
    %swap3A_195 = arith.constant 0 : index
    %swap3A_196 = arith.constant 0 : index
    %swap3A_197 = vector.load %arg10[%swap3A_194, %swap3A_195, %swap3A_196] : memref<2x8x128xf32, #tpu.memory_space<vmem>>, vector<1x8x128xf32>
    %swap3A_198 = vector.shape_cast %swap3A_197 : vector<1x8x128xf32> to vector<8x128xf32>
    %swap3A_199 = vector.shape_cast %min3A_193 : vector<8x128xf32> to vector<1x8x128xf32>
    tpu.vector_store %arg10[%swap3A_194, %swap3A_195, %swap3A_196], %swap3A_199 {strides = array<i32>} : memref<2x8x128xf32, #tpu.memory_space<vmem>>, vector<1x8x128xf32>,
    %eq3A_200 = arith.constant 1 : i32
    %eq3A_201 = arith.cmpi eq, %arg0, %eq3A_200 : i32
    %eq3A_202 = arith.constant 4 : i32
    %eq3A_203 = arith.cmpi eq, %arg1, %eq3A_202 : i32
    %and3A_204 = arith.andi %eq3A_201, %eq3A_203 : i1
    %convert_element_type3A_205 = arith.extui %and3A_204 : i1 to i32
    %cond3A_206 = arith.constant 0 : i32
    %cond3A_207 = arith.cmpi ne, %convert_element_type3A_205, %cond3A_206 : i32
    scf.if %cond3A_207 {
      %get3A_208 = arith.constant 0 : index
      %get3A_209 = arith.constant 0 : index
      %get3A_210 = arith.constant 0 : index
      %get3A_211 = vector.load %arg8[%get3A_208, %get3A_209, %get3A_210] : memref<6x8x128xf32, #tpu.memory_space<vmem>>, vector<1x8x128xf32>
      %get3A_212 = vector.shape_cast %get3A_211 : vector<1x8x128xf32> to vector<8x128xf32>
      %reduce_sum3A_213 = vector.shape_cast %get3A_212 : vector<8x128xf32> to vector<1x8x128xf32>
      %reduce_sum3A_214 = arith.constant dense<0.000000e+00> : vector<1xf32>
      %reduce_sum3A_215 = vector.multi_reduction <add>, %reduce_sum3A_213, %reduce_sum3A_214 [1, 2] : vector<1x8x128xf32> to vector<1xf32>
      %reduce_sum3A_216 = vector.shape_cast %reduce_sum3A_215 : vector<1xf32> to vector<1x1x1xf32>
      %reduce_sum3A_217 = vector.extract %reduce_sum3A_216[0, 0, 0] : f32 from vector<1x1x1xf32>
      %swap3A_218 = arith.constant 0 : index
      %swap3A_219 = memref.load %arg7[%swap3A_218] : memref<10xf32, #tpu.memory_space<smem>>
      memref.store %reduce_sum3A_217, %arg7[%swap3A_218] : memref<10xf32, #tpu.memory_space<smem>>
      %get3A_220 = arith.constant 1 : index
      %get3A_221 = arith.constant 0 : index
      %get3A_222 = arith.constant 0 : index
      %get3A_223 = vector.load %arg8[%get3A_220, %get3A_221, %get3A_222] : memref<6x8x128xf32, #tpu.memory_space<vmem>>, vector<1x8x128xf32>
      %get3A_224 = vector.shape_cast %get3A_223 : vector<1x8x128xf32> to vector<8x128xf32>
      %reduce_sum3A_225 = vector.shape_cast %get3A_224 : vector<8x128xf32> to vector<1x8x128xf32>
      %reduce_sum3A_226 = arith.constant dense<0.000000e+00> : vector<1xf32>
      %reduce_sum3A_227 = vector.multi_reduction <add>, %reduce_sum3A_225, %reduce_sum3A_226 [1, 2] : vector<1x8x128xf32> to vector<1xf32>
      %reduce_sum3A_228 = vector.shape_cast %reduce_sum3A_227 : vector<1xf32> to vector<1x1x1xf32>
      %reduce_sum3A_229 = vector.extract %reduce_sum3A_228[0, 0, 0] : f32 from vector<1x1x1xf32>
      %swap3A_230 = arith.constant 1 : index
      %swap3A_231 = memref.load %arg7[%swap3A_230] : memref<10xf32, #tpu.memory_space<smem>>
      memref.store %reduce_sum3A_229, %arg7[%swap3A_230] : memref<10xf32, #tpu.memory_space<smem>>
      %get3A_232 = arith.constant 2 : index
      %get3A_233 = arith.constant 0 : index
      %get3A_234 = arith.constant 0 : index
      %get3A_235 = vector.load %arg8[%get3A_232, %get3A_233, %get3A_234] : memref<6x8x128xf32, #tpu.memory_space<vmem>>, vector<1x8x128xf32>
      %get3A_236 = vector.shape_cast %get3A_235 : vector<1x8x128xf32> to vector<8x128xf32>
      %reduce_sum3A_237 = vector.shape_cast %get3A_236 : vector<8x128xf32> to vector<1x8x128xf32>
      %reduce_sum3A_238 = arith.constant dense<0.000000e+00> : vector<1xf32>
      %reduce_sum3A_239 = vector.multi_reduction <add>, %reduce_sum3A_237, %reduce_sum3A_238 [1, 2] : vector<1x8x128xf32> to vector<1xf32>
      %reduce_sum3A_240 = vector.shape_cast %reduce_sum3A_239 : vector<1xf32> to vector<1x1x1xf32>
      %reduce_sum3A_241 = vector.extract %reduce_sum3A_240[0, 0, 0] : f32 from vector<1x1x1xf32>
      %swap3A_242 = arith.constant 2 : index
      %swap3A_243 = memref.load %arg7[%swap3A_242] : memref<10xf32, #tpu.memory_space<smem>>
      memref.store %reduce_sum3A_241, %arg7[%swap3A_242] : memref<10xf32, #tpu.memory_space<smem>>
      %get3A_244 = arith.constant 3 : index
      %get3A_245 = arith.constant 0 : index
      %get3A_246 = arith.constant 0 : index
      %get3A_247 = vector.load %arg8[%get3A_244, %get3A_245, %get3A_246] : memref<6x8x128xf32, #tpu.memory_space<vmem>>, vector<1x8x128xf32>
      %get3A_248 = vector.shape_cast %get3A_247 : vector<1x8x128xf32> to vector<8x128xf32>
      %reduce_sum3A_249 = vector.shape_cast %get3A_248 : vector<8x128xf32> to vector<1x8x128xf32>
      %reduce_sum3A_250 = arith.constant dense<0.000000e+00> : vector<1xf32>
      %reduce_sum3A_251 = vector.multi_reduction <add>, %reduce_sum3A_249, %reduce_sum3A_250 [1, 2] : vector<1x8x128xf32> to vector<1xf32>
      %reduce_sum3A_252 = vector.shape_cast %reduce_sum3A_251 : vector<1xf32> to vector<1x1x1xf32>
      %reduce_sum3A_253 = vector.extract %reduce_sum3A_252[0, 0, 0] : f32 from vector<1x1x1xf32>
      %swap3A_254 = arith.constant 3 : index
      %swap3A_255 = memref.load %arg7[%swap3A_254] : memref<10xf32, #tpu.memory_space<smem>>
      memref.store %reduce_sum3A_253, %arg7[%swap3A_254] : memref<10xf32, #tpu.memory_space<smem>>
      %get3A_256 = arith.constant 4 : index
      %get3A_257 = arith.constant 0 : index
      %get3A_258 = arith.constant 0 : index
      %get3A_259 = vector.load %arg8[%get3A_256, %get3A_257, %get3A_258] : memref<6x8x128xf32, #tpu.memory_space<vmem>>, vector<1x8x128xf32>
      %get3A_260 = vector.shape_cast %get3A_259 : vector<1x8x128xf32> to vector<8x128xf32>
      %reduce_sum3A_261 = vector.shape_cast %get3A_260 : vector<8x128xf32> to vector<1x8x128xf32>
      %reduce_sum3A_262 = arith.constant dense<0.000000e+00> : vector<1xf32>
      %reduce_sum3A_263 = vector.multi_reduction <add>, %reduce_sum3A_261, %reduce_sum3A_262 [1, 2] : vector<1x8x128xf32> to vector<1xf32>
      %reduce_sum3A_264 = vector.shape_cast %reduce_sum3A_263 : vector<1xf32> to vector<1x1x1xf32>
      %reduce_sum3A_265 = vector.extract %reduce_sum3A_264[0, 0, 0] : f32 from vector<1x1x1xf32>
      %swap3A_266 = arith.constant 4 : index
      %swap3A_267 = memref.load %arg7[%swap3A_266] : memref<10xf32, #tpu.memory_space<smem>>
      memref.store %reduce_sum3A_265, %arg7[%swap3A_266] : memref<10xf32, #tpu.memory_space<smem>>
      %get3A_268 = arith.constant 5 : index
      %get3A_269 = arith.constant 0 : index
      %get3A_270 = arith.constant 0 : index
      %get3A_271 = vector.load %arg8[%get3A_268, %get3A_269, %get3A_270] : memref<6x8x128xf32, #tpu.memory_space<vmem>>, vector<1x8x128xf32>
      %get3A_272 = vector.shape_cast %get3A_271 : vector<1x8x128xf32> to vector<8x128xf32>
      %reduce_sum3A_273 = vector.shape_cast %get3A_272 : vector<8x128xf32> to vector<1x8x128xf32>
      %reduce_sum3A_274 = arith.constant dense<0.000000e+00> : vector<1xf32>
      %reduce_sum3A_275 = vector.multi_reduction <add>, %reduce_sum3A_273, %reduce_sum3A_274 [1, 2] : vector<1x8x128xf32> to vector<1xf32>
      %reduce_sum3A_276 = vector.shape_cast %reduce_sum3A_275 : vector<1xf32> to vector<1x1x1xf32>
      %reduce_sum3A_277 = vector.extract %reduce_sum3A_276[0, 0, 0] : f32 from vector<1x1x1xf32>
      %swap3A_278 = arith.constant 5 : index
      %swap3A_279 = memref.load %arg7[%swap3A_278] : memref<10xf32, #tpu.memory_space<smem>>
      memref.store %reduce_sum3A_277, %arg7[%swap3A_278] : memref<10xf32, #tpu.memory_space<smem>>
      %get3A_280 = arith.constant 0 : index
      %get3A_281 = arith.constant 0 : index
      %get3A_282 = arith.constant 0 : index
      %get3A_283 = vector.load %arg9[%get3A_280, %get3A_281, %get3A_282] : memref<2x8x128xf32, #tpu.memory_space<vmem>>, vector<1x8x128xf32>
      %get3A_284 = vector.shape_cast %get3A_283 : vector<1x8x128xf32> to vector<8x128xf32>
      %reduce_max3A_285 = vector.shape_cast %get3A_284 : vector<8x128xf32> to vector<1x8x128xf32>
      %reduce_max3A_286 = arith.constant dense<0xFF800000> : vector<1xf32>
      %reduce_max3A_287 = vector.multi_reduction <maximumf>, %reduce_max3A_285, %reduce_max3A_286 [1, 2] : vector<1x8x128xf32> to vector<1xf32>
      %reduce_max3A_288 = vector.shape_cast %reduce_max3A_287 : vector<1xf32> to vector<1x1x1xf32>
      %reduce_max3A_289 = vector.extract %reduce_max3A_288[0, 0, 0] : f32 from vector<1x1x1xf32>
      %swap3A_290 = arith.constant 6 : index
      %swap3A_291 = memref.load %arg7[%swap3A_290] : memref<10xf32, #tpu.memory_space<smem>>
      memref.store %reduce_max3A_289, %arg7[%swap3A_290] : memref<10xf32, #tpu.memory_space<smem>>
      %get3A_292 = arith.constant 1 : index
      %get3A_293 = arith.constant 0 : index
      %get3A_294 = arith.constant 0 : index
      %get3A_295 = vector.load %arg9[%get3A_292, %get3A_293, %get3A_294] : memref<2x8x128xf32, #tpu.memory_space<vmem>>, vector<1x8x128xf32>
      %get3A_296 = vector.shape_cast %get3A_295 : vector<1x8x128xf32> to vector<8x128xf32>
      %reduce_max3A_297 = vector.shape_cast %get3A_296 : vector<8x128xf32> to vector<1x8x128xf32>
      %reduce_max3A_298 = arith.constant dense<0xFF800000> : vector<1xf32>
      %reduce_max3A_299 = vector.multi_reduction <maximumf>, %reduce_max3A_297, %reduce_max3A_298 [1, 2] : vector<1x8x128xf32> to vector<1xf32>
      %reduce_max3A_300 = vector.shape_cast %reduce_max3A_299 : vector<1xf32> to vector<1x1x1xf32>
      %reduce_max3A_301 = vector.extract %reduce_max3A_300[0, 0, 0] : f32 from vector<1x1x1xf32>
      %swap3A_302 = arith.constant 7 : index
      %swap3A_303 = memref.load %arg7[%swap3A_302] : memref<10xf32, #tpu.memory_space<smem>>
      memref.store %reduce_max3A_301, %arg7[%swap3A_302] : memref<10xf32, #tpu.memory_space<smem>>
      %get3A_304 = arith.constant 0 : index
      %get3A_305 = arith.constant 0 : index
      %get3A_306 = arith.constant 0 : index
      %get3A_307 = vector.load %arg10[%get3A_304, %get3A_305, %get3A_306] : memref<2x8x128xf32, #tpu.memory_space<vmem>>, vector<1x8x128xf32>
      %get3A_308 = vector.shape_cast %get3A_307 : vector<1x8x128xf32> to vector<8x128xf32>
      %reduce_min3A_309 = vector.shape_cast %get3A_308 : vector<8x128xf32> to vector<1x8x128xf32>
      %reduce_min3A_310 = arith.constant dense<0x7F800000> : vector<1xf32>
      %reduce_min3A_311 = vector.multi_reduction <minimumf>, %reduce_min3A_309, %reduce_min3A_310 [1, 2] : vector<1x8x128xf32> to vector<1xf32>
      %reduce_min3A_312 = vector.shape_cast %reduce_min3A_311 : vector<1xf32> to vector<1x1x1xf32>
      %reduce_min3A_313 = vector.extract %reduce_min3A_312[0, 0, 0] : f32 from vector<1x1x1xf32>
      %swap3A_314 = arith.constant 8 : index
      %swap3A_315 = memref.load %arg7[%swap3A_314] : memref<10xf32, #tpu.memory_space<smem>>
      memref.store %reduce_min3A_313, %arg7[%swap3A_314] : memref<10xf32, #tpu.memory_space<smem>>
      %get3A_316 = arith.constant 1 : index
      %get3A_317 = arith.constant 0 : index
      %get3A_318 = arith.constant 0 : index
      %get3A_319 = vector.load %arg10[%get3A_316, %get3A_317, %get3A_318] : memref<2x8x128xf32, #tpu.memory_space<vmem>>, vector<1x8x128xf32>
      %get3A_320 = vector.shape_cast %get3A_319 : vector<1x8x128xf32> to vector<8x128xf32>
      %reduce_min3A_321 = vector.shape_cast %get3A_320 : vector<8x128xf32> to vector<1x8x128xf32>
      %reduce_min3A_322 = arith.constant dense<0x7F800000> : vector<1xf32>
      %reduce_min3A_323 = vector.multi_reduction <minimumf>, %reduce_min3A_321, %reduce_min3A_322 [1, 2] : vector<1x8x128xf32> to vector<1xf32>
      %reduce_min3A_324 = vector.shape_cast %reduce_min3A_323 : vector<1xf32> to vector<1x1x1xf32>
      %reduce_min3A_325 = vector.extract %reduce_min3A_324[0, 0, 0] : f32 from vector<1x1x1xf32>
      %swap3A_326 = arith.constant 9 : index
      %swap3A_327 = memref.load %arg7[%swap3A_326] : memref<10xf32, #tpu.memory_space<smem>>
      memref.store %reduce_min3A_325, %arg7[%swap3A_326] : memref<10xf32, #tpu.memory_space<smem>>
    } else {
    }
    return
  }
  func.func @transform_0(%arg0: i32, %arg1: i32) -> (i32, i32, i32) {
    %c0_i32 = arith.constant 0 : i32
    %c0_i32_0 = arith.constant 0 : i32
    return %arg0, %arg1, %c0_i32 : i32, i32, i32
  }
  func.func @transform_1(%arg0: i32, %arg1: i32) -> (i32, i32, i32, i32) {
    %c0_i32 = arith.constant 0 : i32
    %c0_i32_0 = arith.constant 0 : i32
    %c0_i32_1 = arith.constant 0 : i32
    return %c0_i32, %arg0, %arg1, %c0_i32_0 : i32, i32, i32, i32
  }
  func.func @transform_2(%arg0: i32, %arg1: i32) -> (i32, i32, i32, i32) {
    %c1_i32 = arith.constant 1 : i32
    %c0_i32 = arith.constant 0 : i32
    %c0_i32_0 = arith.constant 0 : i32
    return %c1_i32, %arg0, %arg1, %c0_i32 : i32, i32, i32, i32
  }
  func.func @transform_3(%arg0: i32, %arg1: i32) -> (i32, i32, i32) {
    %c0_i32 = arith.constant 0 : i32
    %c0_i32_0 = arith.constant 0 : i32
    return %arg0, %arg1, %c0_i32 : i32, i32, i32
  }
  func.func @transform_4(%arg0: i32, %arg1: i32) -> (i32, i32, i32, i32) {
    %c0_i32 = arith.constant 0 : i32
    %c0_i32_0 = arith.constant 0 : i32
    %c0_i32_1 = arith.constant 0 : i32
    return %arg0, %c0_i32, %arg1, %c0_i32_0 : i32, i32, i32, i32
  }
  func.func @transform_5(%arg0: i32, %arg1: i32) -> i32 {
    %c0_i32 = arith.constant 0 : i32
    %c0_i32_0 = arith.constant 0 : i32
    return %c0_i32 : i32
  }
}

</mosaic_0001>

<sc_bundles>
// kernel: kernel.4.cloned.1.call-start
scs
__scs_entry_jumppad:
0x0: {  	(pc) =	sbr.rel $0x88, $3  }
0x1: {  	(tag) =	ssettag $0x0;
	lr =	simm.s32 $0x1  }
0x2: {  	[smem:$0x3F9A] =	sst lr;
	_ =	strace $0xD0000000  }
0x3: {  	_ = 	snop  }
0x4: {  	_ = 	snop  }
0x5: {  	_ = 	snop  }
0x6: {  	_ = 	snop  }
0x7: {  	_ = 	snop  }
__scs_overlays_trampoline_lowered:
0x8: {  	[smem:$0x3FA9] =	sst s0  }
0x9: {  	[smem:$0x3FAA] =	sst s1  }
0xa: {  	[smem:$0x3FAB] =	sst s2  }
0xb: {  	[smem:$0x3FAC] =	sst s3  }
0xc: {  	[smem:$0x3FAD] =	sst s4  }
0xd: {  	[smem:$0x3FAE] =	sst s5  }
0xe: {  	[smem:$0x3FAF] =	sst s6  }
0xf: {  	[smem:$0x3FB0] =	sst s7  }
0x10: {  	[smem:$0x3FB1] =	sst s8  }
0x11: {  	[smem:$0x3FB2] =	sst s9;
	s0 =	simm.s32 @!p0 $0x0  }
0x12: {  	s1 =	sld [smem:$0x3F98];
	s0 =	simm.s32 @p0 $0x1  }
0x13: {  	[smem:$0x3FB3] =	sst s0;
	s0 =	simm.s32 @!p1 $0x0  }
0x14: {  	s2 =	sld [smem:$0x3F97];
	s0 =	simm.s32 @p1 $0x1  }
0x15: {  	[smem:$0x3FB4] =	sst s0;
	s0 =	simm.s32 @!p2 $0x0  }
0x16: {  	s3 =	sld [smem:$0x3FDB];
	s0 =	simm.s32 @p2 $0x1  }
0x17: {  	s4 =	simm.s32 $0x1BF5;
	[smem:$0x3FB6] =	sst s0  }
0x18: {  	s0 =	sld [smem:$0x3F99];
	_ =	swait.ge [sflag:s4], $0x0  }
0x19: {  	s7 =	sld [smem:$0x3F9A]  }
0x1a: {  	s8 =	sadd.s32 $0xFFFFE003, lr  }
0x1b: {  	s9 =	sadd.s32 $0xFFFFFEF7, lr;
	s5 =	simm.s32 $0xFFFFFFFF;
	p2 =	slt.u32 s8, $0xFFFFF086  }
0x1c: {  	p1 =	slt.u32 s9, $0xF7A;
	s5 =	simm.s32 @!p2 $0x0  }
0x1d: {  	s5 =	simm.s32 @p1 $0x1;
	p0 =	seq.s32 s7, s2  }
0x1e: {  	s7 =	smul.u32 @!p0 $0xF7A, s2;
	p2 =	seq.s32 @!p0 s5, $0x0  }
0x1f: {  	s9 =	smul.u32 $0xF7A, s1;
	s8 =	simm.s32 @!p0 $0x1BF5;
	p2 =	por !p2, p0  }
0x20: {  	[sflag:s8] =	ssyncset.s32 @!p0 $0xFFFFF086;
	s6 =	sadd.s32 @!p0 s3, s7;
	s7 =	simm.s32 @!p0 $0x108  }
0x21: {  	s3 =	sadd.s32 s3, s9;
	s6 =	sadd.s32 @!p0 $0x88, s6;
	s7 =	simm.s32 @p2 $0x1082  }
0x22: {  	[simem:s7], [sflag:s8] =	dma.local @!p0 [hbm:s6], $0xF7A  }
0x23: {  	s9 =	sor.u32 $0xD0000000, s2;
	s6 =	simm.s32 $0x108;
	_ =	swait.ge @!p0 [sflag:s8], $0x0  }
0x24: {  	s3 =	sadd.s32 $0x88, s3;
	s6 =	simm.s32 @!p1 $0x1082;
	[sflag:s4] =	ssyncset.s32 $0xFFFFF086  }
0x25: {  	[simem:s6], [sflag:s4] =	dma.local [hbm:s3], $0xF7A  }
0x26: {  	[smem:$0x3F9A] =	sst s1;
	(tag) =	ssettag s2;
	_ =	strace s9  }
0x27: {  	s1 =	sld [smem:$0x3FAA]  }
0x28: {  	s2 =	sld [smem:$0x3FAB]  }
0x29: {  	s4 =	sld [smem:$0x3FAD]  }
0x2a: {  	p0 =	seq.s32 s5, $0x0;
	s5 =	sld [smem:$0x3FAE]  }
0x2b: {  	s6 =	sld [smem:$0x3FAF]  }
0x2c: {  	s7 =	sld [smem:$0x3FB0]  }
0x2d: {  	s3 =	simm.s32 $0x108;
	s8 =	sld [smem:$0x3FB1]  }
0x2e: {  	s3 =	simm.s32 @!p0 $0x1082;
	s9 =	sld [smem:$0x3FB2]  }
0x2f: {  	lr =	sadd.s32 s0, s3;
	s0 =	sld [smem:$0x3FA9]  }
0x30: {  	s3 =	sld [smem:$0x3FAC]  }
0x31: {  	[smem:$0x3FB5] =	sst s10  }
0x32: {  	s10 =	sld [smem:$0x3FB3];
	_ =	sdelay $0x3  }
0x33: {  	p0 =	seq.s32 s10, $0x1;
	s10 =	sld [smem:$0x3FB5];
	_ =	sdelay $0x3  }
0x34: {  	[smem:$0x3FB5] =	sst s10  }
0x35: {  	s10 =	sld [smem:$0x3FB4];
	_ =	sdelay $0x3  }
0x36: {  	p1 =	seq.s32 s10, $0x1;
	s10 =	sld [smem:$0x3FB5];
	_ =	sdelay $0x3  }
0x37: {  	[smem:$0x3FB5] =	sst s10  }
0x38: {  	s10 =	sld [smem:$0x3FB6]  }
0x39: {  	_ = 	snop;
	(pc) =	sbr.ind lr, $3  }
0x3a: {  	_ = 	snop  }
0x3b: {  	_ = 	snop  }
0x3c: {  	p2 =	seq.s32 s10, $0x1;
	s10 =	sld [smem:$0x3FB5]  }
0x3d: {  	_ =	shalt  }
0x3e: {  	_ =	shalt  }
0x3f: {  	_ =	shalt  }
0x40: {  	_ =	shalt  }
0x41: {  	_ =	shalt  }
0x42: {  	_ =	shalt  }
0x43: {  	_ =	shalt  }
0x44: {  	_ =	shalt  }
0x45: {  	_ =	shalt  }
0x46: {  	_ =	shalt  }
0x47: {  	_ =	shalt  }
0x48: {  	_ =	shalt  }
0x49: {  	_ =	shalt  }
0x4a: {  	_ =	shalt  }
0x4b: {  	_ =	shalt  }
0x4c: {  	_ =	shalt  }
0x4d: {  	_ =	shalt  }
0x4e: {  	_ =	shalt  }
0x4f: {  	_ =	shalt  }
0x50: {  	_ =	shalt  }
0x51: {  	_ =	shalt  }
0x52: {  	_ =	shalt  }
0x53: {  	_ =	shalt  }
0x54: {  	_ =	shalt  }
0x55: {  	_ =	shalt  }
0x56: {  	_ =	shalt  }
0x57: {  	_ =	shalt  }
0x58: {  	_ =	shalt  }
0x59: {  	_ =	shalt  }
0x5a: {  	_ =	shalt  }
0x5b: {  	_ =	shalt  }
0x5c: {  	_ =	shalt  }
0x5d: {  	_ =	shalt  }
0x5e: {  	_ =	shalt  }
0x5f: {  	_ =	shalt  }
0x60: {  	_ =	shalt  }
0x61: {  	_ =	shalt  }
0x62: {  	_ =	shalt  }
0x63: {  	_ =	shalt  }
0x64: {  	_ =	shalt  }
0x65: {  	_ =	shalt  }
0x66: {  	_ =	shalt  }
0x67: {  	_ =	shalt  }
0x68: {  	_ =	shalt  }
0x69: {  	_ =	shalt  }
0x6a: {  	_ =	shalt  }
0x6b: {  	_ =	shalt  }
0x6c: {  	_ =	shalt  }
0x6d: {  	_ =	shalt  }
0x6e: {  	_ =	shalt  }
0x6f: {  	_ =	shalt  }
0x70: {  	_ =	shalt  }
0x71: {  	_ =	shalt  }
0x72: {  	_ =	shalt  }
0x73: {  	_ =	shalt  }
0x74: {  	_ =	shalt  }
0x75: {  	_ =	shalt  }
0x76: {  	_ =	shalt  }
0x77: {  	_ =	shalt  }
0x78: {  	_ =	shalt  }
0x79: {  	_ =	shalt  }
0x7a: {  	_ =	shalt  }
0x7b: {  	_ =	shalt  }
0x7c: {  	_ =	shalt  }
0x7d: {  	_ =	shalt  }
0x7e: {  	_ =	shalt  }
0x7f: {  	_ =	shalt  }
0x80: {  	_ =	shalt  }
0x81: {  	_ =	shalt  }
0x82: {  	_ =	shalt  }
0x83: {  	_ =	shalt  }
0x84: {  	_ =	shalt  }
0x85: {  	_ =	shalt  }
0x86: {  	_ =	shalt  }
0x87: {  	_ =	shalt  }
.Lfunc_end0:
.L_simem_size_0:
called_computation_lowered:
.L_overlay_start_0:
0x88: {  	s2 =	sld [smem:$0x3FD9]  }
0x89: {  	s3 =	sld [smem:$0x3FFE];
	_ =	sdelay $0x1  }
0x8a: {  	s1 =	srdreg.scid  }
0x8b: {  	s0 =	sand.u32 $0x1, s1  }
0x8c: {  	s17 =	sshll.u32 s0, $0xA;
	s2 =	sadd.s32 s3, s2  }
0x8d: {  	s2 =	sadd.s32 s2, s17  }
0x8e: {  	[smem:$0x3FC1] =	sst s2  }
0x8f: {  	_ = 	snop  }
0x90: {  	s2 =	sld [smem:$0x3FC9]  }
0x91: {  	s18 =	sld [smem:$0x3FC8]  }
0x92: {  	s4 =	sld [smem:$0x3FC7]  }
0x93: {  	s5 =	sld [smem:$0x3FC6];
	(tm) =	ssettm $0x1  }
0x94: {  	s6 =	sld [smem:$0x3FFB];
	_ =	sdelay $0x3  }
0x95: {  	_ =	strace s6  }
0x96: {  	s6 =	sld [smem:$0x3FFC];
	_ =	sdelay $0x3  }
0x97: {  	_ =	strace s6  }
0x98: {  	s6 =	sld [smem:$0x3FFD];
	_ =	sdelay $0x3  }
0x99: {  	_ =	strace s6  }
0x9a: {  	_ =	strace $0x8FFFFFFF  }
0x9b: {  	s19 =	sld [smem:$0x3FDB];
	_ =	sdelay $0x1  }
0x9c: {  	s7 =	simm.s32 $_scs_section_size  }
0x9d: {  	s8 =	simm.s32 $_size__tile_overlayer_lowered;
	s9 =	simm.s32 $_tile_overlayer_lowered  }
0x9e: {  	s22 =	simm.s32 $0x1BFF;
	s21 =	sshll.u32 s9, $0x1;
	s6 =	sadd.s32 s7, s19  }
0x9f: {  	s10 =	simm.s32 $0x0;
	s20 =	sshll.u32 s8, $0x1;
	s8 =	sadd.s32 s21, s6  }
0xa0: {  	[timem:s10], [sflag:s22] =	dma.local [hbm:s8], s20  }
0xa1: {  	_ =	swait.ge [sflag:s22], s20  }
0xa2: {  	s7 =	ssub.s32 $0x0, s20;
	[sflag:s22] =	ssyncset.done $0x0  }
0xa3: {  	[sflag:s22] =	ssyncadd.s32 s7;
	_ =	sdelay $0x1  }
0xa4: {  	s23 =	simm.s32 $0x1B8B  }
0xa5: {  	_ =	swait.ge [sflag:s23], $0x1  }
0xa6: {  	[sflag:s23] =	ssyncset.done $0x0  }
0xa7: {  	s25 =	simm.s32 $0x1B8E;
	s24 =	sld [smem:$0x3FFE];
	[sflag:s23] =	ssyncadd.s32 $0xFFFFFFFF  }
0xa8: {  	s26 =	simm.s32 $execute0_lowered;
	[smem:$0x3FD2] =	sst s25  }
0xa9: {  	s8 =	sshll.u32 s26, $0x1;
	_ =	strace $0x80000046;
	[dreg:$0x1] =	wrdreg $0xFFFFFFFF  }
0xaa: {  	s28 =	simm.s32 $_size_execute0_lowered;
	s6 =	sadd.s32 s6, s8;
	[dreg:$0x0] =	wrdreg $0x0  }
0xab: {  	s8 =	sshll.u32 s28, $0x1;
	[dreg:$0x2] =	wrdreg s6  }
0xac: {  	[dreg:$0x3] =	wrdreg s8  }
0xad: {  	[dreg:$0x4] =	wrdreg $0xC0  }
0xae: {  	_ =	task [dreg:s10], $0x5FFFF  }
0xaf: {  	[dreg:$0x1] =	wrdreg $0xFFFFFFFF  }
0xb0: {  	[dreg:$0x0] =	wrdreg $0x60  }
0xb1: {  	[dreg:$0x2] =	wrdreg s2  }
0xb2: {  	[dreg:$0x3] =	wrdreg s18  }
0xb3: {  	[dreg:$0x4] =	wrdreg s4  }
0xb4: {  	[dreg:$0x5] =	wrdreg s5  }
0xb5: {  	[dreg:$0x6] =	wrdreg s24  }
0xb6: {  	[dreg:$0x7] =	wrdreg $0x9  }
0xb7: {  	_ =	task.clear_ibuf [dreg:s10], $0x8FFFF;
	_ =	strace $0x90000046  }
0xb8: {  	s29 =	simm.s32 $0x9;
	_ =	strace $0x80000048  }
0xb9: {  	_ =	swait.ge [sflag:s29], $0x1  }
0xba: {  	[sflag:s29] =	ssyncadd.s32 $0xFFFFFFFF  }
0xbb: {  	_ =	strace $0x90000048  }
0xbc: {  	_ =	sfence  }
0xbd: {  	s30 =	sld [smem:$0x0];
	_ =	sdelay $0x2  }
0xbe: {  	s31 =	sshll.u32 s1, $0xD;
	s1 =	sshrl.u32 s1, $0x2  }
0xbf: {  	s3 =	sand.u32 $0x4000, s31;
	s1 =	sadd.s32 s1, s30  }
0xc0: {  	s0 =	sor.u32 s3, s0;
	s1 =	sshll.u32 s1, $0x11  }
0xc1: {  	s0 =	sor.u32 s1, s0  }
0xc2: {  	s0 =	sadd.s32 $0x8F2B, s0  }
0xc3: {  	[sflag:s0] =	ssyncadd.remote.s32 $0x1  }
0xc4: {  	_ =	sfence.sel $0xFFFF  }
0xc5: {  	[dreg:$0x0] =	wrdreg $0xFFFFFFFF;
	(pc) =	sbr.abs _section_cstart, $3  }
0xc6: {  	[dreg:$0x1] =	wrdreg $0xFFFFFFFF  }
0xc7: {  	_ =	task.clear_ibuf [dreg:s10], $0x2FFFF;
	_ =	strace $0x9FFFFFFF  }
0xc8: {  	(tm) =	ssettm $0x7FFFFFFF  }
0xc9: {  	_ =	shalt  }
tec
execute0_lowered:
.L_overlay_start_1:
0x0: {  	(tag) =	ssettag $0x1  }
0x1: {  	s1 =	rddreg [dreg:$0x0]  }
0x2: {  	s2 =	rddreg [dreg:$0x1]  }
0x3: {  	s3 =	rddreg [dreg:$0x2]  }
0x4: {  	s0 =	srdreg.scid;
	s5 =	rddreg [dreg:$0x3]  }
0x5: {  	s8 =	stileid.u32;
	s6 =	rddreg [dreg:$0x4]  }
0x6: {  	s29 =	simm.s32 $0x0;
	s28 =	simm.s32 $0x2;
	s0 =	sand.u32 $0x1, s0  }
0x7: {  	s4 =	sshll.u32 s8, $0x1;
	[smem:$0x7FF] =	sst s29;
	s9 =	sshrl.u32 s8, $0x3  }
0x8: {  	s4 =	sor.u32 s0, s4;
	s0 =	ssub.s32 $0x2, s0;
	s8 =	sshll.u32 s9, $0xE  }
0x9: {  	s9 =	smul.u32 $0x1C000, s9;
	_ =	strace $0x80000047;
	s7 =	sand.u32 $0xF, s4  }
0xa: {  	s10 =	sshrl.u32 s0, $0x1;
	s4 =	sshll.u32 s4, $0x8;
	s14 =	smul.u32 $0x180, s7  }
0xb: {  	s0 =	ssub.s32 s0, s10;
	s10 =	sadd.s32 $0x4000, s9;
	s11 =	sadd.s32 $0x8000, s9  }
0xc: {  	s12 =	sadd.s32 $0xC000, s9;
	s13 =	sadd.s32 $0x10000, s9;
	s4 =	sadd.s32 s6, s4  }
0xd: {  	[dreg:$0x8] =	wrdreg s4;
	s0 =	smax.u32 s0, $0x1;
	s7 =	sadd.s32 $0x2800, s14  }
0xe: {  	s30 =	sadd.s32 $0x2840, s14;
	[dreg:$0x12] =	wrdreg s0;
	s15 =	sadd.s32 s8, s7  }
0xf: {  	s17 =	sadd.s32 s9, s7;
	s18 =	sadd.s32 s10, s7;
	s15 =	sshll.u32 s15, $0x4  }
0x10: {  	s19 =	sadd.s32 s11, s7;
	s20 =	sadd.s32 s12, s7;
	s16 =	sadd.s32 s1, s15  }
0x11: {  	s17 =	sshll.u32 s17, $0x4;
	s24 =	sadd.s32 s2, s15;
	[dreg:$0x6] =	wrdreg s16  }
0x12: {  	s6 =	sshll.u32 s18, $0x4;
	s26 =	sadd.s32 s3, s15;
	[dreg:$0x7] =	wrdreg s24  }
0x13: {  	s31 =	sadd.s32 s5, s17;
	s17 =	sshll.u32 s20, $0x4;
	[dreg:$0xa] =	wrdreg s26  }
0x14: {  	s4 =	sadd.s32 s5, s6;
	s20 =	sadd.s32 s13, s7;
	[dreg:$0xb] =	wrdreg s31  }
0x15: {  	s6 =	simm.s32 $0x0;
	s16 =	sadd.s32 $0x80000, s2;
	[dreg:$0xc] =	wrdreg s4  }
0x16: {  	s24 =	sadd.s32 $0x14000, s9;
	s4 =	sshll.u32 s20, $0x4;
	s20 =	simm.s32 $0x12000  }
0x17: {  	s25 =	sadd.s32 s15, s16;
	s15 =	sshll.u32 s19, $0x4;
	s19 =	sadd.s32 s5, s17  }
0x18: {  	s21 =	sadd.s32 s24, s7;
	s4 =	sadd.s32 s5, s4;
	[dreg:$0x9] =	wrdreg s25  }
0x19: {  	s18 =	sadd.s32 s5, s15;
	[dreg:$0xe] =	wrdreg s19;
	s25 =	sadd.s32 $0x18000, s9  }
0x1a: {  	[dreg:$0xf] =	wrdreg s4;
	s23 =	sshll.u32 s21, $0x4;
	s19 =	simm.s32 $0x11000  }
0x1b: {  	s21 =	simm.s32 $0x13000;
	[dreg:$0xd] =	wrdreg s18;
	s22 =	sadd.s32 s25, s7  }
0x1c: {  	s4 =	sadd.s32 s5, s23;
	s18 =	simm.s32 $0x10000;
	s26 =	sshll.u32 s22, $0x4  }
0x1d: {  	s23 =	simm.s32 $0x15000;
	[dreg:$0x10] =	wrdreg s4;
	s31 =	sadd.s32 s5, s26  }
0x1e: {  	v0 =	vimm.f32 $0.0e+00;
	s22 =	simm.s32 $0x14000;
	s26 =	simm.s32 $0x1;
	[dreg:$0x11] =	wrdreg s31  }
.LBB2_1:
0x1f: {  	[dreg:$0x13] =	wrdreg s6  }
0x20: {  	s0 =	rddreg [dreg:$0x6]  }
0x21: {  	[tilespmem:s29], [sflag:$0x1] =	stream.linear.gather [hbm4b:s0+s29], $0x1000, $0x38;
	[tilespmem:$0x16800] =	vst v63  }
0x22: {  	s31 =	rddreg [dreg:$0x7];
	s4 =	simm.s32 $0x2000  }
0x23: {  	[tilespmem:s4], [sflag:$0x1] =	stream.linear.gather [hbm4b:s31+s29], $0x1000, $0x38;
	[tilespmem:$0x16800] =	vst v63  }
0x24: {  	s6 =	simm.s32 $0x4000;
	s4 =	rddreg [dreg:$0x9]  }
0x25: {  	[tilespmem:s6], [sflag:$0x1] =	stream.linear.gather [hbm4b:s4+s29], $0x1000, $0x38;
	[tilespmem:$0x16800] =	vst v63  }
0x26: {  	s14 =	rddreg [dreg:$0xa];
	s15 =	simm.s32 $0x6000  }
0x27: {  	[tilespmem:s15], [sflag:$0x1] =	stream.linear.gather [hbm4b:s14+s29], $0x1000, $0x38;
	[tilespmem:$0x16800] =	vst v63  }
0x28: {  	s17 =	rddreg [dreg:$0xb];
	s31 =	simm.s32 $0x8000  }
0x29: {  	[tilespmem:s31], [sflag:$0x1] =	stream.linear.gather [hbm4b:s17+s29], $0x1000, $0x38;
	[tilespmem:$0x16800] =	vst v63  }
0x2a: {  	s4 =	rddreg [dreg:$0xc];
	s6 =	simm.s32 $0x9000  }
0x2b: {  	[tilespmem:s6], [sflag:$0x1] =	stream.linear.gather [hbm4b:s4+s29], $0x1000, $0x38;
	[tilespmem:$0x16800] =	vst v63  }
0x2c: {  	s14 =	rddreg [dreg:$0xd];
	s15 =	simm.s32 $0xA000  }
0x2d: {  	[tilespmem:s15], [sflag:$0x1] =	stream.linear.gather [hbm4b:s14+s29], $0x1000, $0x38;
	[tilespmem:$0x16800] =	vst v63  }
0x2e: {  	s17 =	rddreg [dreg:$0xe];
	s31 =	simm.s32 $0xB000  }
0x2f: {  	[tilespmem:s31], [sflag:$0x1] =	stream.linear.gather [hbm4b:s17+s29], $0x1000, $0x38;
	[tilespmem:$0x16800] =	vst v63  }
0x30: {  	s4 =	rddreg [dreg:$0xf];
	s6 =	simm.s32 $0xC000  }
0x31: {  	[tilespmem:s6], [sflag:$0x1] =	stream.linear.gather [hbm4b:s4+s29], $0x1000, $0x38;
	[tilespmem:$0x16800] =	vst v63  }
0x32: {  	s14 =	rddreg [dreg:$0x10];
	s15 =	simm.s32 $0xD000  }
0x33: {  	v9 =	vimm.f32 $-Inf;
	[tilespmem:s15], [sflag:$0x1] =	stream.linear.gather [hbm4b:s14+s29], $0x1000, $0x38;
	[tilespmem:$0x16800] =	vst v63  }
0x34: {  	v6 =	vimm.f32 $+Inf;
	v7 =	vimm.f32 $+Inf;
	v4 =	vimm.f32 $-Inf;
	s17 =	rddreg [dreg:$0x11];
	s31 =	simm.s32 $0xE000  }
0x35: {  	v2 =	vimm.f32 $0.0e+00;
	v1 =	vimm.f32 $0.0e+00;
	v8 =	vimm.f32 $0.0e+00;
	[tilespmem:s31], [sflag:$0x1] =	stream.linear.gather [hbm4b:s17+s29], $0x1000, $0x38;
	[tilespmem:$0x16800] =	vst v63  }
0x36: {  	v10 =	vimm.f32 $0.0e+00;
	v11 =	vimm.f32 $0.0e+00;
	v12 =	vimm.f32 $0.0e+00;
	s29 =	simm.s32 $0x0  }
.LBB2_2:
0x37: {  	s6 =	sshll.u32 s29, $0x6  }
0x38: {  	s0 =	sadd.s32 s6, s7  }
0x39: {  	s4 =	sadd.s32 $0x20, s0  }
0x3a: {  	s0 =	sadd.s32 s8, s4  }
0x3b: {  	s14 =	sshll.u32 s0, $0x4  }
0x3c: {  	s15 =	sand.u32 $0x1FFFFE00, s14  }
0x3d: {  	s17 =	simm.s32 $0x1000;
	s0 =	simm.s32 $0x0;
	s31 =	sadd.s32 s1, s15  }
0x3e: {  	[tilespmem:s17], [sflag:$0x2] =	stream.linear.gather [hbm4b:s31+s0], $0x1000, $0x38;
	[tilespmem:$0x16800] =	vst v63  }
0x3f: {  	s31 =	sadd.s32 s2, s15;
	s17 =	simm.s32 $0x3000  }
0x40: {  	[tilespmem:s17], [sflag:$0x2] =	stream.linear.gather [hbm4b:s31+s0], $0x1000, $0x38;
	[tilespmem:$0x16800] =	vst v63  }
0x41: {  	s14 =	sadd.s32 s14, s16;
	s17 =	simm.s32 $0x5000  }
0x42: {  	[tilespmem:s17], [sflag:$0x2] =	stream.linear.gather [hbm4b:s14+s0], $0x1000, $0x38;
	[tilespmem:$0x16800] =	vst v63  }
0x43: {  	s14 =	sadd.s32 s9, s4  }
0x44: {  	s15 =	sadd.s32 s3, s15;
	s17 =	simm.s32 $0x7000;
	s14 =	sshll.u32 s14, $0x4  }
0x45: {  	[tilespmem:s17], [sflag:$0x2] =	stream.linear.gather [hbm4b:s15+s0], $0x1000, $0x38;
	[tilespmem:$0x16800] =	vst v63  }
0x46: {  	s14 =	sand.u32 $0x1FFFFE00, s14;
	s15 =	sadd.s32 s10, s4  }
0x47: {  	s17 =	simm.s32 $0xF000;
	s14 =	sadd.s32 s5, s14;
	s15 =	sshll.u32 s15, $0x4  }
0x48: {  	[tilespmem:s17], [sflag:$0x2] =	stream.linear.gather [hbm4b:s14+s0], $0x1000, $0x38;
	[tilespmem:$0x16800] =	vst v63  }
0x49: {  	s14 =	sand.u32 $0x1FFFFE00, s15;
	s17 =	sadd.s32 s11, s4  }
0x4a: {  	s14 =	sadd.s32 s5, s14;
	s15 =	sshll.u32 s17, $0x4  }
0x4b: {  	[tilespmem:s18], [sflag:$0x2] =	stream.linear.gather [hbm4b:s14+s0], $0x1000, $0x38;
	[tilespmem:$0x16800] =	vst v63  }
0x4c: {  	s17 =	sadd.s32 s12, s4;
	s14 =	sand.u32 $0x1FFFFE00, s15  }
0x4d: {  	s15 =	sshll.u32 s17, $0x4;
	s14 =	sadd.s32 s5, s14  }
0x4e: {  	[tilespmem:s19], [sflag:$0x2] =	stream.linear.gather [hbm4b:s14+s0], $0x1000, $0x38;
	[tilespmem:$0x16800] =	vst v63  }
0x4f: {  	s17 =	sadd.s32 s13, s4;
	s14 =	sand.u32 $0x1FFFFE00, s15  }
0x50: {  	s15 =	sshll.u32 s17, $0x4;
	s14 =	sadd.s32 s5, s14  }
0x51: {  	[tilespmem:s20], [sflag:$0x2] =	stream.linear.gather [hbm4b:s14+s0], $0x1000, $0x38;
	[tilespmem:$0x16800] =	vst v63  }
0x52: {  	s17 =	sadd.s32 s24, s4;
	s14 =	sand.u32 $0x1FFFFE00, s15  }
0x53: {  	s4 =	sadd.s32 s25, s4;
	s17 =	sshll.u32 s17, $0x4;
	s14 =	sadd.s32 s5, s14  }
0x54: {  	[tilespmem:s21], [sflag:$0x2] =	stream.linear.gather [hbm4b:s14+s0], $0x1000, $0x38;
	[tilespmem:$0x16800] =	vst v63  }
0x55: {  	s4 =	sshll.u32 s4, $0x4;
	s14 =	sand.u32 $0x1FFFFE00, s17  }
0x56: {  	s4 =	sand.u32 $0x1FFFFE00, s4;
	s14 =	sadd.s32 s5, s14  }
0x57: {  	[tilespmem:s22], [sflag:$0x2] =	stream.linear.gather [hbm4b:s14+s0], $0x1000, $0x38;
	[tilespmem:$0x16800] =	vst v63  }
0x58: {  	s4 =	sadd.s32 s5, s4  }
0x59: {  	[tilespmem:s23], [sflag:$0x2] =	stream.linear.gather [hbm4b:s4+s0], $0x1000, $0x38;
	[tilespmem:$0x16800] =	vst v63  }
0x5a: {  	_ =	swait.ge [sflag:s26], $0x1000  }
0x5b: {  	[sflag:s26] =	ssyncset.done $0x0  }
0x5c: {  	[sflag:s26] =	ssyncadd.s32 $0xFFFFF000  }
0x5d: {  	_ =	swait.ge [sflag:s26], $0x1000  }
0x5e: {  	[sflag:s26] =	ssyncset.done $0x0  }
0x5f: {  	[sflag:s26] =	ssyncadd.s32 $0xFFFFF000  }
0x60: {  	_ =	swait.ge [sflag:s26], $0x1000  }
0x61: {  	[sflag:s26] =	ssyncset.done $0x0  }
0x62: {  	[sflag:s26] =	ssyncadd.s32 $0xFFFFF000  }
0x63: {  	_ =	swait.ge [sflag:s26], $0x1000  }
0x64: {  	[sflag:s26] =	ssyncset.done $0x0  }
0x65: {  	[sflag:s26] =	ssyncadd.s32 $0xFFFFF000  }
0x66: {  	_ =	swait.ge [sflag:s26], $0x1000  }
0x67: {  	[sflag:s26] =	ssyncset.done $0x0  }
0x68: {  	[sflag:s26] =	ssyncadd.s32 $0xFFFFF000  }
0x69: {  	_ =	swait.ge [sflag:s26], $0x1000  }
0x6a: {  	[sflag:s26] =	ssyncset.done $0x0  }
0x6b: {  	[sflag:s26] =	ssyncadd.s32 $0xFFFFF000  }
0x6c: {  	_ =	swait.ge [sflag:s26], $0x1000  }
0x6d: {  	[sflag:s26] =	ssyncset.done $0x0  }
0x6e: {  	[sflag:s26] =	ssyncadd.s32 $0xFFFFF000  }
0x6f: {  	_ =	swait.ge [sflag:s26], $0x1000  }
0x70: {  	[sflag:s26] =	ssyncset.done $0x0  }
0x71: {  	[sflag:s26] =	ssyncadd.s32 $0xFFFFF000  }
0x72: {  	_ =	swait.ge [sflag:s26], $0x1000  }
0x73: {  	[sflag:s26] =	ssyncset.done $0x0  }
0x74: {  	[sflag:s26] =	ssyncadd.s32 $0xFFFFF000  }
0x75: {  	_ =	swait.ge [sflag:s26], $0x1000  }
0x76: {  	[sflag:s26] =	ssyncset.done $0x0  }
0x77: {  	[sflag:s26] =	ssyncadd.s32 $0xFFFFF000  }
0x78: {  	_ =	swait.ge [sflag:s26], $0x1000  }
0x79: {  	[sflag:s26] =	ssyncset.done $0x0  }
0x7a: {  	s14 =	simm.s32 $0x0;
	[sflag:s26] =	ssyncadd.s32 $0xFFFFF000  }
0x7b: {  	v13 =	vld [tilespmem:s14+$0x10]  }
0x7c: {  	v14 =	vld [tilespmem:s14+$0xC010]  }
0x7d: {  	v15 =	vld [tilespmem:s14+$0xB010]  }
0x7e: {  	v3 =	vld [tilespmem:s14+$0xA010]  }
0x7f: {  	v5 =	vld [tilespmem:s14+$0x6000]  }
0x80: {  	v16 =	vld [tilespmem:s14+$0x4000]  }
0x81: {  	v17 =	vld [tilespmem:s14+$0x0]  }
0x82: {  	s15 =	sand.u32 $0xFE0, s0;
	v18 =	vld [tilespmem:s14+$0x9010]  }
0x83: {  	v19 =	vld [tilespmem:s15+$0xA000]  }
0x84: {  	v20 =	vld [tilespmem:s14+$0x8010]  }
0x85: {  	v21 =	vld [tilespmem:s14+$0x2000]  }
0x86: {  	v22 =	vld [tilespmem:s14+$0x8000]  }
0x87: {  	v23 =	vld [tilespmem:s15+$0x9000]  }
0x88: {  	v24 =	vld [tilespmem:s14+$0xD010]  }
0x89: {  	v25 =	vld [tilespmem:s14+$0x2010]  }
0x8a: {  	v26 =	vld [tilespmem:s14+$0xE010]  }
0x8b: {  	v27 =	vld [tilespmem:s14+$0x4010];
	v28 =	vmax.f32 v9, v17  }
0x8c: {  	s17 =	simm.s32 $0x20;
	v32 =	vld [tilespmem:s15+$0xD000];
	v29 =	vmin.f32 v6, v17;
	vm0 =	vgt.f32 v16, $0.0e+00;
	vm1 =	vgt.f32 v5, $0.0e+00  }
0x8d: {  	v33 =	vld [tilespmem:s17+$0xC010];
	v18 =	vadd.f32 v18, v20;
	v17 =	vsub.f32 v17, v21;
	v31 =	vmax.f32 v4, v21  }
0x8e: {  	v34 =	vld [tilespmem:s17+$0x6000];
	v22 =	vadd.f32 v23, v22;
	v30 =	vsel vm0, $0x3F800000, v0;
	v20 =	vsel vm1, $0x3F800000, v0  }
0x8f: {  	v16 =	vld [tilespmem:s14+$0x6010];
	v9 =	vsel vm0, v28, v9;
	v6 =	vsel vm0, v29, v6;
	v11 =	vadd.f32 v30, v11  }
0x90: {  	v5 =	vld [tilespmem:s15+$0xE000];
	v30 =	vsel vm0, v31, v4;
	v4 =	vadd.f32 v3, v18;
	v3 =	vand.u32 $0x7FFFFFFF, v17  }
0x91: {  	v18 =	vld [tilespmem:s15+$0xC000];
	v17 =	vmin.f32 v7, v21;
	v19 =	vadd.f32 v19, v22;
	v8 =	vadd.f32 v20, v8  }
0x92: {  	v21 =	vld [tilespmem:s15+$0xB000];
	v23 =	vnsel vm0, $0x0, v3;
	v31 =	vnsel vm1, $0x0, v3;
	v7 =	vsel vm0, v17, v7  }
0x93: {  	v20 =	vld [tilespmem:s17+$0x0];
	vm1 =	vgt.f32 v27, $0.0e+00;
	v15 =	vadd.f32 v15, v4;
	v31 =	vadd.f32 v31, v10  }
0x94: {  	v27 =	vld [tilespmem:s17+$0xA010];
	v10 =	vsub.f32 v13, v25;
	v17 =	vadd.f32 v23, v12;
	v23 =	vmin.f32 v7, v25  }
0x95: {  	v4 =	vld [tilespmem:s17+$0x10];
	v28 =	vsel vm1, $0x3F800000, v0;
	vm2 =	vgt.f32 v16, $0.0e+00;
	v12 =	vadd.f32 v14, v15  }
0x96: {  	v16 =	vld [tilespmem:s17+$0x4000];
	v36 =	vsel vm1, v23, v7;
	v11 =	vadd.f32 v28, v11;
	v14 =	vmax.f32 v30, v25  }
0x97: {  	v23 =	vld [tilespmem:s17+$0x2000];
	v25 =	vand.u32 $0x7FFFFFFF, v10;
	v30 =	vsel vm1, v14, v30;
	v10 =	vadd.f32 v24, v12  }
0x98: {  	v28 =	vld [tilespmem:s17+$0x8000];
	v14 =	vsel vm2, $0x3F800000, v0;
	v22 =	vnsel vm2, $0x0, v25;
	v12 =	vmax.f32 v9, v13  }
0x99: {  	v24 =	vadd.f32 v26, v10;
	v26 =	vld [tilespmem:s17+$0x9010];
	v10 =	vadd.f32 v14, v8;
	v8 =	vmin.f32 v6, v13  }
0x9a: {  	v14 =	vsel vm1, v12, v9;
	v9 =	vld [tilespmem:s17+$0x8010];
	v8 =	vsel vm1, v8, v6;
	v6 =	vnsel vm1, $0x0, v25  }
0x9b: {  	s31 =	simm.s32 $0x20;
	v15 =	vld [tilespmem:s17+$0xB010];
	v31 =	vadd.f32 v22, v31;
	v35 =	vadd.f32 v6, v17;
	vm0 =	vgt.f32 v24, $0.0e+00  }
0x9c: {  	s4 =	sand.u32 $0xFE0, s31;
	v22 =	vld [tilespmem:s17+$0xD010];
	v17 =	vadd.f32 v21, v19;
	v24 =	vmax.f32 v14, v20;
	v13 =	vmin.f32 v8, v20  }
0x9d: {  	v19 =	vld [tilespmem:s4+$0x9000];
	v6 =	vnsel vm0, $0x0, v25;
	v7 =	vsel vm0, $0x3F800000, v0;
	vm0 =	vgt.f32 v16, $0.0e+00  }
0x9e: {  	v12 =	vld [tilespmem:s4+$0xA000];
	v20 =	vsub.f32 v20, v23;
	v16 =	vadd.f32 v18, v17;
	v17 =	vsel vm0, $0x3F800000, v0  }
0x9f: {  	v25 =	vld [tilespmem:s17+$0x2010];
	v18 =	vadd.f32 v26, v9;
	v9 =	vadd.f32 v17, v11;
	v11 =	vmax.f32 v30, v23  }
0xa0: {  	vm1 =	vgt.f32 v34, $0.0e+00;
	v17 =	vld [tilespmem:s17+$0xE010];
	v26 =	vsel vm0, v11, v30  }
0xa1: {  	v30 =	vld [tilespmem:s17+$0x4010];
	v29 =	vadd.f32 v32, v16;
	v16 =	vand.u32 $0x7FFFFFFF, v20;
	v11 =	vadd.f32 v27, v18  }
0xa2: {  	v28 =	vadd.f32 v19, v28;
	v19 =	vmin.f32 v36, v23;
	v27 =	vld [tilespmem:s17+$0x6010];
	v18 =	vnsel vm1, $0x0, v16  }
0xa3: {  	v23 =	vld [tilespmem:s4+$0xE000];
	v20 =	vnsel vm0, $0x0, v16;
	v18 =	vadd.f32 v18, v31;
	v63 =	vadd.f32 v15, v11  }
0xa4: {  	v21 =	vsel vm1, $0x3F800000, v0;
	v31 =	vsub.f32 v4, v25;
	v20 =	vadd.f32 v20, v35;
	v11 =	vld [tilespmem:s4+$0xD000]  }
0xa5: {  	s0 =	simm.s32 $0x2;
	s14 =	simm.s32 $0x100;
	v32 =	vmax.f32 v26, v25;
	v15 =	vsel vm0, v19, v36;
	v19 =	vld [tilespmem:s4+$0xC000];
	v33 =	vadd.f32 v33, v63  }
.LBB2_3:
0xa6: {  	s15 =	sshra.s32 s14, $0x2;
	s0 =	sadd.s32 $0x2, s0;
	v34 =	vld [tilespmem:s4+$0xB000];
	v14 =	vsel vm0, v24, v14;
	vm1 =	vgt.f32 v30, $0.0e+00;
	v24 =	vmin.f32 v15, v25;
	s31 =	sadd.s32 $0x20, s31  }
0xa7: {  	v30 =	vand.u32 $0x7FFFFFFF, v31;
	v29 =	vadd.f32 v5, v29;
	s4 =	sand.u32 $0xFE0, s31;
	v25 =	vld [tilespmem:s15+$0x10];
	p0 =	slt.u32 s0, $0xFE;
	v31 =	vsel vm1, $0x3F800000, v0  }
0xa8: {  	v22 =	vadd.f32 v22, v33;
	v26 =	vsel vm1, v32, v26;
	v32 =	vmax.f32 v14, v4;
	v35 =	vld [tilespmem:s15+$0xC010];
	v5 =	vmovc v23  }
0xa9: {  	vm2 =	vgt.f32 v27, $0.0e+00;
	v23 =	vadd.f32 v12, v28;
	vm3 =	vgt.f32 v29, $0.0e+00;
	v33 =	vld [tilespmem:s15+$0xB010]  }
0xaa: {  	v10 =	vadd.f32 v21, v10;
	v12 =	vsel vm2, $0x3F800000, v0;
	v21 =	vnsel vm3, $0x0, v3;
	v3 =	vmovc v16;
	v27 =	vld [tilespmem:s15+$0xA010]  }
0xab: {  	v8 =	vsel vm0, v13, v8;
	v13 =	vnsel vm2, $0x0, v30;
	v28 =	vsel vm3, $0x3F800000, v0;
	v16 =	vld [tilespmem:s15+$0x6000]  }
0xac: {  	v17 =	vadd.f32 v17, v22;
	v10 =	vadd.f32 v12, v10;
	v12 =	vmin.f32 v8, v4;
	v29 =	vld [tilespmem:s15+$0x4000];
	v4 =	vmovc v25  }
0xad: {  	v14 =	vsel vm1, v32, v14;
	v8 =	vsel vm1, v12, v8;
	v2 =	vadd.f32 v28, v2;
	v36 =	vld [tilespmem:s15+$0x0]  }
0xae: {  	v22 =	vnsel vm1, $0x0, v30;
	v18 =	vadd.f32 v13, v18;
	v1 =	vadd.f32 v21, v1;
	v28 =	vld [tilespmem:s15+$0x9010]  }
0xaf: {  	v15 =	vsel vm1, v24, v15;
	v20 =	vadd.f32 v22, v20;
	v2 =	vadd.f32 v7, v2;
	v12 =	vld [tilespmem:s4+$0xA000]  }
0xb0: {  	v9 =	vadd.f32 v31, v9;
	vm0 =	vgt.f32 v17, $0.0e+00;
	v1 =	vadd.f32 v6, v1;
	v32 =	vld [tilespmem:s15+$0x8010]  }
0xb1: {  	v6 =	vnsel vm0, $0x0, v30;
	v31 =	vld [tilespmem:s15+$0x2000]  }
0xb2: {  	v17 =	vadd.f32 v34, v23;
	v37 =	vld [tilespmem:s15+$0x8000]  }
0xb3: {  	v7 =	vsel vm0, $0x3F800000, v0;
	v24 =	vmax.f32 v14, v36;
	v13 =	vmin.f32 v8, v36;
	v23 =	vld [tilespmem:s4+$0x9000]  }
0xb4: {  	vm1 =	vgt.f32 v16, $0.0e+00;
	v16 =	vadd.f32 v19, v17;
	vm0 =	vgt.f32 v29, $0.0e+00;
	v22 =	vld [tilespmem:s15+$0xD010]  }
0xb5: {  	v21 =	vsel vm1, $0x3F800000, v0;
	v17 =	vsel vm0, $0x3F800000, v0;
	v25 =	vld [tilespmem:s15+$0x2010];
	v19 =	vadd.f32 v28, v32  }
0xb6: {  	v9 =	vadd.f32 v17, v9;
	v32 =	vsub.f32 v36, v31;
	v28 =	vmax.f32 v26, v31;
	v17 =	vld [tilespmem:s15+$0xE010]  }
.Ltmp0:
0xb7: {  	v29 =	vadd.f32 v11, v16;
	v26 =	vsel vm0, v28, v26;
	v30 =	vld [tilespmem:s15+$0x4010];
	v19 =	vadd.f32 v27, v19;
	(pc) =	sbr.rel @p0 .LBB2_3-.Ltmp0, $4  }
0xb8: {  	v31 =	vmin.f32 v15, v31;
	v28 =	vadd.f32 v23, v37;
	v16 =	vand.u32 $0x7FFFFFFF, v32;
	v27 =	vld [tilespmem:s15+$0x6010]  }
0xb9: {  	v23 =	vld [tilespmem:s4+$0xE000];
	v32 =	vnsel vm0, $0x0, v16;
	v34 =	vnsel vm1, $0x0, v16;
	v33 =	vadd.f32 v33, v19  }
0xba: {  	v15 =	vsel vm0, v31, v15;
	v11 =	vld [tilespmem:s4+$0xD000];
	v18 =	vadd.f32 v34, v18;
	v31 =	vsub.f32 v4, v25  }
0xbb: {  	s14 =	sadd.s32 $0x80, s14;
	v20 =	vadd.f32 v32, v20;
	v32 =	vmax.f32 v26, v25;
	v19 =	vld [tilespmem:s4+$0xC000];
	v33 =	vadd.f32 v35, v33  }
0xbc: {  	p0 =	seq.s32 s29, $0x5  }
0xbd: {  	s0 =	sadd.s32 @!p0 s6, s30  }
0xbe: {  	s6 =	sadd.s32 @!p0 s8, s0  }
0xbf: {  	s6 =	sshll.u32 @!p0 s6, $0x4  }
0xc0: {  	s14 =	sand.u32 @!p0 $0x1FFFFC00, s6  }
0xc1: {  	v34 =	vld [tilespmem:s4+$0xB000];
	s15 =	simm.s32 @!p0 $0x0;
	s4 =	sadd.s32 @!p0 s1, s14  }
0xc2: {  	[tilespmem:s15], [sflag:$0x1] =	stream.linear.gather @!p0 [hbm4b:s4+s15], $0x1000, $0x38;
	[tilespmem:$0x16800] =	vst v63  }
0xc3: {  	s31 =	simm.s32 @!p0 $0x2000;
	s4 =	sadd.s32 @!p0 s2, s14  }
0xc4: {  	[tilespmem:s31], [sflag:$0x1] =	stream.linear.gather @!p0 [hbm4b:s4+s15], $0x1000, $0x38;
	[tilespmem:$0x16800] =	vst v63  }
0xc5: {  	s4 =	sadd.s32 @!p0 s6, s16;
	s6 =	simm.s32 @!p0 $0x4000  }
0xc6: {  	[tilespmem:s6], [sflag:$0x1] =	stream.linear.gather @!p0 [hbm4b:s4+s15], $0x1000, $0x38;
	[tilespmem:$0x16800] =	vst v63  }
0xc7: {  	s4 =	sadd.s32 @!p0 s3, s14;
	s6 =	simm.s32 @!p0 $0x6000  }
0xc8: {  	[tilespmem:s6], [sflag:$0x1] =	stream.linear.gather @!p0 [hbm4b:s4+s15], $0x1000, $0x38;
	[tilespmem:$0x16800] =	vst v63  }
0xc9: {  	s4 =	sadd.s32 @!p0 s9, s0  }
0xca: {  	s4 =	sshll.u32 @!p0 s4, $0x4  }
0xcb: {  	s4 =	sand.u32 @!p0 $0x1FFFFC00, s4  }
0xcc: {  	s6 =	simm.s32 @!p0 $0x8000;
	s4 =	sadd.s32 @!p0 s5, s4  }
0xcd: {  	[tilespmem:s6], [sflag:$0x1] =	stream.linear.gather @!p0 [hbm4b:s4+s15], $0x1000, $0x38;
	[tilespmem:$0x16800] =	vst v63  }
0xce: {  	s4 =	sadd.s32 @!p0 s10, s0  }
0xcf: {  	s4 =	sshll.u32 @!p0 s4, $0x4  }
0xd0: {  	s4 =	sand.u32 @!p0 $0x1FFFFC00, s4  }
0xd1: {  	s6 =	simm.s32 @!p0 $0x9000;
	s4 =	sadd.s32 @!p0 s5, s4  }
0xd2: {  	[tilespmem:s6], [sflag:$0x1] =	stream.linear.gather @!p0 [hbm4b:s4+s15], $0x1000, $0x38;
	[tilespmem:$0x16800] =	vst v63  }
0xd3: {  	s4 =	sadd.s32 @!p0 s11, s0  }
0xd4: {  	s4 =	sshll.u32 @!p0 s4, $0x4  }
0xd5: {  	s4 =	sand.u32 @!p0 $0x1FFFFC00, s4  }
0xd6: {  	s6 =	simm.s32 @!p0 $0xA000;
	s4 =	sadd.s32 @!p0 s5, s4  }
0xd7: {  	[tilespmem:s6], [sflag:$0x1] =	stream.linear.gather @!p0 [hbm4b:s4+s15], $0x1000, $0x38;
	[tilespmem:$0x16800] =	vst v63  }
0xd8: {  	s4 =	sadd.s32 @!p0 s12, s0  }
0xd9: {  	s4 =	sshll.u32 @!p0 s4, $0x4  }
0xda: {  	s4 =	sand.u32 @!p0 $0x1FFFFC00, s4  }
0xdb: {  	s6 =	simm.s32 @!p0 $0xB000;
	s4 =	sadd.s32 @!p0 s5, s4  }
0xdc: {  	[tilespmem:s6], [sflag:$0x1] =	stream.linear.gather @!p0 [hbm4b:s4+s15], $0x1000, $0x38;
	[tilespmem:$0x16800] =	vst v63  }
0xdd: {  	s4 =	sadd.s32 @!p0 s13, s0  }
0xde: {  	s4 =	sshll.u32 @!p0 s4, $0x4  }
0xdf: {  	s4 =	sand.u32 @!p0 $0x1FFFFC00, s4  }
0xe0: {  	s6 =	simm.s32 @!p0 $0xC000;
	s4 =	sadd.s32 @!p0 s5, s4  }
0xe1: {  	[tilespmem:s6], [sflag:$0x1] =	stream.linear.gather @!p0 [hbm4b:s4+s15], $0x1000, $0x38;
	[tilespmem:$0x16800] =	vst v63  }
0xe2: {  	s4 =	sadd.s32 @!p0 s24, s0  }
0xe3: {  	s0 =	sadd.s32 @!p0 s25, s0;
	s4 =	sshll.u32 @!p0 s4, $0x4  }
0xe4: {  	s0 =	sshll.u32 @!p0 s0, $0x4;
	s4 =	sand.u32 @!p0 $0x1FFFFC00, s4  }
0xe5: {  	s6 =	simm.s32 @!p0 $0xD000;
	s0 =	sand.u32 @!p0 $0x1FFFFC00, s0;
	s4 =	sadd.s32 @!p0 s5, s4  }
0xe6: {  	[tilespmem:s6], [sflag:$0x1] =	stream.linear.gather @!p0 [hbm4b:s4+s15], $0x1000, $0x38;
	[tilespmem:$0x16800] =	vst v63  }
0xe7: {  	s0 =	sadd.s32 @!p0 s5, s0;
	s4 =	simm.s32 @!p0 $0xE000  }
0xe8: {  	[tilespmem:s4], [sflag:$0x1] =	stream.linear.gather @!p0 [hbm4b:s0+s15], $0x1000, $0x38;
	[tilespmem:$0x16800] =	vst v63  }
0xe9: {  	_ =	swait.ge [sflag:s28], $0x1000  }
0xea: {  	[sflag:s28] =	ssyncset.done $0x0  }
0xeb: {  	[sflag:s28] =	ssyncadd.s32 $0xFFFFF000  }
0xec: {  	_ =	swait.ge [sflag:s28], $0x1000  }
0xed: {  	[sflag:s28] =	ssyncset.done $0x0  }
0xee: {  	[sflag:s28] =	ssyncadd.s32 $0xFFFFF000  }
0xef: {  	_ =	swait.ge [sflag:s28], $0x1000  }
0xf0: {  	[sflag:s28] =	ssyncset.done $0x0  }
0xf1: {  	[sflag:s28] =	ssyncadd.s32 $0xFFFFF000  }
0xf2: {  	_ =	swait.ge [sflag:s28], $0x1000  }
0xf3: {  	[sflag:s28] =	ssyncset.done $0x0  }
0xf4: {  	[sflag:s28] =	ssyncadd.s32 $0xFFFFF000  }
0xf5: {  	_ =	swait.ge [sflag:s28], $0x1000  }
0xf6: {  	[sflag:s28] =	ssyncset.done $0x0  }
0xf7: {  	[sflag:s28] =	ssyncadd.s32 $0xFFFFF000  }
0xf8: {  	_ =	swait.ge [sflag:s28], $0x1000  }
0xf9: {  	[sflag:s28] =	ssyncset.done $0x0  }
0xfa: {  	[sflag:s28] =	ssyncadd.s32 $0xFFFFF000  }
0xfb: {  	_ =	swait.ge [sflag:s28], $0x1000  }
0xfc: {  	[sflag:s28] =	ssyncset.done $0x0  }
0xfd: {  	[sflag:s28] =	ssyncadd.s32 $0xFFFFF000  }
0xfe: {  	_ =	swait.ge [sflag:s28], $0x1000  }
0xff: {  	[sflag:s28] =	ssyncset.done $0x0  }
0x100: {  	[sflag:s28] =	ssyncadd.s32 $0xFFFFF000  }
0x101: {  	_ =	swait.ge [sflag:s28], $0x1000  }
0x102: {  	[sflag:s28] =	ssyncset.done $0x0  }
0x103: {  	[sflag:s28] =	ssyncadd.s32 $0xFFFFF000  }
0x104: {  	_ =	swait.ge [sflag:s28], $0x1000  }
0x105: {  	[sflag:s28] =	ssyncset.done $0x0  }
0x106: {  	[sflag:s28] =	ssyncadd.s32 $0xFFFFF000  }
0x107: {  	_ =	swait.ge [sflag:s28], $0x1000  }
0x108: {  	[sflag:s28] =	ssyncset.done $0x0  }
0x109: {  	s14 =	simm.s32 $0x0;
	[sflag:s28] =	ssyncadd.s32 $0xFFFFF000  }
0x10a: {  	v12 =	vadd.f32 v12, v28;
	v35 =	vld [tilespmem:s14+$0x14010]  }
0x10b: {  	v14 =	vsel vm0, v24, v14;
	v36 =	vld [tilespmem:s14+$0x1010]  }
0x10c: {  	vm1 =	vgt.f32 v30, $0.0e+00;
	v5 =	vadd.f32 v5, v29;
	v12 =	vadd.f32 v34, v12;
	v24 =	vld [tilespmem:s14+$0x13010]  }
0x10d: {  	v25 =	vmin.f32 v15, v25;
	v30 =	vand.u32 $0x7FFFFFFF, v31;
	v10 =	vadd.f32 v21, v10;
	v28 =	vld [tilespmem:s14+$0x12010]  }
0x10e: {  	v8 =	vsel vm0, v13, v8;
	v22 =	vadd.f32 v22, v33;
	v12 =	vadd.f32 v19, v12;
	s15 =	simm.s32 $0x0;
	v29 =	vld [tilespmem:s14+$0x11010]  }
0x10f: {  	v26 =	vsel vm1, v32, v26;
	v31 =	vsel vm1, $0x3F800000, v0;
	vm0 =	vgt.f32 v5, $0.0e+00;
	s4 =	sand.u32 $0xFE0, s15;
	v21 =	vld [tilespmem:s14+$0x5000]  }
0x110: {  	v17 =	vadd.f32 v17, v22;
	v22 =	vmax.f32 v14, v4;
	v11 =	vadd.f32 v11, v12;
	v13 =	vld [tilespmem:s4+$0x12000]  }
0x111: {  	v3 =	vnsel vm0, $0x0, v3;
	v58 =	vsel vm0, $0x3F800000, v0;
	v4 =	vmin.f32 v8, v4;
	v19 =	vld [tilespmem:s14+$0x10010]  }
0x112: {  	v8 =	vsel vm1, v4, v8;
	v2 =	vadd.f32 v58, v2;
	v4 =	vadd.f32 v23, v11;
	v5 =	vld [tilespmem:s14+$0x1000]  }
0x113: {  	vm2 =	vgt.f32 v27, $0.0e+00;
	v14 =	vsel vm1, v22, v14;
	v1 =	vadd.f32 v3, v1;
	v12 =	vld [tilespmem:s14+$0xF010]  }
0x114: {  	v2 =	vadd.f32 v7, v2;
	v7 =	vsel vm1, v25, v15;
	vm0 =	vgt.f32 v4, $0.0e+00;
	v11 =	vld [tilespmem:s4+$0x10000]  }
0x115: {  	v1 =	vadd.f32 v6, v1;
	v23 =	vnsel vm1, $0x0, v30;
	v6 =	vsel vm0, $0x3F800000, v0;
	v3 =	vld [tilespmem:s14+$0x3000]  }
0x116: {  	vm1 =	vgt.f32 v17, $0.0e+00;
	v16 =	vnsel vm0, $0x0, v16;
	v2 =	vadd.f32 v6, v2;
	v4 =	vld [tilespmem:s4+$0xF000]  }
0x117: {  	v27 =	vsel vm2, $0x3F800000, v0;
	v17 =	vsel vm1, $0x3F800000, v0;
	v1 =	vadd.f32 v16, v1;
	v16 =	vld [tilespmem:s14+$0x5010]  }
0x118: {  	v10 =	vadd.f32 v27, v10;
	v25 =	vadd.f32 v17, v2;
	v17 =	vld [tilespmem:s14+$0x7010]  }
0x119: {  	v27 =	vnsel vm2, $0x0, v30;
	v20 =	vadd.f32 v23, v20;
	v23 =	vnsel vm1, $0x0, v30;
	v30 =	vld [tilespmem:s14+$0x7000]  }
0x11a: {  	v9 =	vadd.f32 v31, v9;
	v18 =	vadd.f32 v27, v18;
	v22 =	vld [tilespmem:s4+$0x11000]  }
0x11b: {  	v2 =	vadd.f32 v23, v1;
	v15 =	vld [tilespmem:s14+$0x3010];
	v12 =	vadd.f32 v19, v12  }
0x11c: {  	v6 =	vld [tilespmem:s14+$0x15010];
	v1 =	vmax.f32 v14, v5;
	vm0 =	vgt.f32 v21, $0.0e+00;
	v23 =	vsub.f32 v5, v3  }
0x11d: {  	s17 =	simm.s32 $0x20;
	v27 =	vld [tilespmem:s4+$0x14000];
	v11 =	vadd.f32 v11, v4;
	vm1 =	vgt.f32 v16, $0.0e+00;
	vm2 =	vgt.f32 v17, $0.0e+00  }
0x11e: {  	v31 =	vld [tilespmem:s17+$0x12010];
	vm3 =	vgt.f32 v30, $0.0e+00;
	v21 =	vsel vm0, $0x3F800000, v0;
	v59 =	vsel vm2, $0x3F800000, v0  }
0x11f: {  	s31 =	simm.s32 $0x20;
	v19 =	vld [tilespmem:s4+$0x13000];
	v12 =	vadd.f32 v29, v12;
	v29 =	vmax.f32 v26, v3;
	v3 =	vmin.f32 v7, v3  }
0x120: {  	s6 =	sand.u32 $0xFE0, s31;
	v4 =	vld [tilespmem:s17+$0x14010];
	v9 =	vadd.f32 v21, v9;
	v11 =	vadd.f32 v22, v11;
	v7 =	vsel vm0, v3, v7  }
0x121: {  	v30 =	vld [tilespmem:s6+$0x10000];
	v21 =	vsel vm0, v29, v26;
	v3 =	vadd.f32 v28, v12;
	v12 =	vsel vm0, v1, v14  }
0x122: {  	v26 =	vld [tilespmem:s17+$0x11010];
	v1 =	vmin.f32 v8, v5;
	v5 =	vsub.f32 v36, v15;
	v11 =	vadd.f32 v13, v11  }
0x123: {  	v14 =	vld [tilespmem:s4+$0x15000];
	v13 =	vsel vm1, $0x3F800000, v0;
	v8 =	vsel vm0, v1, v8;
	v3 =	vadd.f32 v24, v3  }
0x124: {  	v28 =	vld [tilespmem:s17+$0x13010];
	v16 =	vmin.f32 v8, v36;
	v22 =	vand.u32 $0x7FFFFFFF, v5;
	v11 =	vadd.f32 v19, v11  }
0x125: {  	v1 =	vld [tilespmem:s17+$0x1010];
	v60 =	vadd.f32 v13, v9;
	v29 =	vsel vm1, v16, v8;
	v8 =	vnsel vm1, $0x0, v22  }
0x126: {  	v24 =	vld [tilespmem:s17+$0x5000];
	v16 =	vmin.f32 v7, v15;
	v3 =	vadd.f32 v35, v3;
	v9 =	vadd.f32 v27, v11  }
0x127: {  	v5 =	vld [tilespmem:s6+$0x12000];
	v13 =	vsel vm1, v16, v7;
	v11 =	vmax.f32 v12, v36;
	v7 =	vand.u32 $0x7FFFFFFF, v23  }
0x128: {  	v19 =	vld [tilespmem:s17+$0x10010];
	v17 =	vnsel vm3, $0x0, v7;
	v3 =	vadd.f32 v6, v3;
	v6 =	vmax.f32 v21, v15  }
0x129: {  	v9 =	vadd.f32 v14, v9;
	v14 =	vnsel vm0, $0x0, v7;
	v6 =	vsel vm1, v6, v21;
	v21 =	vld [tilespmem:s17+$0xF010]  }
0x12a: {  	v16 =	vld [tilespmem:s6+$0x11000];
	v27 =	vsel vm1, v11, v12;
	v15 =	vnsel vm2, $0x0, v22;
	v12 =	vadd.f32 v14, v20  }
0x12b: {  	v14 =	vadd.f32 v17, v18;
	v18 =	vld [tilespmem:s17+$0x3000];
	vm0 =	vgt.f32 v24, $0.0e+00;
	vm2 =	vgt.f32 v3, $0.0e+00  }
0x12c: {  	vm1 =	vgt.f32 v9, $0.0e+00;
	v9 =	vsel vm3, $0x3F800000, v0;
	v3 =	vnsel vm2, $0x0, v22;
	v22 =	vld [tilespmem:s17+$0x1000]  }
0x12d: {  	v20 =	vld [tilespmem:s6+$0xF000];
	v62 =	vsel vm0, $0x3F800000, v0;
	v10 =	vadd.f32 v9, v10  }
0x12e: {  	v17 =	vld [tilespmem:s17+$0x3010];
	v11 =	vsel vm2, $0x3F800000, v0;
	v8 =	vadd.f32 v8, v12;
	v12 =	vadd.f32 v19, v21  }
0x12f: {  	v23 =	vld [tilespmem:s17+$0x7010];
	v9 =	vadd.f32 v15, v14;
	v10 =	vadd.f32 v59, v10;
	v21 =	vsel vm1, $0x3F800000, v0  }
0x130: {  	v24 =	vld [tilespmem:s17+$0x5010];
	v14 =	vmin.f32 v13, v18;
	v15 =	vadd.f32 v21, v25;
	v63 =	vadd.f32 v26, v12  }
0x131: {  	v19 =	vld [tilespmem:s17+$0x15010];
	v25 =	vmax.f32 v6, v18;
	v14 =	vsel vm0, v14, v13;
	v12 =	vsub.f32 v22, v18  }
0x132: {  	v21 =	vld [tilespmem:s6+$0x13000];
	v61 =	vmax.f32 v27, v22;
	v26 =	vadd.f32 v30, v20;
	v30 =	vadd.f32 v31, v63  }
0x133: {  	v18 =	vld [tilespmem:s6+$0x14000];
	v13 =	vsel vm0, v61, v27;
	v27 =	vsub.f32 v1, v17;
	v31 =	vmin.f32 v29, v22  }
0x134: {  	s0 =	simm.s32 $0x100;
	s14 =	simm.s32 $0x40;
	s4 =	simm.s32 $0x2;
	v20 =	vld [tilespmem:s17+$0x7000];
	v22 =	vadd.f32 v62, v60;
	v29 =	vsel vm0, v31, v29;
	v28 =	vadd.f32 v28, v30  }
.LBB2_5:
0x135: {  	s31 =	sshra.s32 s0, $0x2;
	s4 =	sadd.s32 $0x2, s4;
	v16 =	vadd.f32 v16, v26;
	v26 =	vld [tilespmem:s6+$0x15000];
	s6 =	sand.u32 $0xFE0, s14;
	vm2 =	vgt.f32 v24, $0.0e+00;
	v24 =	vmin.f32 v29, v1  }
0x136: {  	v6 =	vsel vm0, v25, v6;
	v25 =	vand.u32 $0x7FFFFFFF, v27;
	v30 =	vld [tilespmem:s31+$0x14010];
	p0 =	slt.u32 s4, $0xFE;
	v29 =	vsel vm2, v24, v29  }
0x137: {  	v4 =	vadd.f32 v4, v28;
	v27 =	vnsel vm2, $0x0, v25;
	v28 =	vmin.f32 v14, v17;
	v24 =	vld [tilespmem:s31+$0x1010]  }
0x138: {  	vm3 =	vgt.f32 v23, $0.0e+00;
	v23 =	vsel vm2, $0x3F800000, v0;
	v17 =	vmax.f32 v6, v17;
	v31 =	vld [tilespmem:s31+$0x13010]  }
0x139: {  	v33 =	vsel vm3, $0x3F800000, v0;
	v36 =	vadd.f32 v19, v4;
	v19 =	vnsel vm3, $0x0, v25;
	v32 =	vld [tilespmem:s31+$0x12010]  }
0x13a: {  	v15 =	vadd.f32 v11, v15;
	v16 =	vadd.f32 v5, v16;
	v6 =	vsel vm2, v17, v6;
	v34 =	vld [tilespmem:s31+$0x11010]  }
0x13b: {  	v7 =	vnsel vm1, $0x0, v7;
	v22 =	vadd.f32 v23, v22;
	vm3 =	vgt.f32 v36, $0.0e+00;
	v35 =	vld [tilespmem:s31+$0x5000];
	v4 =	vmovc v30  }
0x13c: {  	v14 =	vsel vm2, v28, v14;
	v11 =	vadd.f32 v21, v16;
	v16 =	vnsel vm3, $0x0, v25;
	v5 =	vld [tilespmem:s6+$0x12000]  }
0x13d: {  	v2 =	vadd.f32 v7, v2;
	v17 =	vmax.f32 v13, v1;
	v1 =	vmov v24;
	v21 =	vld [tilespmem:s31+$0x10010]  }
0x13e: {  	v7 =	vand.u32 $0x7FFFFFFF, v12;
	vm4 =	vgt.f32 v20, $0.0e+00;
	v11 =	vadd.f32 v18, v11;
	v28 =	vld [tilespmem:s31+$0x1000]  }
0x13f: {  	v13 =	vsel vm2, v17, v13;
	v2 =	vadd.f32 v3, v2;
	v18 =	vnsel vm4, $0x0, v7;
	v3 =	vmovc v16;
	v12 =	vld [tilespmem:s31+$0xF010]  }
0x140: {  	v17 =	vadd.f32 v26, v11;
	v11 =	vnsel vm0, $0x0, v7;
	v16 =	vld [tilespmem:s6+$0x11000]  }
0x141: {  	v9 =	vadd.f32 v18, v9;
	v8 =	vadd.f32 v11, v8;
	v11 =	vsel vm3, $0x3F800000, v0;
	v20 =	vld [tilespmem:s6+$0x10000]  }
0x142: {  	v23 =	vsel vm4, $0x3F800000, v0;
	vm1 =	vgt.f32 v17, $0.0e+00;
	v18 =	vld [tilespmem:s31+$0x3000]  }
0x143: {  	v9 =	vadd.f32 v19, v9;
	v8 =	vadd.f32 v27, v8;
	v26 =	vld [tilespmem:s6+$0xF000];
	v30 =	vmax.f32 v13, v28  }
0x144: {  	v10 =	vadd.f32 v23, v10;
	v17 =	vld [tilespmem:s31+$0x3010];
	v12 =	vadd.f32 v21, v12;
	v21 =	vsel vm1, $0x3F800000, v0  }
0x145: {  	vm0 =	vgt.f32 v35, $0.0e+00;
	v19 =	vld [tilespmem:s31+$0x15010];
	v15 =	vadd.f32 v21, v15  }
.Ltmp1:
0x146: {  	v10 =	vadd.f32 v33, v10;
	v35 =	vsel vm0, $0x3F800000, v0;
	v24 =	vld [tilespmem:s31+$0x5010];
	v27 =	vadd.f32 v34, v12;
	(pc) =	sbr.rel @p0 .LBB2_5-.Ltmp1, $4  }
0x147: {  	v12 =	vsub.f32 v28, v18;
	v25 =	vmax.f32 v6, v18;
	v18 =	vmin.f32 v14, v18;
	v23 =	vld [tilespmem:s31+$0x7010]  }
0x148: {  	v26 =	vadd.f32 v20, v26;
	v21 =	vld [tilespmem:s6+$0x13000];
	v14 =	vsel vm0, v18, v14;
	v32 =	vadd.f32 v32, v27  }
0x149: {  	v13 =	vsel vm0, v30, v13;
	v28 =	vmin.f32 v29, v28;
	v18 =	vld [tilespmem:s6+$0x14000];
	v27 =	vsub.f32 v1, v17  }
0x14a: {  	s0 =	sadd.s32 $0x80, s0;
	s14 =	sadd.s32 $0x20, s14;
	v22 =	vadd.f32 v35, v22;
	v29 =	vsel vm0, v28, v29;
	v20 =	vld [tilespmem:s31+$0x7000];
	v28 =	vadd.f32 v31, v32  }
0x14b: {  	v16 =	vadd.f32 v16, v26  }
0x14c: {  	vm2 =	vgt.f32 v24, $0.0e+00;
	v53 =	vmin.f32 v29, v1;
	v25 =	vsel vm0, v25, v6  }
0x14d: {  	v54 =	vand.u32 $0x7FFFFFFF, v27;
	v56 =	vmin.f32 v14, v17;
	v15 =	vadd.f32 v11, v15  }
0x14e: {  	v7 =	vnsel vm1, $0x0, v7;
	v63 =	vand.u32 $0x7FFFFFFF, v12;
	v1 =	vmax.f32 v13, v1  }
0x14f: {  	v6 =	vsel vm2, v53, v29;
	v4 =	vadd.f32 v4, v28;
	v5 =	vadd.f32 v5, v16  }
0x150: {  	v59 =	vld [tilespmem:s6+$0x15000];
	v55 =	vnsel vm2, $0x0, v54;
	vm3 =	vgt.f32 v23, $0.0e+00;
	v57 =	vsel vm2, $0x3F800000, v0  }
0x151: {  	v58 =	vmax.f32 v25, v17;
	v2 =	vadd.f32 v7, v2;
	v5 =	vadd.f32 v21, v5  }
0x152: {  	v7 =	vnsel vm0, $0x0, v63;
	v60 =	vnsel vm3, $0x0, v54;
	v11 =	vadd.f32 v57, v22  }
0x153: {  	v61 =	vsel vm3, $0x3F800000, v0;
	v8 =	vadd.f32 v7, v8;
	v5 =	vadd.f32 v18, v5  }
0x154: {  	v7 =	vsel vm2, v56, v14;
	v19 =	vadd.f32 v19, v4;
	vm14 =	vgt.f32 v20, $0.0e+00  }
0x155: {  	s29 =	sadd.s32 $0x1, s29;
	v4 =	vsel vm2, v58, v25;
	v12 =	vnsel vm14, $0x0, v63;
	v5 =	vadd.f32 v59, v5  }
0x156: {  	p0 =	sne.s32 s29, $0x6;
	v2 =	vadd.f32 v3, v2;
	vm13 =	vgt.f32 v19, $0.0e+00;
	v3 =	vadd.f32 v12, v9  }
.Ltmp2:
0x157: {  	v12 =	vadd.f32 v55, v8;
	vm15 =	vgt.f32 v5, $0.0e+00;
	v5 =	vsel vm14, $0x3F800000, v0;
	(pc) =	sbr.rel @p0 .LBB2_2-.Ltmp2, $4  }
0x158: {  	v5 =	vadd.f32 v5, v10;
	v8 =	vsel vm15, $0x3F800000, v0;
	v9 =	vnsel vm15, $0x0, v63  }
0x159: {  	v62 =	vnsel vm13, $0x0, v54;
	v14 =	vadd.f32 v8, v15;
	v15 =	vadd.f32 v9, v2  }
0x15a: {  	v10 =	vadd.f32 v60, v3;
	v2 =	vsel vm13, $0x3F800000, v0;
	v8 =	vadd.f32 v61, v5  }
0x15b: {  	v9 =	vsel vm2, v1, v13;
	v2 =	vadd.f32 v2, v14;
	v1 =	vadd.f32 v62, v15  }
0x15c: {  	[tilespmem:$0x16000] =	vst v12  }
0x15d: {  	[tilespmem:$0x16080] =	vst v11  }
0x15e: {  	[tilespmem:$0x16100] =	vst v10  }
0x15f: {  	[tilespmem:$0x16180] =	vst v8  }
0x160: {  	[tilespmem:$0x16300] =	vst v4  }
0x161: {  	[tilespmem:$0x16380] =	vst v9  }
0x162: {  	[tilespmem:$0x16400] =	vst v7  }
0x163: {  	[tilespmem:$0x16480] =	vst v6  }
0x164: {  	s29 =	simm.s32 $0x0;
	[tilespmem:$0x16200] =	vst v1  }
0x165: {  	s0 =	rddreg [dreg:$0x8];
	s4 =	simm.s32 $0x16000;
	s17 =	simm.s32 $0x3;
	[tilespmem:$0x16280] =	vst v2  }
0x166: {  	[hbm4b:s0+s29] =	stream.linear.scatter [tilespmem:s4], [sflag:$0x3], $0x500, $0x38;
	[tilespmem:$0x16800] =	vst v63  }
0x167: {  	_ =	swait.ge [sflag:s17], $0x500  }
0x168: {  	s6 =	rddreg [dreg:$0x13]  }
0x169: {  	s31 =	rddreg [dreg:$0x12];
	s6 =	sadd.s32 $0x1, s6  }
0x16a: {  	p0 =	sne.s32 s6, s31  }
.Ltmp3:
0x16b: {  	_ = 	snop;
	(pc) =	sbr.rel @p0 .LBB2_1-.Ltmp3, $3  }
0x16c: {  	_ =	sdelay $0x1  }
0x16d: {  	[sflag:s17] =	ssyncset.done $0x0  }
0x16e: {  	[sflag:s17] =	ssyncadd.s32 $0xFFFFFB00  }
0x16f: {  	_ =	sfence.sel $0x180000  }
0x170: {  	[bflag:$0x0] =	sbarrier.arrive $0xFFFF  }
0x171: {  	_ =	strace $0x90000047  }
0x172: {  	s0 =	stileid.u32;
	[bflag:$0x2] =	sbarrier.arrive $0xFFFF  }
0x173: {  	p0 =	sne.s32 s0, $0x0;
	s0 =	rddreg [dreg:$0x5]  }
0x174: {  	s0 =	sadd.s32 @!p0 $0x100000, s0  }
0x175: {  	[sflag:s0] =	ssyncadd.tile.s32 @!p0 $0x1;
	_ =	shalt  }
.Lfunc_end2:
_tile_overlayer_lowered:
.L_overlay_start_2:
0x176: {  	(tag) =	ssettag $0x2  }
0x177: {  	s0 =	rddreg [dreg:$0x0];
	s2 =	stileid.u32  }
0x178: {  	s1 =	rddreg [dreg:$0x1];
	p0 =	sne.s32 s2, $0x0  }
0x179: {  	s3 =	rddreg [dreg:$0x2];
	[bflag:$0x3] =	sbarrier.arrive $0xFFFF;
	s2 =	simm.s32 @!p0 $0x1C03  }
0x17a: {  	[timem:s3], [sflag:s2] =	dma.local @!p0 [hbm:s0], s1  }
0x17b: {  	s0 =	simm.s32 @!p0 $0x3  }
0x17c: {  	_ =	swait.ge @!p0 [sflag:s0], s1  }
0x17d: {  	s1 =	ssub.s32 @!p0 $0x0, s1;
	[sflag:s0] =	ssyncset.done @!p0 $0x0  }
0x17e: {  	[sflag:s0] =	ssyncadd.s32 @!p0 s1  }
0x17f: {  	[bflag:$0x3] =	sbarrier.arrive $0xFFFF  }
0x180: {  	_ =	shalt  }

</sc_bundles>
